<compile_context>
chip_gen: v7x
topology: tpu7x:2x2x1
jax: 0.10.2.dev20260603
libtpu: 0.0.44.dev20260713+nightly
codegen_flags: <defaults>
</compile_context>

<pallas_src>
import functools

import jax
import jax.numpy as jnp
from jax.experimental import pallas as pl
from jax.experimental.pallas import tpu as pltpu

EPS = 1e-6
KGF = 20
_INF = float("inf")



def _select_topk_cols(dist, k):
    bm, n = dist.shape
    iota = jax.lax.broadcasted_iota(jnp.int32, (bm, n), 1)
    idxs = []
    vals = []
    for _ in range(k):
        mv = jnp.min(dist, axis=1, keepdims=True)
        aj = jnp.min(jnp.where(dist == mv, iota, n), axis=1)
        idxs.append(aj)
        vals.append(mv[:, 0])
        dist = jnp.where(iota == aj[:, None], _INF, dist)
    return idxs, vals


def _sel_topk_kernel(dist_ref, idx_ref, *, k):
    idxs, _ = _select_topk_cols(dist_ref[...], k)
    idx_ref[...] = jnp.stack(idxs, axis=1)


def _sel_topk(dist, k):
    m, n = dist.shape
    bm = min(m, 512)
    return pl.pallas_call(
        functools.partial(_sel_topk_kernel, k=k),
        grid=(m // bm,),
        in_specs=[pl.BlockSpec((bm, n), lambda i: (i, 0))],
        out_specs=pl.BlockSpec((bm, k), lambda i: (i, 0)),
        out_shape=jax.ShapeDtypeStruct((m, k), jnp.int32),
    )(dist)


def _topk_mm(f, k):
    inner = f @ f.T
    sq = (f * f).sum(-1)
    dist = sq[:, None] - 2.0 * inner + sq[None, :]
    return _sel_topk(dist, k)


def _topk_xyz(q, r, k):
    dist = ((q[:, None, :] - r[None, :, :]) ** 2).sum(-1)
    return _sel_topk(dist, k)


def _sel_topk3v_kernel(dist_ref, idx_ref, d_ref):
    idxs, vals = _select_topk_cols(dist_ref[...], 3)
    idx_ref[...] = jnp.stack(idxs, axis=1)
    d_ref[...] = jnp.stack(vals, axis=1)


def _interp_nn3(p_dst, p_src):
    dist = ((p_dst[:, None, :] - p_src[None, :, :]) ** 2).sum(-1)
    m, n = dist.shape
    bm = min(m, 256)
    return pl.pallas_call(
        _sel_topk3v_kernel,
        grid=(m // bm,),
        in_specs=[pl.BlockSpec((bm, n), lambda i: (i, 0))],
        out_specs=[pl.BlockSpec((bm, 3), lambda i: (i, 0)),
                   pl.BlockSpec((bm, 3), lambda i: (i, 0))],
        out_shape=[jax.ShapeDtypeStruct((m, 3), jnp.int32),
                   jax.ShapeDtypeStruct((m, 3), jnp.float32)],
    )(dist)



def _fps_kernel(pt_ref, ps_ref, sel_ref, *, m, n):
    ns = n // 128
    ms = m // 128
    px = pt_ref[0]
    py = pt_ref[1]
    pz = pt_ref[2]
    ii = (jax.lax.broadcasted_iota(jnp.int32, (ns, 128), 0) * 128
          + jax.lax.broadcasted_iota(jnp.int32, (ns, 128), 1))
    oi = (jax.lax.broadcasted_iota(jnp.int32, (ms, 128), 0) * 128
          + jax.lax.broadcasted_iota(jnp.int32, (ms, 128), 1))

    def body(i, st):
        dists, last, sel = st
        lx = ps_ref[0, last]
        ly = ps_ref[1, last]
        lz = ps_ref[2, last]
        dxx = px - lx
        dyy = py - ly
        dzz = pz - lz
        d = (dxx * dxx + dyy * dyy) + dzz * dzz
        dists = jnp.minimum(dists, d)
        mx = jnp.max(dists)
        nxt = jnp.min(jnp.where(dists == mx, ii, n))
        sel = jnp.where(oi == i, nxt, sel)
        return (dists, nxt, sel)

    init = (jnp.full((ns, 128), _INF), jnp.int32(0),
            jnp.zeros((ms, 128), jnp.int32))
    _, _, sel = jax.lax.fori_loop(1, m, body, init)
    sel_ref[...] = sel


def _fps_dmat_kernel(p_ref, pt_ref, sel_ref, d_ref, *, m, n):
    pv = p_ref[...]
    pt = pt_ref[...]
    dx = pv[:, 0:1] - pt[0:1, :]
    dy = pv[:, 1:2] - pt[1:2, :]
    dz = pv[:, 2:3] - pt[2:3, :]
    d_ref[...] = (dx * dx + dy * dy) + dz * dz
    ii = jax.lax.broadcasted_iota(jnp.int32, (1, n), 1)
    oi = jax.lax.broadcasted_iota(jnp.int32, (1, m), 1)

    def body(i, st):
        dists, last, sel = st
        dists = jnp.minimum(dists, d_ref[pl.ds(last, 1), :])
        mx = jnp.max(dists)
        nxt = jnp.min(jnp.where(dists == mx, ii, n))
        sel = jnp.where(oi == i, nxt, sel)
        return (dists, nxt, sel)

    init = (jnp.full((1, n), _INF), jnp.int32(0), jnp.zeros((1, m), jnp.int32))
    _, _, sel = jax.lax.fori_loop(1, m, body, init)
    sel_ref[...] = sel


def _fps_points(p, m):
    n = p.shape[0]
    if n <= 2048:
        sel = pl.pallas_call(
            functools.partial(_fps_dmat_kernel, m=m, n=n),
            out_shape=jax.ShapeDtypeStruct((1, m), jnp.int32),
            scratch_shapes=[pltpu.VMEM((n, n), jnp.float32)],
        )(p, p.T)
        return p[sel.reshape(m)]
    pt = p.T.reshape(3, n // 128, 128)
    sel = pl.pallas_call(
        functools.partial(_fps_kernel, m=m, n=n),
        in_specs=[pl.BlockSpec(memory_space=pltpu.MemorySpace.VMEM),
                  pl.BlockSpec(memory_space=pltpu.MemorySpace.SMEM)],
        out_shape=jax.ShapeDtypeStruct((m // 128, 128), jnp.int32),
    )(pt, p.T)
    return p[sel.reshape(m)]



def _vn_batchnorm(x):
    norm = jnp.linalg.norm(x, axis=2) + EPS
    axes = (0,) + tuple(range(2, norm.ndim))
    mean = norm.mean(axis=axes, keepdims=True)
    var = norm.var(axis=axes, keepdims=True)
    norm_bn = (norm - mean) / jnp.sqrt(var + 1e-5)
    return x / jnp.expand_dims(norm, 2) * jnp.expand_dims(norm_bn, 2)


def _vnllr(x, Wf, Wd, negative_slope=0.2):
    p = jnp.einsum('oc,bc...->bo...', Wf, x)
    p = _vn_batchnorm(p)
    d = jnp.einsum('oc,bc...->bo...', Wd, x)
    dot = (p * d).sum(axis=2, keepdims=True)
    mask = (dot >= 0).astype(x.dtype)
    dns = (d * d).sum(axis=2, keepdims=True)
    return negative_slope * p + (1.0 - negative_slope) * (
        mask * p + (1.0 - mask) * (p - (dot / (dns + EPS)) * d))



def _graph_feature(x, k=KGF):
    b, c, _, n = x.shape
    ft = x.reshape(c * 3, n)
    f = ft.T
    idx = _topk_mm(f, k)
    feat_t = jnp.transpose(f[idx], (2, 0, 1))
    xc_t = ft[:, :, None]
    diff = (feat_t - xc_t).reshape(c, 3, n, k)
    xcb = jnp.broadcast_to(xc_t, (c * 3, n, k)).reshape(c, 3, n, k)
    return jnp.concatenate([diff, xcb], axis=0)[None]


def _knn_group(nsample, p, n_p, x):
    idx = _topk_xyz(n_p, p, nsample)
    c, _, n = x.shape
    m = idx.shape[0]
    fr = x.reshape(c * 3, n).T
    g = fr[idx.reshape(-1)]
    return jnp.transpose(g.reshape(m, nsample, c * 3),
                         (2, 0, 1)).reshape(c, 3, m, nsample)[None]


def _interpolation(p_src, p_dst, feat):
    idx, dd = _interp_nn3(p_dst, p_src)
    recip = 1.0 / (jnp.maximum(dd, 0.0) + 1e-8)
    w = recip / recip.sum(-1, keepdims=True)
    c, _, n_src = feat.shape
    m = idx.shape[0]
    fr = feat.reshape(c * 3, n_src).T
    g = fr[idx.reshape(-1)]
    f = jnp.transpose(g.reshape(m, 3, c * 3), (2, 0, 1)).reshape(c, 3, m, 3)
    return (f * w[None, None, :, :]).sum(-1)


def _transition_down(p, xf, Wf, Wd, stride, nsample):
    m = p.shape[0] // stride
    n_p = _fps_points(p, m)
    g = _knn_group(nsample, p, n_p, xf)
    h = _vnllr(g, Wf, Wd)
    return n_p, h.mean(-1)


def _transition_up(pA, xA, pB, xB, Wf1, Wd1, Wf2, Wd2):
    a = _vnllr(xA, Wf1, Wd1)
    b = _vnllr(xB, Wf2, Wd2)[0]
    return a + _interpolation(pB, pA, b)[None]


def _forward(x, params):
    P = params
    xt = jnp.transpose(x, (0, 2, 1))
    p1 = x[0]
    x1 = xt[:, None, :, :]
    x1 = _vnllr(_graph_feature(x1), P['conv1_Wf'], P['conv1_Wd']).mean(-1)
    p2, x2 = _transition_down(p1, x1[0], P['ds1_Wf'], P['ds1_Wd'], 2, 16)
    x2 = _vnllr(_graph_feature(x2), P['conv2_Wf'], P['conv2_Wd']).mean(-1)
    p3, x3 = _transition_down(p2, x2[0], P['ds2_Wf'], P['ds2_Wd'], 2, 16)
    x3 = _vnllr(_graph_feature(x3), P['conv3_Wf'], P['conv3_Wd']).mean(-1)
    p4, x4 = _transition_down(p3, x3[0], P['ds3_Wf'], P['ds3_Wd'], 2, 16)
    x4 = _vnllr(_graph_feature(x4), P['conv4_Wf'], P['conv4_Wd']).mean(-1)
    x4 = _vnllr(_graph_feature(x4), P['conv5_Wf'], P['conv5_Wd']).mean(-1)
    x5 = _transition_up(p3, x3, p4, x4, P['up1_m1_Wf'], P['up1_m1_Wd'],
                        P['up1_m2_Wf'], P['up1_m2_Wd'])
    x5 = _vnllr(_graph_feature(x5), P['conv6_Wf'], P['conv6_Wd']).mean(-1)
    x6 = _transition_up(p2, x2, p3, x5, P['up2_m1_Wf'], P['up2_m1_Wd'],
                        P['up2_m2_Wf'], P['up2_m2_Wd'])
    x6 = _vnllr(_graph_feature(x6), P['conv7_Wf'], P['conv7_Wd']).mean(-1)
    x7 = _transition_up(p1, x1, p2, x6, P['up3_m1_Wf'], P['up3_m1_Wd'],
                        P['up3_m2_Wf'], P['up3_m2_Wd'])
    x7 = _vnllr(_graph_feature(x7), P['conv8_Wf'], P['conv8_Wd']).mean(-1)
    return _vnllr(x7, P['conv9_Wf'], P['conv9_Wd'])


def kernel(x, params):
    return _forward(x, params)

# --- scband reference (transcript-rebuilt; emitter-appended) ---
"""Pipeline reference for scband-eqcnn-unet-39728447488680 (READ-ONLY COPY).

The authoritative reference and input builder live on the scoring server;
editing this copy changes nothing except your own understanding.
"""

import jax, jax.numpy as jnp
import numpy as np

EPS = 1e-6
K = 20

def vn_batchnorm(x):
    norm = jnp.linalg.norm(x, axis=2) + EPS
    axes = (0,) + tuple(range(2, norm.ndim))
    mean = norm.mean(axis=axes, keepdims=True)
    var = norm.var(axis=axes, keepdims=True)
    norm_bn = (norm - mean) / jnp.sqrt(var + 1e-5)
    return x / jnp.expand_dims(norm, 2) * jnp.expand_dims(norm_bn, 2)

def vnllr(x, Wf, Wd, negative_slope=0.2):
    p = jnp.einsum('oc,bc...->bo...', Wf, x)
    p = vn_batchnorm(p)
    d = jnp.einsum('oc,bc...->bo...', Wd, x)
    dot = (p * d).sum(axis=2, keepdims=True)
    mask = (dot >= 0).astype(x.dtype)
    dns = (d * d).sum(axis=2, keepdims=True)
    return negative_slope * p + (1.0 - negative_slope) * (mask * p + (1.0 - mask) * (p - (dot / (dns + EPS)) * d))

def get_graph_feature(x, k=K):
    B, C, _, N = x.shape
    f = x.reshape(C * 3, N).T
    inner = f @ f.T
    sq = (f * f).sum(-1)
    dist = sq[:, None] - 2.0 * inner + sq[None, :]
    _, idx = jax.lax.top_k(-dist, k)
    feat = f[idx].reshape(N, k, C, 3)
    xc = f.reshape(N, 1, C, 3)
    out = jnp.concatenate([feat - xc, jnp.broadcast_to(xc, (N, k, C, 3))], axis=2)
    return jnp.transpose(out, (2, 3, 0, 1))[None]

def fps(p, m):
    N = p.shape[0]
    def body(i, state):
        dists, last, sel = state
        d = ((p - p[last]) ** 2).sum(-1)
        dists = jnp.minimum(dists, d)
        nxt = jnp.argmax(dists).astype(jnp.int32)
        sel = sel.at[i].set(nxt)
        return (dists, nxt, sel)
    sel0 = jnp.zeros((m,), jnp.int32)
    dists, last, sel = jax.lax.fori_loop(1, m, body, (jnp.full((N,), jnp.inf), jnp.int32(0), sel0))
    return sel

def knn_group(nsample, p, n_p, x):
    dist = ((n_p[:, None, :] - p[None, :, :]) ** 2).sum(-1)
    _, idx = jax.lax.top_k(-dist, nsample)
    return x[:, :, idx][None]

def interpolation(p_src, p_dst, feat):
    dist = ((p_dst[:, None, :] - p_src[None, :, :]) ** 2).sum(-1)
    negd, idx = jax.lax.top_k(-dist, 3)
    recip = 1.0 / (jnp.maximum(-negd, 0.0) + 1e-8)
    w = recip / recip.sum(-1, keepdims=True)
    f = feat[:, :, idx]
    return (f * w[None, None, :, :]).sum(-1)

def transition_down(p, xf, Wf, Wd, stride, nsample):
    m = p.shape[0] // stride
    idx = fps(p, m)
    n_p = p[idx]
    g = knn_group(nsample, p, n_p, xf)
    h = vnllr(g, Wf, Wd)
    return n_p, h.mean(-1)

def transition_up(pA, xA, pB, xB, Wf1, Wd1, Wf2, Wd2):
    a = vnllr(xA, Wf1, Wd1)
    b = vnllr(xB, Wf2, Wd2)[0]
    return a + interpolation(pB, pA, b)[None]

def forward(x, params):
    P = params
    xt = jnp.transpose(x, (0, 2, 1))
    p1 = x[0]
    x1 = xt[:, None, :, :]
    x1 = vnllr(get_graph_feature(x1), P['conv1_Wf'], P['conv1_Wd']).mean(-1)
    p2, x2 = transition_down(p1, x1[0], P['ds1_Wf'], P['ds1_Wd'], 2, 16)
    x2 = vnllr(get_graph_feature(x2), P['conv2_Wf'], P['conv2_Wd']).mean(-1)
    p3, x3 = transition_down(p2, x2[0], P['ds2_Wf'], P['ds2_Wd'], 2, 16)
    x3 = vnllr(get_graph_feature(x3), P['conv3_Wf'], P['conv3_Wd']).mean(-1)
    p4, x4 = transition_down(p3, x3[0], P['ds3_Wf'], P['ds3_Wd'], 2, 16)
    x4 = vnllr(get_graph_feature(x4), P['conv4_Wf'], P['conv4_Wd']).mean(-1)
    x4 = vnllr(get_graph_feature(x4), P['conv5_Wf'], P['conv5_Wd']).mean(-1)
    x5 = transition_up(p3, x3, p4, x4, P['up1_m1_Wf'], P['up1_m1_Wd'], P['up1_m2_Wf'], P['up1_m2_Wd'])
    x5 = vnllr(get_graph_feature(x5), P['conv6_Wf'], P['conv6_Wd']).mean(-1)
    x6 = transition_up(p2, x2, p3, x5, P['up2_m1_Wf'], P['up2_m1_Wd'], P['up2_m2_Wf'], P['up2_m2_Wd'])
    x6 = vnllr(get_graph_feature(x6), P['conv7_Wf'], P['conv7_Wd']).mean(-1)
    x7 = transition_up(p1, x1, p2, x6, P['up3_m1_Wf'], P['up3_m1_Wd'], P['up3_m2_Wf'], P['up3_m2_Wd'])
    x7 = vnllr(get_graph_feature(x7), P['conv8_Wf'], P['conv8_Wd']).mean(-1)
    return vnllr(x7, P['conv9_Wf'], P['conv9_Wd'])

_SPECS = [('conv1', 2, 21, False), ('ds1', 21, 21, False), ('conv2', 42, 42, False), ('ds2', 42, 42, False),
          ('conv3', 84, 85, False), ('ds3', 85, 85, False), ('conv4', 170, 170, False), ('conv5', 340, 170, False),
          ('up1_m1', 85, 85, False), ('up1_m2', 170, 85, False), ('conv6', 170, 85, False),
          ('up2_m1', 42, 42, False), ('up2_m2', 85, 42, False), ('conv7', 84, 42, False),
          ('up3_m1', 21, 21, False), ('up3_m2', 42, 21, False), ('conv8', 42, 21, False),
          ('conv9', 21, 21, True)]

def setup_inputs(seed: int = 0):
    key = jax.random.key(seed)
    N = 4096
    ks = jax.random.split(key, 40)
    params = {}
    for j, (name, ci, co, share) in enumerate(_SPECS):
        params[name + '_Wf'] = jax.random.normal(ks[2 * j], (co, ci), dtype=jnp.float32) / np.sqrt(ci)
        od = 1 if share else co
        params[name + '_Wd'] = jax.random.normal(ks[2 * j + 1], (od, ci), dtype=jnp.float32) / np.sqrt(ci)
    x = jax.random.normal(ks[36], (1, N, 3), dtype=jnp.float32)
    return {'x': x, 'params': params}

def reference(x, params):
    return forward(x, params)

if __name__ == "__main__":
    import jax
    _d = setup_inputs()
    print(jax.jit(kernel)(*tuple(_d.values())))

</pallas_src>

<mosaic_0001>
module attributes {stable_mosaic.version = 14 : i64} {
  func.func @_sel_topk_kernel(%arg0: i32, %arg1: memref<512x4096xf32, #tpu.memory_space<vmem>>, %arg2: memref<512x20xi32, #tpu.memory_space<vmem>>) attributes {dimension_semantics = [#tpu.dimension_semantics<arbitrary>], iteration_bounds = array<i64: 8>, scalar_prefetch = 0 : i64, scratch_operands = 0 : i64, tpu.core_type = #tpu.core_type<tc>, window_params = [{transform_indices = @transform_0, window_bounds = array<i64: 512, 4096>}, {transform_indices = @transform_1, window_bounds = array<i64: 512, 20>}]} {
    %get3A = arith.constant 0 : index
    %get3A_0 = arith.constant 0 : index
    %get3A_1 = vector.load %arg1[%get3A, %get3A_0] : memref<512x4096xf32, #tpu.memory_space<vmem>>, vector<512x4096xf32>
    %iota3A = tpu.iota {dimensions = array<i32: 1>} : vector<512x4096xi32>
    %reduce_min3A = arith.constant dense<0x7F800000> : vector<512xf32>
    %reduce_min3A_2 = vector.multi_reduction <minimumf>, %get3A_1, %reduce_min3A [1] : vector<512x4096xf32> to vector<512xf32>
    %broadcast_in_dim3A = vector.shape_cast %reduce_min3A_2 : vector<512xf32> to vector<512x1xf32>
    %eq3A = vector.broadcast %broadcast_in_dim3A : vector<512x1xf32> to vector<512x4096xf32>
    %eq3A_3 = arith.cmpf oeq, %get3A_1, %eq3A : vector<512x4096xf32>
    %jit3A = arith.constant 4096 : i32
    %broadcast_in_dim3A_4 = vector.broadcast %jit3A : i32 to vector<512x4096xi32>
    %select_n3A = arith.select %eq3A_3, %iota3A, %broadcast_in_dim3A_4 : vector<512x4096xi1>, vector<512x4096xi32>
    %reduce_min3A_5 = arith.constant dense<2147483647> : vector<512xi32>
    %reduce_min3A_6 = vector.multi_reduction <minsi>, %select_n3A, %reduce_min3A_5 [1] : vector<512x4096xi32> to vector<512xi32>
    %broadcast_in_dim3A_7 = vector.shape_cast %reduce_min3A_6 : vector<512xi32> to vector<512x1xi32>
    %eq3A_8 = vector.broadcast %broadcast_in_dim3A_7 : vector<512x1xi32> to vector<512x4096xi32>
    %eq3A_9 = arith.cmpi eq, %iota3A, %eq3A_8 : vector<512x4096xi32>
    %jit3A_10 = arith.constant 0x7F800000 : f32
    %broadcast_in_dim3A_11 = vector.broadcast %jit3A_10 : f32 to vector<512x4096xf32>
    %select_n3A_12 = arith.select %eq3A_9, %broadcast_in_dim3A_11, %get3A_1 : vector<512x4096xi1>, vector<512x4096xf32>
    %reduce_min3A_13 = arith.constant dense<0x7F800000> : vector<512xf32>
    %reduce_min3A_14 = vector.multi_reduction <minimumf>, %select_n3A_12, %reduce_min3A_13 [1] : vector<512x4096xf32> to vector<512xf32>
    %broadcast_in_dim3A_15 = vector.shape_cast %reduce_min3A_14 : vector<512xf32> to vector<512x1xf32>
    %eq3A_16 = vector.broadcast %broadcast_in_dim3A_15 : vector<512x1xf32> to vector<512x4096xf32>
    %eq3A_17 = arith.cmpf oeq, %select_n3A_12, %eq3A_16 : vector<512x4096xf32>
    %jit3A_18 = arith.constant 4096 : i32
    %broadcast_in_dim3A_19 = vector.broadcast %jit3A_18 : i32 to vector<512x4096xi32>
    %select_n3A_20 = arith.select %eq3A_17, %iota3A, %broadcast_in_dim3A_19 : vector<512x4096xi1>, vector<512x4096xi32>
    %reduce_min3A_21 = arith.constant dense<2147483647> : vector<512xi32>
    %reduce_min3A_22 = vector.multi_reduction <minsi>, %select_n3A_20, %reduce_min3A_21 [1] : vector<512x4096xi32> to vector<512xi32>
    %broadcast_in_dim3A_23 = vector.shape_cast %reduce_min3A_22 : vector<512xi32> to vector<512x1xi32>
    %eq3A_24 = vector.broadcast %broadcast_in_dim3A_23 : vector<512x1xi32> to vector<512x4096xi32>
    %eq3A_25 = arith.cmpi eq, %iota3A, %eq3A_24 : vector<512x4096xi32>
    %jit3A_26 = arith.constant 0x7F800000 : f32
    %broadcast_in_dim3A_27 = vector.broadcast %jit3A_26 : f32 to vector<512x4096xf32>
    %select_n3A_28 = arith.select %eq3A_25, %broadcast_in_dim3A_27, %select_n3A_12 : vector<512x4096xi1>, vector<512x4096xf32>
    %reduce_min3A_29 = arith.constant dense<0x7F800000> : vector<512xf32>
    %reduce_min3A_30 = vector.multi_reduction <minimumf>, %select_n3A_28, %reduce_min3A_29 [1] : vector<512x4096xf32> to vector<512xf32>
    %broadcast_in_dim3A_31 = vector.shape_cast %reduce_min3A_30 : vector<512xf32> to vector<512x1xf32>
    %eq3A_32 = vector.broadcast %broadcast_in_dim3A_31 : vector<512x1xf32> to vector<512x4096xf32>
    %eq3A_33 = arith.cmpf oeq, %select_n3A_28, %eq3A_32 : vector<512x4096xf32>
    %jit3A_34 = arith.constant 4096 : i32
    %broadcast_in_dim3A_35 = vector.broadcast %jit3A_34 : i32 to vector<512x4096xi32>
    %select_n3A_36 = arith.select %eq3A_33, %iota3A, %broadcast_in_dim3A_35 : vector<512x4096xi1>, vector<512x4096xi32>
    %reduce_min3A_37 = arith.constant dense<2147483647> : vector<512xi32>
    %reduce_min3A_38 = vector.multi_reduction <minsi>, %select_n3A_36, %reduce_min3A_37 [1] : vector<512x4096xi32> to vector<512xi32>
    %broadcast_in_dim3A_39 = vector.shape_cast %reduce_min3A_38 : vector<512xi32> to vector<512x1xi32>
    %eq3A_40 = vector.broadcast %broadcast_in_dim3A_39 : vector<512x1xi32> to vector<512x4096xi32>
    %eq3A_41 = arith.cmpi eq, %iota3A, %eq3A_40 : vector<512x4096xi32>
    %jit3A_42 = arith.constant 0x7F800000 : f32
    %broadcast_in_dim3A_43 = vector.broadcast %jit3A_42 : f32 to vector<512x4096xf32>
    %select_n3A_44 = arith.select %eq3A_41, %broadcast_in_dim3A_43, %select_n3A_28 : vector<512x4096xi1>, vector<512x4096xf32>
    %reduce_min3A_45 = arith.constant dense<0x7F800000> : vector<512xf32>
    %reduce_min3A_46 = vector.multi_reduction <minimumf>, %select_n3A_44, %reduce_min3A_45 [1] : vector<512x4096xf32> to vector<512xf32>
    %broadcast_in_dim3A_47 = vector.shape_cast %reduce_min3A_46 : vector<512xf32> to vector<512x1xf32>
    %eq3A_48 = vector.broadcast %broadcast_in_dim3A_47 : vector<512x1xf32> to vector<512x4096xf32>
    %eq3A_49 = arith.cmpf oeq, %select_n3A_44, %eq3A_48 : vector<512x4096xf32>
    %jit3A_50 = arith.constant 4096 : i32
    %broadcast_in_dim3A_51 = vector.broadcast %jit3A_50 : i32 to vector<512x4096xi32>
    %select_n3A_52 = arith.select %eq3A_49, %iota3A, %broadcast_in_dim3A_51 : vector<512x4096xi1>, vector<512x4096xi32>
    %reduce_min3A_53 = arith.constant dense<2147483647> : vector<512xi32>
    %reduce_min3A_54 = vector.multi_reduction <minsi>, %select_n3A_52, %reduce_min3A_53 [1] : vector<512x4096xi32> to vector<512xi32>
    %broadcast_in_dim3A_55 = vector.shape_cast %reduce_min3A_54 : vector<512xi32> to vector<512x1xi32>
    %eq3A_56 = vector.broadcast %broadcast_in_dim3A_55 : vector<512x1xi32> to vector<512x4096xi32>
    %eq3A_57 = arith.cmpi eq, %iota3A, %eq3A_56 : vector<512x4096xi32>
    %jit3A_58 = arith.constant 0x7F800000 : f32
    %broadcast_in_dim3A_59 = vector.broadcast %jit3A_58 : f32 to vector<512x4096xf32>
    %select_n3A_60 = arith.select %eq3A_57, %broadcast_in_dim3A_59, %select_n3A_44 : vector<512x4096xi1>, vector<512x4096xf32>
    %reduce_min3A_61 = arith.constant dense<0x7F800000> : vector<512xf32>
    %reduce_min3A_62 = vector.multi_reduction <minimumf>, %select_n3A_60, %reduce_min3A_61 [1] : vector<512x4096xf32> to vector<512xf32>
    %broadcast_in_dim3A_63 = vector.shape_cast %reduce_min3A_62 : vector<512xf32> to vector<512x1xf32>
    %eq3A_64 = vector.broadcast %broadcast_in_dim3A_63 : vector<512x1xf32> to vector<512x4096xf32>
    %eq3A_65 = arith.cmpf oeq, %select_n3A_60, %eq3A_64 : vector<512x4096xf32>
    %jit3A_66 = arith.constant 4096 : i32
    %broadcast_in_dim3A_67 = vector.broadcast %jit3A_66 : i32 to vector<512x4096xi32>
    %select_n3A_68 = arith.select %eq3A_65, %iota3A, %broadcast_in_dim3A_67 : vector<512x4096xi1>, vector<512x4096xi32>
    %reduce_min3A_69 = arith.constant dense<2147483647> : vector<512xi32>
    %reduce_min3A_70 = vector.multi_reduction <minsi>, %select_n3A_68, %reduce_min3A_69 [1] : vector<512x4096xi32> to vector<512xi32>
    %broadcast_in_dim3A_71 = vector.shape_cast %reduce_min3A_70 : vector<512xi32> to vector<512x1xi32>
    %eq3A_72 = vector.broadcast %broadcast_in_dim3A_71 : vector<512x1xi32> to vector<512x4096xi32>
    %eq3A_73 = arith.cmpi eq, %iota3A, %eq3A_72 : vector<512x4096xi32>
    %jit3A_74 = arith.constant 0x7F800000 : f32
    %broadcast_in_dim3A_75 = vector.broadcast %jit3A_74 : f32 to vector<512x4096xf32>
    %select_n3A_76 = arith.select %eq3A_73, %broadcast_in_dim3A_75, %select_n3A_60 : vector<512x4096xi1>, vector<512x4096xf32>
    %reduce_min3A_77 = arith.constant dense<0x7F800000> : vector<512xf32>
    %reduce_min3A_78 = vector.multi_reduction <minimumf>, %select_n3A_76, %reduce_min3A_77 [1] : vector<512x4096xf32> to vector<512xf32>
    %broadcast_in_dim3A_79 = vector.shape_cast %reduce_min3A_78 : vector<512xf32> to vector<512x1xf32>
    %eq3A_80 = vector.broadcast %broadcast_in_dim3A_79 : vector<512x1xf32> to vector<512x4096xf32>
    %eq3A_81 = arith.cmpf oeq, %select_n3A_76, %eq3A_80 : vector<512x4096xf32>
    %jit3A_82 = arith.constant 4096 : i32
    %broadcast_in_dim3A_83 = vector.broadcast %jit3A_82 : i32 to vector<512x4096xi32>
    %select_n3A_84 = arith.select %eq3A_81, %iota3A, %broadcast_in_dim3A_83 : vector<512x4096xi1>, vector<512x4096xi32>
    %reduce_min3A_85 = arith.constant dense<2147483647> : vector<512xi32>
    %reduce_min3A_86 = vector.multi_reduction <minsi>, %select_n3A_84, %reduce_min3A_85 [1] : vector<512x4096xi32> to vector<512xi32>
    %broadcast_in_dim3A_87 = vector.shape_cast %reduce_min3A_86 : vector<512xi32> to vector<512x1xi32>
    %eq3A_88 = vector.broadcast %broadcast_in_dim3A_87 : vector<512x1xi32> to vector<512x4096xi32>
    %eq3A_89 = arith.cmpi eq, %iota3A, %eq3A_88 : vector<512x4096xi32>
    %jit3A_90 = arith.constant 0x7F800000 : f32
    %broadcast_in_dim3A_91 = vector.broadcast %jit3A_90 : f32 to vector<512x4096xf32>
    %select_n3A_92 = arith.select %eq3A_89, %broadcast_in_dim3A_91, %select_n3A_76 : vector<512x4096xi1>, vector<512x4096xf32>
    %reduce_min3A_93 = arith.constant dense<0x7F800000> : vector<512xf32>
    %reduce_min3A_94 = vector.multi_reduction <minimumf>, %select_n3A_92, %reduce_min3A_93 [1] : vector<512x4096xf32> to vector<512xf32>
    %broadcast_in_dim3A_95 = vector.shape_cast %reduce_min3A_94 : vector<512xf32> to vector<512x1xf32>
    %eq3A_96 = vector.broadcast %broadcast_in_dim3A_95 : vector<512x1xf32> to vector<512x4096xf32>
    %eq3A_97 = arith.cmpf oeq, %select_n3A_92, %eq3A_96 : vector<512x4096xf32>
    %jit3A_98 = arith.constant 4096 : i32
    %broadcast_in_dim3A_99 = vector.broadcast %jit3A_98 : i32 to vector<512x4096xi32>
    %select_n3A_100 = arith.select %eq3A_97, %iota3A, %broadcast_in_dim3A_99 : vector<512x4096xi1>, vector<512x4096xi32>
    %reduce_min3A_101 = arith.constant dense<2147483647> : vector<512xi32>
    %reduce_min3A_102 = vector.multi_reduction <minsi>, %select_n3A_100, %reduce_min3A_101 [1] : vector<512x4096xi32> to vector<512xi32>
    %broadcast_in_dim3A_103 = vector.shape_cast %reduce_min3A_102 : vector<512xi32> to vector<512x1xi32>
    %eq3A_104 = vector.broadcast %broadcast_in_dim3A_103 : vector<512x1xi32> to vector<512x4096xi32>
    %eq3A_105 = arith.cmpi eq, %iota3A, %eq3A_104 : vector<512x4096xi32>
    %jit3A_106 = arith.constant 0x7F800000 : f32
    %broadcast_in_dim3A_107 = vector.broadcast %jit3A_106 : f32 to vector<512x4096xf32>
    %select_n3A_108 = arith.select %eq3A_105, %broadcast_in_dim3A_107, %select_n3A_92 : vector<512x4096xi1>, vector<512x4096xf32>
    %reduce_min3A_109 = arith.constant dense<0x7F800000> : vector<512xf32>
    %reduce_min3A_110 = vector.multi_reduction <minimumf>, %select_n3A_108, %reduce_min3A_109 [1] : vector<512x4096xf32> to vector<512xf32>
    %broadcast_in_dim3A_111 = vector.shape_cast %reduce_min3A_110 : vector<512xf32> to vector<512x1xf32>
    %eq3A_112 = vector.broadcast %broadcast_in_dim3A_111 : vector<512x1xf32> to vector<512x4096xf32>
    %eq3A_113 = arith.cmpf oeq, %select_n3A_108, %eq3A_112 : vector<512x4096xf32>
    %jit3A_114 = arith.constant 4096 : i32
    %broadcast_in_dim3A_115 = vector.broadcast %jit3A_114 : i32 to vector<512x4096xi32>
    %select_n3A_116 = arith.select %eq3A_113, %iota3A, %broadcast_in_dim3A_115 : vector<512x4096xi1>, vector<512x4096xi32>
    %reduce_min3A_117 = arith.constant dense<2147483647> : vector<512xi32>
    %reduce_min3A_118 = vector.multi_reduction <minsi>, %select_n3A_116, %reduce_min3A_117 [1] : vector<512x4096xi32> to vector<512xi32>
    %broadcast_in_dim3A_119 = vector.shape_cast %reduce_min3A_118 : vector<512xi32> to vector<512x1xi32>
    %eq3A_120 = vector.broadcast %broadcast_in_dim3A_119 : vector<512x1xi32> to vector<512x4096xi32>
    %eq3A_121 = arith.cmpi eq, %iota3A, %eq3A_120 : vector<512x4096xi32>
    %jit3A_122 = arith.constant 0x7F800000 : f32
    %broadcast_in_dim3A_123 = vector.broadcast %jit3A_122 : f32 to vector<512x4096xf32>
    %select_n3A_124 = arith.select %eq3A_121, %broadcast_in_dim3A_123, %select_n3A_108 : vector<512x4096xi1>, vector<512x4096xf32>
    %reduce_min3A_125 = arith.constant dense<0x7F800000> : vector<512xf32>
    %reduce_min3A_126 = vector.multi_reduction <minimumf>, %select_n3A_124, %reduce_min3A_125 [1] : vector<512x4096xf32> to vector<512xf32>
    %broadcast_in_dim3A_127 = vector.shape_cast %reduce_min3A_126 : vector<512xf32> to vector<512x1xf32>
    %eq3A_128 = vector.broadcast %broadcast_in_dim3A_127 : vector<512x1xf32> to vector<512x4096xf32>
    %eq3A_129 = arith.cmpf oeq, %select_n3A_124, %eq3A_128 : vector<512x4096xf32>
    %jit3A_130 = arith.constant 4096 : i32
    %broadcast_in_dim3A_131 = vector.broadcast %jit3A_130 : i32 to vector<512x4096xi32>
    %select_n3A_132 = arith.select %eq3A_129, %iota3A, %broadcast_in_dim3A_131 : vector<512x4096xi1>, vector<512x4096xi32>
    %reduce_min3A_133 = arith.constant dense<2147483647> : vector<512xi32>
    %reduce_min3A_134 = vector.multi_reduction <minsi>, %select_n3A_132, %reduce_min3A_133 [1] : vector<512x4096xi32> to vector<512xi32>
    %broadcast_in_dim3A_135 = vector.shape_cast %reduce_min3A_134 : vector<512xi32> to vector<512x1xi32>
    %eq3A_136 = vector.broadcast %broadcast_in_dim3A_135 : vector<512x1xi32> to vector<512x4096xi32>
    %eq3A_137 = arith.cmpi eq, %iota3A, %eq3A_136 : vector<512x4096xi32>
    %jit3A_138 = arith.constant 0x7F800000 : f32
    %broadcast_in_dim3A_139 = vector.broadcast %jit3A_138 : f32 to vector<512x4096xf32>
    %select_n3A_140 = arith.select %eq3A_137, %broadcast_in_dim3A_139, %select_n3A_124 : vector<512x4096xi1>, vector<512x4096xf32>
    %reduce_min3A_141 = arith.constant dense<0x7F800000> : vector<512xf32>
    %reduce_min3A_142 = vector.multi_reduction <minimumf>, %select_n3A_140, %reduce_min3A_141 [1] : vector<512x4096xf32> to vector<512xf32>
    %broadcast_in_dim3A_143 = vector.shape_cast %reduce_min3A_142 : vector<512xf32> to vector<512x1xf32>
    %eq3A_144 = vector.broadcast %broadcast_in_dim3A_143 : vector<512x1xf32> to vector<512x4096xf32>
    %eq3A_145 = arith.cmpf oeq, %select_n3A_140, %eq3A_144 : vector<512x4096xf32>
    %jit3A_146 = arith.constant 4096 : i32
    %broadcast_in_dim3A_147 = vector.broadcast %jit3A_146 : i32 to vector<512x4096xi32>
    %select_n3A_148 = arith.select %eq3A_145, %iota3A, %broadcast_in_dim3A_147 : vector<512x4096xi1>, vector<512x4096xi32>
    %reduce_min3A_149 = arith.constant dense<2147483647> : vector<512xi32>
    %reduce_min3A_150 = vector.multi_reduction <minsi>, %select_n3A_148, %reduce_min3A_149 [1] : vector<512x4096xi32> to vector<512xi32>
    %broadcast_in_dim3A_151 = vector.shape_cast %reduce_min3A_150 : vector<512xi32> to vector<512x1xi32>
    %eq3A_152 = vector.broadcast %broadcast_in_dim3A_151 : vector<512x1xi32> to vector<512x4096xi32>
    %eq3A_153 = arith.cmpi eq, %iota3A, %eq3A_152 : vector<512x4096xi32>
    %jit3A_154 = arith.constant 0x7F800000 : f32
    %broadcast_in_dim3A_155 = vector.broadcast %jit3A_154 : f32 to vector<512x4096xf32>
    %select_n3A_156 = arith.select %eq3A_153, %broadcast_in_dim3A_155, %select_n3A_140 : vector<512x4096xi1>, vector<512x4096xf32>
    %reduce_min3A_157 = arith.constant dense<0x7F800000> : vector<512xf32>
    %reduce_min3A_158 = vector.multi_reduction <minimumf>, %select_n3A_156, %reduce_min3A_157 [1] : vector<512x4096xf32> to vector<512xf32>
    %broadcast_in_dim3A_159 = vector.shape_cast %reduce_min3A_158 : vector<512xf32> to vector<512x1xf32>
    %eq3A_160 = vector.broadcast %broadcast_in_dim3A_159 : vector<512x1xf32> to vector<512x4096xf32>
    %eq3A_161 = arith.cmpf oeq, %select_n3A_156, %eq3A_160 : vector<512x4096xf32>
    %jit3A_162 = arith.constant 4096 : i32
    %broadcast_in_dim3A_163 = vector.broadcast %jit3A_162 : i32 to vector<512x4096xi32>
    %select_n3A_164 = arith.select %eq3A_161, %iota3A, %broadcast_in_dim3A_163 : vector<512x4096xi1>, vector<512x4096xi32>
    %reduce_min3A_165 = arith.constant dense<2147483647> : vector<512xi32>
    %reduce_min3A_166 = vector.multi_reduction <minsi>, %select_n3A_164, %reduce_min3A_165 [1] : vector<512x4096xi32> to vector<512xi32>
    %broadcast_in_dim3A_167 = vector.shape_cast %reduce_min3A_166 : vector<512xi32> to vector<512x1xi32>
    %eq3A_168 = vector.broadcast %broadcast_in_dim3A_167 : vector<512x1xi32> to vector<512x4096xi32>
    %eq3A_169 = arith.cmpi eq, %iota3A, %eq3A_168 : vector<512x4096xi32>
    %jit3A_170 = arith.constant 0x7F800000 : f32
    %broadcast_in_dim3A_171 = vector.broadcast %jit3A_170 : f32 to vector<512x4096xf32>
    %select_n3A_172 = arith.select %eq3A_169, %broadcast_in_dim3A_171, %select_n3A_156 : vector<512x4096xi1>, vector<512x4096xf32>
    %reduce_min3A_173 = arith.constant dense<0x7F800000> : vector<512xf32>
    %reduce_min3A_174 = vector.multi_reduction <minimumf>, %select_n3A_172, %reduce_min3A_173 [1] : vector<512x4096xf32> to vector<512xf32>
    %broadcast_in_dim3A_175 = vector.shape_cast %reduce_min3A_174 : vector<512xf32> to vector<512x1xf32>
    %eq3A_176 = vector.broadcast %broadcast_in_dim3A_175 : vector<512x1xf32> to vector<512x4096xf32>
    %eq3A_177 = arith.cmpf oeq, %select_n3A_172, %eq3A_176 : vector<512x4096xf32>
    %jit3A_178 = arith.constant 4096 : i32
    %broadcast_in_dim3A_179 = vector.broadcast %jit3A_178 : i32 to vector<512x4096xi32>
    %select_n3A_180 = arith.select %eq3A_177, %iota3A, %broadcast_in_dim3A_179 : vector<512x4096xi1>, vector<512x4096xi32>
    %reduce_min3A_181 = arith.constant dense<2147483647> : vector<512xi32>
    %reduce_min3A_182 = vector.multi_reduction <minsi>, %select_n3A_180, %reduce_min3A_181 [1] : vector<512x4096xi32> to vector<512xi32>
    %broadcast_in_dim3A_183 = vector.shape_cast %reduce_min3A_182 : vector<512xi32> to vector<512x1xi32>
    %eq3A_184 = vector.broadcast %broadcast_in_dim3A_183 : vector<512x1xi32> to vector<512x4096xi32>
    %eq3A_185 = arith.cmpi eq, %iota3A, %eq3A_184 : vector<512x4096xi32>
    %jit3A_186 = arith.constant 0x7F800000 : f32
    %broadcast_in_dim3A_187 = vector.broadcast %jit3A_186 : f32 to vector<512x4096xf32>
    %select_n3A_188 = arith.select %eq3A_185, %broadcast_in_dim3A_187, %select_n3A_172 : vector<512x4096xi1>, vector<512x4096xf32>
    %reduce_min3A_189 = arith.constant dense<0x7F800000> : vector<512xf32>
    %reduce_min3A_190 = vector.multi_reduction <minimumf>, %select_n3A_188, %reduce_min3A_189 [1] : vector<512x4096xf32> to vector<512xf32>
    %broadcast_in_dim3A_191 = vector.shape_cast %reduce_min3A_190 : vector<512xf32> to vector<512x1xf32>
    %eq3A_192 = vector.broadcast %broadcast_in_dim3A_191 : vector<512x1xf32> to vector<512x4096xf32>
    %eq3A_193 = arith.cmpf oeq, %select_n3A_188, %eq3A_192 : vector<512x4096xf32>
    %jit3A_194 = arith.constant 4096 : i32
    %broadcast_in_dim3A_195 = vector.broadcast %jit3A_194 : i32 to vector<512x4096xi32>
    %select_n3A_196 = arith.select %eq3A_193, %iota3A, %broadcast_in_dim3A_195 : vector<512x4096xi1>, vector<512x4096xi32>
    %reduce_min3A_197 = arith.constant dense<2147483647> : vector<512xi32>
    %reduce_min3A_198 = vector.multi_reduction <minsi>, %select_n3A_196, %reduce_min3A_197 [1] : vector<512x4096xi32> to vector<512xi32>
    %broadcast_in_dim3A_199 = vector.shape_cast %reduce_min3A_198 : vector<512xi32> to vector<512x1xi32>
    %eq3A_200 = vector.broadcast %broadcast_in_dim3A_199 : vector<512x1xi32> to vector<512x4096xi32>
    %eq3A_201 = arith.cmpi eq, %iota3A, %eq3A_200 : vector<512x4096xi32>
    %jit3A_202 = arith.constant 0x7F800000 : f32
    %broadcast_in_dim3A_203 = vector.broadcast %jit3A_202 : f32 to vector<512x4096xf32>
    %select_n3A_204 = arith.select %eq3A_201, %broadcast_in_dim3A_203, %select_n3A_188 : vector<512x4096xi1>, vector<512x4096xf32>
    %reduce_min3A_205 = arith.constant dense<0x7F800000> : vector<512xf32>
    %reduce_min3A_206 = vector.multi_reduction <minimumf>, %select_n3A_204, %reduce_min3A_205 [1] : vector<512x4096xf32> to vector<512xf32>
    %broadcast_in_dim3A_207 = vector.shape_cast %reduce_min3A_206 : vector<512xf32> to vector<512x1xf32>
    %eq3A_208 = vector.broadcast %broadcast_in_dim3A_207 : vector<512x1xf32> to vector<512x4096xf32>
    %eq3A_209 = arith.cmpf oeq, %select_n3A_204, %eq3A_208 : vector<512x4096xf32>
    %jit3A_210 = arith.constant 4096 : i32
    %broadcast_in_dim3A_211 = vector.broadcast %jit3A_210 : i32 to vector<512x4096xi32>
    %select_n3A_212 = arith.select %eq3A_209, %iota3A, %broadcast_in_dim3A_211 : vector<512x4096xi1>, vector<512x4096xi32>
    %reduce_min3A_213 = arith.constant dense<2147483647> : vector<512xi32>
    %reduce_min3A_214 = vector.multi_reduction <minsi>, %select_n3A_212, %reduce_min3A_213 [1] : vector<512x4096xi32> to vector<512xi32>
    %broadcast_in_dim3A_215 = vector.shape_cast %reduce_min3A_214 : vector<512xi32> to vector<512x1xi32>
    %eq3A_216 = vector.broadcast %broadcast_in_dim3A_215 : vector<512x1xi32> to vector<512x4096xi32>
    %eq3A_217 = arith.cmpi eq, %iota3A, %eq3A_216 : vector<512x4096xi32>
    %jit3A_218 = arith.constant 0x7F800000 : f32
    %broadcast_in_dim3A_219 = vector.broadcast %jit3A_218 : f32 to vector<512x4096xf32>
    %select_n3A_220 = arith.select %eq3A_217, %broadcast_in_dim3A_219, %select_n3A_204 : vector<512x4096xi1>, vector<512x4096xf32>
    %reduce_min3A_221 = arith.constant dense<0x7F800000> : vector<512xf32>
    %reduce_min3A_222 = vector.multi_reduction <minimumf>, %select_n3A_220, %reduce_min3A_221 [1] : vector<512x4096xf32> to vector<512xf32>
    %broadcast_in_dim3A_223 = vector.shape_cast %reduce_min3A_222 : vector<512xf32> to vector<512x1xf32>
    %eq3A_224 = vector.broadcast %broadcast_in_dim3A_223 : vector<512x1xf32> to vector<512x4096xf32>
    %eq3A_225 = arith.cmpf oeq, %select_n3A_220, %eq3A_224 : vector<512x4096xf32>
    %jit3A_226 = arith.constant 4096 : i32
    %broadcast_in_dim3A_227 = vector.broadcast %jit3A_226 : i32 to vector<512x4096xi32>
    %select_n3A_228 = arith.select %eq3A_225, %iota3A, %broadcast_in_dim3A_227 : vector<512x4096xi1>, vector<512x4096xi32>
    %reduce_min3A_229 = arith.constant dense<2147483647> : vector<512xi32>
    %reduce_min3A_230 = vector.multi_reduction <minsi>, %select_n3A_228, %reduce_min3A_229 [1] : vector<512x4096xi32> to vector<512xi32>
    %broadcast_in_dim3A_231 = vector.shape_cast %reduce_min3A_230 : vector<512xi32> to vector<512x1xi32>
    %eq3A_232 = vector.broadcast %broadcast_in_dim3A_231 : vector<512x1xi32> to vector<512x4096xi32>
    %eq3A_233 = arith.cmpi eq, %iota3A, %eq3A_232 : vector<512x4096xi32>
    %jit3A_234 = arith.constant 0x7F800000 : f32
    %broadcast_in_dim3A_235 = vector.broadcast %jit3A_234 : f32 to vector<512x4096xf32>
    %select_n3A_236 = arith.select %eq3A_233, %broadcast_in_dim3A_235, %select_n3A_220 : vector<512x4096xi1>, vector<512x4096xf32>
    %reduce_min3A_237 = arith.constant dense<0x7F800000> : vector<512xf32>
    %reduce_min3A_238 = vector.multi_reduction <minimumf>, %select_n3A_236, %reduce_min3A_237 [1] : vector<512x4096xf32> to vector<512xf32>
    %broadcast_in_dim3A_239 = vector.shape_cast %reduce_min3A_238 : vector<512xf32> to vector<512x1xf32>
    %eq3A_240 = vector.broadcast %broadcast_in_dim3A_239 : vector<512x1xf32> to vector<512x4096xf32>
    %eq3A_241 = arith.cmpf oeq, %select_n3A_236, %eq3A_240 : vector<512x4096xf32>
    %jit3A_242 = arith.constant 4096 : i32
    %broadcast_in_dim3A_243 = vector.broadcast %jit3A_242 : i32 to vector<512x4096xi32>
    %select_n3A_244 = arith.select %eq3A_241, %iota3A, %broadcast_in_dim3A_243 : vector<512x4096xi1>, vector<512x4096xi32>
    %reduce_min3A_245 = arith.constant dense<2147483647> : vector<512xi32>
    %reduce_min3A_246 = vector.multi_reduction <minsi>, %select_n3A_244, %reduce_min3A_245 [1] : vector<512x4096xi32> to vector<512xi32>
    %broadcast_in_dim3A_247 = vector.shape_cast %reduce_min3A_246 : vector<512xi32> to vector<512x1xi32>
    %eq3A_248 = vector.broadcast %broadcast_in_dim3A_247 : vector<512x1xi32> to vector<512x4096xi32>
    %eq3A_249 = arith.cmpi eq, %iota3A, %eq3A_248 : vector<512x4096xi32>
    %jit3A_250 = arith.constant 0x7F800000 : f32
    %broadcast_in_dim3A_251 = vector.broadcast %jit3A_250 : f32 to vector<512x4096xf32>
    %select_n3A_252 = arith.select %eq3A_249, %broadcast_in_dim3A_251, %select_n3A_236 : vector<512x4096xi1>, vector<512x4096xf32>
    %reduce_min3A_253 = arith.constant dense<0x7F800000> : vector<512xf32>
    %reduce_min3A_254 = vector.multi_reduction <minimumf>, %select_n3A_252, %reduce_min3A_253 [1] : vector<512x4096xf32> to vector<512xf32>
    %broadcast_in_dim3A_255 = vector.shape_cast %reduce_min3A_254 : vector<512xf32> to vector<512x1xf32>
    %eq3A_256 = vector.broadcast %broadcast_in_dim3A_255 : vector<512x1xf32> to vector<512x4096xf32>
    %eq3A_257 = arith.cmpf oeq, %select_n3A_252, %eq3A_256 : vector<512x4096xf32>
    %jit3A_258 = arith.constant 4096 : i32
    %broadcast_in_dim3A_259 = vector.broadcast %jit3A_258 : i32 to vector<512x4096xi32>
    %select_n3A_260 = arith.select %eq3A_257, %iota3A, %broadcast_in_dim3A_259 : vector<512x4096xi1>, vector<512x4096xi32>
    %reduce_min3A_261 = arith.constant dense<2147483647> : vector<512xi32>
    %reduce_min3A_262 = vector.multi_reduction <minsi>, %select_n3A_260, %reduce_min3A_261 [1] : vector<512x4096xi32> to vector<512xi32>
    %broadcast_in_dim3A_263 = vector.shape_cast %reduce_min3A_262 : vector<512xi32> to vector<512x1xi32>
    %eq3A_264 = vector.broadcast %broadcast_in_dim3A_263 : vector<512x1xi32> to vector<512x4096xi32>
    %eq3A_265 = arith.cmpi eq, %iota3A, %eq3A_264 : vector<512x4096xi32>
    %jit3A_266 = arith.constant 0x7F800000 : f32
    %broadcast_in_dim3A_267 = vector.broadcast %jit3A_266 : f32 to vector<512x4096xf32>
    %select_n3A_268 = arith.select %eq3A_265, %broadcast_in_dim3A_267, %select_n3A_252 : vector<512x4096xi1>, vector<512x4096xf32>
    %reduce_min3A_269 = arith.constant dense<0x7F800000> : vector<512xf32>
    %reduce_min3A_270 = vector.multi_reduction <minimumf>, %select_n3A_268, %reduce_min3A_269 [1] : vector<512x4096xf32> to vector<512xf32>
    %broadcast_in_dim3A_271 = vector.shape_cast %reduce_min3A_270 : vector<512xf32> to vector<512x1xf32>
    %eq3A_272 = vector.broadcast %broadcast_in_dim3A_271 : vector<512x1xf32> to vector<512x4096xf32>
    %eq3A_273 = arith.cmpf oeq, %select_n3A_268, %eq3A_272 : vector<512x4096xf32>
    %jit3A_274 = arith.constant 4096 : i32
    %broadcast_in_dim3A_275 = vector.broadcast %jit3A_274 : i32 to vector<512x4096xi32>
    %select_n3A_276 = arith.select %eq3A_273, %iota3A, %broadcast_in_dim3A_275 : vector<512x4096xi1>, vector<512x4096xi32>
    %reduce_min3A_277 = arith.constant dense<2147483647> : vector<512xi32>
    %reduce_min3A_278 = vector.multi_reduction <minsi>, %select_n3A_276, %reduce_min3A_277 [1] : vector<512x4096xi32> to vector<512xi32>
    %broadcast_in_dim3A_279 = vector.shape_cast %reduce_min3A_278 : vector<512xi32> to vector<512x1xi32>
    %eq3A_280 = vector.broadcast %broadcast_in_dim3A_279 : vector<512x1xi32> to vector<512x4096xi32>
    %eq3A_281 = arith.cmpi eq, %iota3A, %eq3A_280 : vector<512x4096xi32>
    %jit3A_282 = arith.constant 0x7F800000 : f32
    %broadcast_in_dim3A_283 = vector.broadcast %jit3A_282 : f32 to vector<512x4096xf32>
    %select_n3A_284 = arith.select %eq3A_281, %broadcast_in_dim3A_283, %select_n3A_268 : vector<512x4096xi1>, vector<512x4096xf32>
    %reduce_min3A_285 = arith.constant dense<0x7F800000> : vector<512xf32>
    %reduce_min3A_286 = vector.multi_reduction <minimumf>, %select_n3A_284, %reduce_min3A_285 [1] : vector<512x4096xf32> to vector<512xf32>
    %broadcast_in_dim3A_287 = vector.shape_cast %reduce_min3A_286 : vector<512xf32> to vector<512x1xf32>
    %eq3A_288 = vector.broadcast %broadcast_in_dim3A_287 : vector<512x1xf32> to vector<512x4096xf32>
    %eq3A_289 = arith.cmpf oeq, %select_n3A_284, %eq3A_288 : vector<512x4096xf32>
    %jit3A_290 = arith.constant 4096 : i32
    %broadcast_in_dim3A_291 = vector.broadcast %jit3A_290 : i32 to vector<512x4096xi32>
    %select_n3A_292 = arith.select %eq3A_289, %iota3A, %broadcast_in_dim3A_291 : vector<512x4096xi1>, vector<512x4096xi32>
    %reduce_min3A_293 = arith.constant dense<2147483647> : vector<512xi32>
    %reduce_min3A_294 = vector.multi_reduction <minsi>, %select_n3A_292, %reduce_min3A_293 [1] : vector<512x4096xi32> to vector<512xi32>
    %broadcast_in_dim3A_295 = vector.shape_cast %reduce_min3A_294 : vector<512xi32> to vector<512x1xi32>
    %eq3A_296 = vector.broadcast %broadcast_in_dim3A_295 : vector<512x1xi32> to vector<512x4096xi32>
    %eq3A_297 = arith.cmpi eq, %iota3A, %eq3A_296 : vector<512x4096xi32>
    %jit3A_298 = arith.constant 0x7F800000 : f32
    %broadcast_in_dim3A_299 = vector.broadcast %jit3A_298 : f32 to vector<512x4096xf32>
    %select_n3A_300 = arith.select %eq3A_297, %broadcast_in_dim3A_299, %select_n3A_284 : vector<512x4096xi1>, vector<512x4096xf32>
    %reduce_min3A_301 = arith.constant dense<0x7F800000> : vector<512xf32>
    %reduce_min3A_302 = vector.multi_reduction <minimumf>, %select_n3A_300, %reduce_min3A_301 [1] : vector<512x4096xf32> to vector<512xf32>
    %broadcast_in_dim3A_303 = vector.shape_cast %reduce_min3A_302 : vector<512xf32> to vector<512x1xf32>
    %eq3A_304 = vector.broadcast %broadcast_in_dim3A_303 : vector<512x1xf32> to vector<512x4096xf32>
    %eq3A_305 = arith.cmpf oeq, %select_n3A_300, %eq3A_304 : vector<512x4096xf32>
    %jit3A_306 = arith.constant 4096 : i32
    %broadcast_in_dim3A_307 = vector.broadcast %jit3A_306 : i32 to vector<512x4096xi32>
    %select_n3A_308 = arith.select %eq3A_305, %iota3A, %broadcast_in_dim3A_307 : vector<512x4096xi1>, vector<512x4096xi32>
    %reduce_min3A_309 = arith.constant dense<2147483647> : vector<512xi32>
    %reduce_min3A_310 = vector.multi_reduction <minsi>, %select_n3A_308, %reduce_min3A_309 [1] : vector<512x4096xi32> to vector<512xi32>
    %stack3A = vector.shape_cast %reduce_min3A_6 : vector<512xi32> to vector<512x1xi32>
    %stack3A_311 = vector.shape_cast %reduce_min3A_22 : vector<512xi32> to vector<512x1xi32>
    %stack3A_312 = vector.shape_cast %reduce_min3A_38 : vector<512xi32> to vector<512x1xi32>
    %stack3A_313 = vector.shape_cast %reduce_min3A_54 : vector<512xi32> to vector<512x1xi32>
    %stack3A_314 = vector.shape_cast %reduce_min3A_70 : vector<512xi32> to vector<512x1xi32>
    %stack3A_315 = vector.shape_cast %reduce_min3A_86 : vector<512xi32> to vector<512x1xi32>
    %stack3A_316 = vector.shape_cast %reduce_min3A_102 : vector<512xi32> to vector<512x1xi32>
    %stack3A_317 = vector.shape_cast %reduce_min3A_118 : vector<512xi32> to vector<512x1xi32>
    %stack3A_318 = vector.shape_cast %reduce_min3A_134 : vector<512xi32> to vector<512x1xi32>
    %stack3A_319 = vector.shape_cast %reduce_min3A_150 : vector<512xi32> to vector<512x1xi32>
    %stack3A_320 = vector.shape_cast %reduce_min3A_166 : vector<512xi32> to vector<512x1xi32>
    %stack3A_321 = vector.shape_cast %reduce_min3A_182 : vector<512xi32> to vector<512x1xi32>
    %stack3A_322 = vector.shape_cast %reduce_min3A_198 : vector<512xi32> to vector<512x1xi32>
    %stack3A_323 = vector.shape_cast %reduce_min3A_214 : vector<512xi32> to vector<512x1xi32>
    %stack3A_324 = vector.shape_cast %reduce_min3A_230 : vector<512xi32> to vector<512x1xi32>
    %stack3A_325 = vector.shape_cast %reduce_min3A_246 : vector<512xi32> to vector<512x1xi32>
    %stack3A_326 = vector.shape_cast %reduce_min3A_262 : vector<512xi32> to vector<512x1xi32>
    %stack3A_327 = vector.shape_cast %reduce_min3A_278 : vector<512xi32> to vector<512x1xi32>
    %stack3A_328 = vector.shape_cast %reduce_min3A_294 : vector<512xi32> to vector<512x1xi32>
    %stack3A_329 = vector.shape_cast %reduce_min3A_310 : vector<512xi32> to vector<512x1xi32>
    %stack3A_330 = tpu.concatenate %stack3A, %stack3A_311, %stack3A_312, %stack3A_313, %stack3A_314, %stack3A_315, %stack3A_316, %stack3A_317, %stack3A_318, %stack3A_319, %stack3A_320, %stack3A_321, %stack3A_322, %stack3A_323, %stack3A_324, %stack3A_325, %stack3A_326, %stack3A_327, %stack3A_328, %stack3A_329 in 1 : vector<512x1xi32>, vector<512x1xi32>, vector<512x1xi32>, vector<512x1xi32>, vector<512x1xi32>, vector<512x1xi32>, vector<512x1xi32>, vector<512x1xi32>, vector<512x1xi32>, vector<512x1xi32>, vector<512x1xi32>, vector<512x1xi32>, vector<512x1xi32>, vector<512x1xi32>, vector<512x1xi32>, vector<512x1xi32>, vector<512x1xi32>, vector<512x1xi32>, vector<512x1xi32>, vector<512x1xi32> -> vector<512x20xi32>
    %swap3A = arith.constant 0 : index
    %swap3A_331 = arith.constant 0 : index
    %swap3A_332 = vector.load %arg2[%swap3A, %swap3A_331] : memref<512x20xi32, #tpu.memory_space<vmem>>, vector<512x20xi32>
    tpu.vector_store %arg2[%swap3A, %swap3A_331], %stack3A_330 {strides = array<i32>} : memref<512x20xi32, #tpu.memory_space<vmem>>, vector<512x20xi32>,
    return
  }
  func.func @transform_0(%arg0: i32) -> (i32, i32) {
    %c0_i32 = arith.constant 0 : i32
    %c0_i32_0 = arith.constant 0 : i32
    return %arg0, %c0_i32 : i32, i32
  }
  func.func @transform_1(%arg0: i32) -> (i32, i32) {
    %c0_i32 = arith.constant 0 : i32
    %c0_i32_0 = arith.constant 0 : i32
    return %arg0, %c0_i32 : i32, i32
  }
}

module attributes {stable_mosaic.version = 14 : i64} {
  func.func @_fps_kernel(%arg0: memref<3x32x128xf32, #tpu.memory_space<vmem>>, %arg1: memref<3x4096xf32, #tpu.memory_space<smem>>, %arg2: memref<16x128xi32, #tpu.memory_space<vmem>>) attributes {dimension_semantics = [], scalar_prefetch = 0 : i64, scratch_operands = 0 : i64, tpu.core_type = #tpu.core_type<tc>} {
    %get3A = arith.constant 0 : index
    %get3A_0 = arith.constant 0 : index
    %get3A_1 = arith.constant 0 : index
    %get3A_2 = vector.load %arg0[%get3A, %get3A_0, %get3A_1] : memref<3x32x128xf32, #tpu.memory_space<vmem>>, vector<1x32x128xf32>
    %get3A_3 = vector.shape_cast %get3A_2 : vector<1x32x128xf32> to vector<32x128xf32>
    %get3A_4 = arith.constant 1 : index
    %get3A_5 = arith.constant 0 : index
    %get3A_6 = arith.constant 0 : index
    %get3A_7 = vector.load %arg0[%get3A_4, %get3A_5, %get3A_6] : memref<3x32x128xf32, #tpu.memory_space<vmem>>, vector<1x32x128xf32>
    %get3A_8 = vector.shape_cast %get3A_7 : vector<1x32x128xf32> to vector<32x128xf32>
    %get3A_9 = arith.constant 2 : index
    %get3A_10 = arith.constant 0 : index
    %get3A_11 = arith.constant 0 : index
    %get3A_12 = vector.load %arg0[%get3A_9, %get3A_10, %get3A_11] : memref<3x32x128xf32, #tpu.memory_space<vmem>>, vector<1x32x128xf32>
    %get3A_13 = vector.shape_cast %get3A_12 : vector<1x32x128xf32> to vector<32x128xf32>
    %iota3A = tpu.iota {dimensions = array<i32: 0>} : vector<32x128xi32>
    %mul3A = arith.constant 128 : i32
    %mul3A_14 = vector.broadcast %mul3A : i32 to vector<32x128xi32>
    %mul3A_15 = arith.muli %iota3A, %mul3A_14 : vector<32x128xi32>
    %iota3A_16 = tpu.iota {dimensions = array<i32: 1>} : vector<32x128xi32>
    %add3A = arith.addi %mul3A_15, %iota3A_16 : vector<32x128xi32>
    %iota3A_17 = tpu.iota {dimensions = array<i32: 0>} : vector<16x128xi32>
    %mul3A_18 = arith.constant 128 : i32
    %mul3A_19 = vector.broadcast %mul3A_18 : i32 to vector<16x128xi32>
    %mul3A_20 = arith.muli %iota3A_17, %mul3A_19 : vector<16x128xi32>
    %iota3A_21 = tpu.iota {dimensions = array<i32: 1>} : vector<16x128xi32>
    %add3A_22 = arith.addi %mul3A_20, %iota3A_21 : vector<16x128xi32>
    %broadcast_in_dim3A = arith.constant 0x7F800000 : f32
    %broadcast_in_dim3A_23 = vector.broadcast %broadcast_in_dim3A : f32 to vector<32x128xf32>
    %broadcast_in_dim3A_24 = arith.constant 0 : i32
    %broadcast_in_dim3A_25 = vector.broadcast %broadcast_in_dim3A_24 : i32 to vector<16x128xi32>
    %scan3A = arith.constant 0 : i32
    %scan3A_26 = arith.constant 1 : i32
    %scan3A_27 = arith.constant 2047 : i32
    %scan3A_28 = arith.addi %scan3A_26, %scan3A_27 : i32
    %scan3A_29 = arith.constant 1 : i32
    %scan3A_30:3 = scf.for %scan3A_34 = %scan3A_26 to %scan3A_28 step %scan3A_29 iter_args(%scan3A_35 = %broadcast_in_dim3A_23, %scan3A_36 = %scan3A, %scan3A_37 = %broadcast_in_dim3A_25) -> (vector<32x128xf32>, i32, vector<16x128xi32>)  : i32 {
      %get3A_38 = arith.constant 0 : index
      %get3A_39 = arith.index_cast %scan3A_36 : i32 to index
      %get3A_40 = memref.load %arg1[%get3A_38, %get3A_39] : memref<3x4096xf32, #tpu.memory_space<smem>>
      %get3A_41 = arith.constant 1 : index
      %get3A_42 = arith.index_cast %scan3A_36 : i32 to index
      %get3A_43 = memref.load %arg1[%get3A_41, %get3A_42] : memref<3x4096xf32, #tpu.memory_space<smem>>
      %get3A_44 = arith.constant 2 : index
      %get3A_45 = arith.index_cast %scan3A_36 : i32 to index
      %get3A_46 = memref.load %arg1[%get3A_44, %get3A_45] : memref<3x4096xf32, #tpu.memory_space<smem>>
      %sub3A = vector.broadcast %get3A_40 : f32 to vector<32x128xf32>
      %sub3A_47 = arith.subf %get3A_3, %sub3A : vector<32x128xf32>
      %sub3A_48 = vector.broadcast %get3A_43 : f32 to vector<32x128xf32>
      %sub3A_49 = arith.subf %get3A_8, %sub3A_48 : vector<32x128xf32>
      %sub3A_50 = vector.broadcast %get3A_46 : f32 to vector<32x128xf32>
      %sub3A_51 = arith.subf %get3A_13, %sub3A_50 : vector<32x128xf32>
      %mul3A_52 = arith.mulf %sub3A_47, %sub3A_47 : vector<32x128xf32>
      %mul3A_53 = arith.mulf %sub3A_49, %sub3A_49 : vector<32x128xf32>
      %add3A_54 = arith.addf %mul3A_52, %mul3A_53 : vector<32x128xf32>
      %mul3A_55 = arith.mulf %sub3A_51, %sub3A_51 : vector<32x128xf32>
      %add3A_56 = arith.addf %add3A_54, %mul3A_55 : vector<32x128xf32>
      %min3A = arith.minimumf %scan3A_35, %add3A_56 : vector<32x128xf32>
      %reduce_max3A = vector.shape_cast %min3A : vector<32x128xf32> to vector<1x32x128xf32>
      %reduce_max3A_57 = arith.constant dense<0xFF800000> : vector<1xf32>
      %reduce_max3A_58 = vector.multi_reduction <maximumf>, %reduce_max3A, %reduce_max3A_57 [1, 2] : vector<1x32x128xf32> to vector<1xf32>
      %reduce_max3A_59 = vector.shape_cast %reduce_max3A_58 : vector<1xf32> to vector<1x1x1xf32>
      %reduce_max3A_60 = vector.extract %reduce_max3A_59[0, 0, 0] : f32 from vector<1x1x1xf32>
      %eq3A = vector.broadcast %reduce_max3A_60 : f32 to vector<32x128xf32>
      %eq3A_61 = arith.cmpf oeq, %min3A, %eq3A : vector<32x128xf32>
      %jit3A = arith.constant 4096 : i32
      %broadcast_in_dim3A_62 = vector.broadcast %jit3A : i32 to vector<32x128xi32>
      %select_n3A = arith.select %eq3A_61, %add3A, %broadcast_in_dim3A_62 : vector<32x128xi1>, vector<32x128xi32>
      %reduce_min3A = vector.shape_cast %select_n3A : vector<32x128xi32> to vector<1x32x128xi32>
      %reduce_min3A_63 = arith.constant dense<2147483647> : vector<1xi32>
      %reduce_min3A_64 = vector.multi_reduction <minsi>, %reduce_min3A, %reduce_min3A_63 [1, 2] : vector<1x32x128xi32> to vector<1xi32>
      %reduce_min3A_65 = vector.shape_cast %reduce_min3A_64 : vector<1xi32> to vector<1x1x1xi32>
      %reduce_min3A_66 = vector.extract %reduce_min3A_65[0, 0, 0] : i32 from vector<1x1x1xi32>
      %eq3A_67 = vector.broadcast %scan3A_34 : i32 to vector<16x128xi32>
      %eq3A_68 = arith.cmpi eq, %add3A_22, %eq3A_67 : vector<16x128xi32>
      %broadcast_in_dim3A_69 = vector.broadcast %reduce_min3A_66 : i32 to vector<16x128xi32>
      %select_n3A_70 = arith.select %eq3A_68, %broadcast_in_dim3A_69, %scan3A_37 : vector<16x128xi1>, vector<16x128xi32>
      scf.yield %min3A, %reduce_min3A_66, %select_n3A_70 : vector<32x128xf32>, i32, vector<16x128xi32>
    }
    %scan3A_31 = arith.constant 2047 : i32
    %swap3A = arith.constant 0 : index
    %swap3A_32 = arith.constant 0 : index
    %swap3A_33 = vector.load %arg2[%swap3A, %swap3A_32] : memref<16x128xi32, #tpu.memory_space<vmem>>, vector<16x128xi32>
    tpu.vector_store %arg2[%swap3A, %swap3A_32], %scan3A_30#2 {strides = array<i32>} : memref<16x128xi32, #tpu.memory_space<vmem>>, vector<16x128xi32>,
    return
  }
}

module attributes {stable_mosaic.version = 14 : i64} {
  func.func @_sel_topk_kernel(%arg0: i32, %arg1: memref<512x4096xf32, #tpu.memory_space<vmem>>, %arg2: memref<512x16xi32, #tpu.memory_space<vmem>>) attributes {dimension_semantics = [#tpu.dimension_semantics<arbitrary>], iteration_bounds = array<i64: 4>, scalar_prefetch = 0 : i64, scratch_operands = 0 : i64, tpu.core_type = #tpu.core_type<tc>, window_params = [{transform_indices = @transform_0, window_bounds = array<i64: 512, 4096>}, {transform_indices = @transform_1, window_bounds = array<i64: 512, 16>}]} {
    %get3A = arith.constant 0 : index
    %get3A_0 = arith.constant 0 : index
    %get3A_1 = vector.load %arg1[%get3A, %get3A_0] : memref<512x4096xf32, #tpu.memory_space<vmem>>, vector<512x4096xf32>
    %iota3A = tpu.iota {dimensions = array<i32: 1>} : vector<512x4096xi32>
    %reduce_min3A = arith.constant dense<0x7F800000> : vector<512xf32>
    %reduce_min3A_2 = vector.multi_reduction <minimumf>, %get3A_1, %reduce_min3A [1] : vector<512x4096xf32> to vector<512xf32>
    %broadcast_in_dim3A = vector.shape_cast %reduce_min3A_2 : vector<512xf32> to vector<512x1xf32>
    %eq3A = vector.broadcast %broadcast_in_dim3A : vector<512x1xf32> to vector<512x4096xf32>
    %eq3A_3 = arith.cmpf oeq, %get3A_1, %eq3A : vector<512x4096xf32>
    %jit3A = arith.constant 4096 : i32
    %broadcast_in_dim3A_4 = vector.broadcast %jit3A : i32 to vector<512x4096xi32>
    %select_n3A = arith.select %eq3A_3, %iota3A, %broadcast_in_dim3A_4 : vector<512x4096xi1>, vector<512x4096xi32>
    %reduce_min3A_5 = arith.constant dense<2147483647> : vector<512xi32>
    %reduce_min3A_6 = vector.multi_reduction <minsi>, %select_n3A, %reduce_min3A_5 [1] : vector<512x4096xi32> to vector<512xi32>
    %broadcast_in_dim3A_7 = vector.shape_cast %reduce_min3A_6 : vector<512xi32> to vector<512x1xi32>
    %eq3A_8 = vector.broadcast %broadcast_in_dim3A_7 : vector<512x1xi32> to vector<512x4096xi32>
    %eq3A_9 = arith.cmpi eq, %iota3A, %eq3A_8 : vector<512x4096xi32>
    %jit3A_10 = arith.constant 0x7F800000 : f32
    %broadcast_in_dim3A_11 = vector.broadcast %jit3A_10 : f32 to vector<512x4096xf32>
    %select_n3A_12 = arith.select %eq3A_9, %broadcast_in_dim3A_11, %get3A_1 : vector<512x4096xi1>, vector<512x4096xf32>
    %reduce_min3A_13 = arith.constant dense<0x7F800000> : vector<512xf32>
    %reduce_min3A_14 = vector.multi_reduction <minimumf>, %select_n3A_12, %reduce_min3A_13 [1] : vector<512x4096xf32> to vector<512xf32>
    %broadcast_in_dim3A_15 = vector.shape_cast %reduce_min3A_14 : vector<512xf32> to vector<512x1xf32>
    %eq3A_16 = vector.broadcast %broadcast_in_dim3A_15 : vector<512x1xf32> to vector<512x4096xf32>
    %eq3A_17 = arith.cmpf oeq, %select_n3A_12, %eq3A_16 : vector<512x4096xf32>
    %jit3A_18 = arith.constant 4096 : i32
    %broadcast_in_dim3A_19 = vector.broadcast %jit3A_18 : i32 to vector<512x4096xi32>
    %select_n3A_20 = arith.select %eq3A_17, %iota3A, %broadcast_in_dim3A_19 : vector<512x4096xi1>, vector<512x4096xi32>
    %reduce_min3A_21 = arith.constant dense<2147483647> : vector<512xi32>
    %reduce_min3A_22 = vector.multi_reduction <minsi>, %select_n3A_20, %reduce_min3A_21 [1] : vector<512x4096xi32> to vector<512xi32>
    %broadcast_in_dim3A_23 = vector.shape_cast %reduce_min3A_22 : vector<512xi32> to vector<512x1xi32>
    %eq3A_24 = vector.broadcast %broadcast_in_dim3A_23 : vector<512x1xi32> to vector<512x4096xi32>
    %eq3A_25 = arith.cmpi eq, %iota3A, %eq3A_24 : vector<512x4096xi32>
    %jit3A_26 = arith.constant 0x7F800000 : f32
    %broadcast_in_dim3A_27 = vector.broadcast %jit3A_26 : f32 to vector<512x4096xf32>
    %select_n3A_28 = arith.select %eq3A_25, %broadcast_in_dim3A_27, %select_n3A_12 : vector<512x4096xi1>, vector<512x4096xf32>
    %reduce_min3A_29 = arith.constant dense<0x7F800000> : vector<512xf32>
    %reduce_min3A_30 = vector.multi_reduction <minimumf>, %select_n3A_28, %reduce_min3A_29 [1] : vector<512x4096xf32> to vector<512xf32>
    %broadcast_in_dim3A_31 = vector.shape_cast %reduce_min3A_30 : vector<512xf32> to vector<512x1xf32>
    %eq3A_32 = vector.broadcast %broadcast_in_dim3A_31 : vector<512x1xf32> to vector<512x4096xf32>
    %eq3A_33 = arith.cmpf oeq, %select_n3A_28, %eq3A_32 : vector<512x4096xf32>
    %jit3A_34 = arith.constant 4096 : i32
    %broadcast_in_dim3A_35 = vector.broadcast %jit3A_34 : i32 to vector<512x4096xi32>
    %select_n3A_36 = arith.select %eq3A_33, %iota3A, %broadcast_in_dim3A_35 : vector<512x4096xi1>, vector<512x4096xi32>
    %reduce_min3A_37 = arith.constant dense<2147483647> : vector<512xi32>
    %reduce_min3A_38 = vector.multi_reduction <minsi>, %select_n3A_36, %reduce_min3A_37 [1] : vector<512x4096xi32> to vector<512xi32>
    %broadcast_in_dim3A_39 = vector.shape_cast %reduce_min3A_38 : vector<512xi32> to vector<512x1xi32>
    %eq3A_40 = vector.broadcast %broadcast_in_dim3A_39 : vector<512x1xi32> to vector<512x4096xi32>
    %eq3A_41 = arith.cmpi eq, %iota3A, %eq3A_40 : vector<512x4096xi32>
    %jit3A_42 = arith.constant 0x7F800000 : f32
    %broadcast_in_dim3A_43 = vector.broadcast %jit3A_42 : f32 to vector<512x4096xf32>
    %select_n3A_44 = arith.select %eq3A_41, %broadcast_in_dim3A_43, %select_n3A_28 : vector<512x4096xi1>, vector<512x4096xf32>
    %reduce_min3A_45 = arith.constant dense<0x7F800000> : vector<512xf32>
    %reduce_min3A_46 = vector.multi_reduction <minimumf>, %select_n3A_44, %reduce_min3A_45 [1] : vector<512x4096xf32> to vector<512xf32>
    %broadcast_in_dim3A_47 = vector.shape_cast %reduce_min3A_46 : vector<512xf32> to vector<512x1xf32>
    %eq3A_48 = vector.broadcast %broadcast_in_dim3A_47 : vector<512x1xf32> to vector<512x4096xf32>
    %eq3A_49 = arith.cmpf oeq, %select_n3A_44, %eq3A_48 : vector<512x4096xf32>
    %jit3A_50 = arith.constant 4096 : i32
    %broadcast_in_dim3A_51 = vector.broadcast %jit3A_50 : i32 to vector<512x4096xi32>
    %select_n3A_52 = arith.select %eq3A_49, %iota3A, %broadcast_in_dim3A_51 : vector<512x4096xi1>, vector<512x4096xi32>
    %reduce_min3A_53 = arith.constant dense<2147483647> : vector<512xi32>
    %reduce_min3A_54 = vector.multi_reduction <minsi>, %select_n3A_52, %reduce_min3A_53 [1] : vector<512x4096xi32> to vector<512xi32>
    %broadcast_in_dim3A_55 = vector.shape_cast %reduce_min3A_54 : vector<512xi32> to vector<512x1xi32>
    %eq3A_56 = vector.broadcast %broadcast_in_dim3A_55 : vector<512x1xi32> to vector<512x4096xi32>
    %eq3A_57 = arith.cmpi eq, %iota3A, %eq3A_56 : vector<512x4096xi32>
    %jit3A_58 = arith.constant 0x7F800000 : f32
    %broadcast_in_dim3A_59 = vector.broadcast %jit3A_58 : f32 to vector<512x4096xf32>
    %select_n3A_60 = arith.select %eq3A_57, %broadcast_in_dim3A_59, %select_n3A_44 : vector<512x4096xi1>, vector<512x4096xf32>
    %reduce_min3A_61 = arith.constant dense<0x7F800000> : vector<512xf32>
    %reduce_min3A_62 = vector.multi_reduction <minimumf>, %select_n3A_60, %reduce_min3A_61 [1] : vector<512x4096xf32> to vector<512xf32>
    %broadcast_in_dim3A_63 = vector.shape_cast %reduce_min3A_62 : vector<512xf32> to vector<512x1xf32>
    %eq3A_64 = vector.broadcast %broadcast_in_dim3A_63 : vector<512x1xf32> to vector<512x4096xf32>
    %eq3A_65 = arith.cmpf oeq, %select_n3A_60, %eq3A_64 : vector<512x4096xf32>
    %jit3A_66 = arith.constant 4096 : i32
    %broadcast_in_dim3A_67 = vector.broadcast %jit3A_66 : i32 to vector<512x4096xi32>
    %select_n3A_68 = arith.select %eq3A_65, %iota3A, %broadcast_in_dim3A_67 : vector<512x4096xi1>, vector<512x4096xi32>
    %reduce_min3A_69 = arith.constant dense<2147483647> : vector<512xi32>
    %reduce_min3A_70 = vector.multi_reduction <minsi>, %select_n3A_68, %reduce_min3A_69 [1] : vector<512x4096xi32> to vector<512xi32>
    %broadcast_in_dim3A_71 = vector.shape_cast %reduce_min3A_70 : vector<512xi32> to vector<512x1xi32>
    %eq3A_72 = vector.broadcast %broadcast_in_dim3A_71 : vector<512x1xi32> to vector<512x4096xi32>
    %eq3A_73 = arith.cmpi eq, %iota3A, %eq3A_72 : vector<512x4096xi32>
    %jit3A_74 = arith.constant 0x7F800000 : f32
    %broadcast_in_dim3A_75 = vector.broadcast %jit3A_74 : f32 to vector<512x4096xf32>
    %select_n3A_76 = arith.select %eq3A_73, %broadcast_in_dim3A_75, %select_n3A_60 : vector<512x4096xi1>, vector<512x4096xf32>
    %reduce_min3A_77 = arith.constant dense<0x7F800000> : vector<512xf32>
    %reduce_min3A_78 = vector.multi_reduction <minimumf>, %select_n3A_76, %reduce_min3A_77 [1] : vector<512x4096xf32> to vector<512xf32>
    %broadcast_in_dim3A_79 = vector.shape_cast %reduce_min3A_78 : vector<512xf32> to vector<512x1xf32>
    %eq3A_80 = vector.broadcast %broadcast_in_dim3A_79 : vector<512x1xf32> to vector<512x4096xf32>
    %eq3A_81 = arith.cmpf oeq, %select_n3A_76, %eq3A_80 : vector<512x4096xf32>
    %jit3A_82 = arith.constant 4096 : i32
    %broadcast_in_dim3A_83 = vector.broadcast %jit3A_82 : i32 to vector<512x4096xi32>
    %select_n3A_84 = arith.select %eq3A_81, %iota3A, %broadcast_in_dim3A_83 : vector<512x4096xi1>, vector<512x4096xi32>
    %reduce_min3A_85 = arith.constant dense<2147483647> : vector<512xi32>
    %reduce_min3A_86 = vector.multi_reduction <minsi>, %select_n3A_84, %reduce_min3A_85 [1] : vector<512x4096xi32> to vector<512xi32>
    %broadcast_in_dim3A_87 = vector.shape_cast %reduce_min3A_86 : vector<512xi32> to vector<512x1xi32>
    %eq3A_88 = vector.broadcast %broadcast_in_dim3A_87 : vector<512x1xi32> to vector<512x4096xi32>
    %eq3A_89 = arith.cmpi eq, %iota3A, %eq3A_88 : vector<512x4096xi32>
    %jit3A_90 = arith.constant 0x7F800000 : f32
    %broadcast_in_dim3A_91 = vector.broadcast %jit3A_90 : f32 to vector<512x4096xf32>
    %select_n3A_92 = arith.select %eq3A_89, %broadcast_in_dim3A_91, %select_n3A_76 : vector<512x4096xi1>, vector<512x4096xf32>
    %reduce_min3A_93 = arith.constant dense<0x7F800000> : vector<512xf32>
    %reduce_min3A_94 = vector.multi_reduction <minimumf>, %select_n3A_92, %reduce_min3A_93 [1] : vector<512x4096xf32> to vector<512xf32>
    %broadcast_in_dim3A_95 = vector.shape_cast %reduce_min3A_94 : vector<512xf32> to vector<512x1xf32>
    %eq3A_96 = vector.broadcast %broadcast_in_dim3A_95 : vector<512x1xf32> to vector<512x4096xf32>
    %eq3A_97 = arith.cmpf oeq, %select_n3A_92, %eq3A_96 : vector<512x4096xf32>
    %jit3A_98 = arith.constant 4096 : i32
    %broadcast_in_dim3A_99 = vector.broadcast %jit3A_98 : i32 to vector<512x4096xi32>
    %select_n3A_100 = arith.select %eq3A_97, %iota3A, %broadcast_in_dim3A_99 : vector<512x4096xi1>, vector<512x4096xi32>
    %reduce_min3A_101 = arith.constant dense<2147483647> : vector<512xi32>
    %reduce_min3A_102 = vector.multi_reduction <minsi>, %select_n3A_100, %reduce_min3A_101 [1] : vector<512x4096xi32> to vector<512xi32>
    %broadcast_in_dim3A_103 = vector.shape_cast %reduce_min3A_102 : vector<512xi32> to vector<512x1xi32>
    %eq3A_104 = vector.broadcast %broadcast_in_dim3A_103 : vector<512x1xi32> to vector<512x4096xi32>
    %eq3A_105 = arith.cmpi eq, %iota3A, %eq3A_104 : vector<512x4096xi32>
    %jit3A_106 = arith.constant 0x7F800000 : f32
    %broadcast_in_dim3A_107 = vector.broadcast %jit3A_106 : f32 to vector<512x4096xf32>
    %select_n3A_108 = arith.select %eq3A_105, %broadcast_in_dim3A_107, %select_n3A_92 : vector<512x4096xi1>, vector<512x4096xf32>
    %reduce_min3A_109 = arith.constant dense<0x7F800000> : vector<512xf32>
    %reduce_min3A_110 = vector.multi_reduction <minimumf>, %select_n3A_108, %reduce_min3A_109 [1] : vector<512x4096xf32> to vector<512xf32>
    %broadcast_in_dim3A_111 = vector.shape_cast %reduce_min3A_110 : vector<512xf32> to vector<512x1xf32>
    %eq3A_112 = vector.broadcast %broadcast_in_dim3A_111 : vector<512x1xf32> to vector<512x4096xf32>
    %eq3A_113 = arith.cmpf oeq, %select_n3A_108, %eq3A_112 : vector<512x4096xf32>
    %jit3A_114 = arith.constant 4096 : i32
    %broadcast_in_dim3A_115 = vector.broadcast %jit3A_114 : i32 to vector<512x4096xi32>
    %select_n3A_116 = arith.select %eq3A_113, %iota3A, %broadcast_in_dim3A_115 : vector<512x4096xi1>, vector<512x4096xi32>
    %reduce_min3A_117 = arith.constant dense<2147483647> : vector<512xi32>
    %reduce_min3A_118 = vector.multi_reduction <minsi>, %select_n3A_116, %reduce_min3A_117 [1] : vector<512x4096xi32> to vector<512xi32>
    %broadcast_in_dim3A_119 = vector.shape_cast %reduce_min3A_118 : vector<512xi32> to vector<512x1xi32>
    %eq3A_120 = vector.broadcast %broadcast_in_dim3A_119 : vector<512x1xi32> to vector<512x4096xi32>
    %eq3A_121 = arith.cmpi eq, %iota3A, %eq3A_120 : vector<512x4096xi32>
    %jit3A_122 = arith.constant 0x7F800000 : f32
    %broadcast_in_dim3A_123 = vector.broadcast %jit3A_122 : f32 to vector<512x4096xf32>
    %select_n3A_124 = arith.select %eq3A_121, %broadcast_in_dim3A_123, %select_n3A_108 : vector<512x4096xi1>, vector<512x4096xf32>
    %reduce_min3A_125 = arith.constant dense<0x7F800000> : vector<512xf32>
    %reduce_min3A_126 = vector.multi_reduction <minimumf>, %select_n3A_124, %reduce_min3A_125 [1] : vector<512x4096xf32> to vector<512xf32>
    %broadcast_in_dim3A_127 = vector.shape_cast %reduce_min3A_126 : vector<512xf32> to vector<512x1xf32>
    %eq3A_128 = vector.broadcast %broadcast_in_dim3A_127 : vector<512x1xf32> to vector<512x4096xf32>
    %eq3A_129 = arith.cmpf oeq, %select_n3A_124, %eq3A_128 : vector<512x4096xf32>
    %jit3A_130 = arith.constant 4096 : i32
    %broadcast_in_dim3A_131 = vector.broadcast %jit3A_130 : i32 to vector<512x4096xi32>
    %select_n3A_132 = arith.select %eq3A_129, %iota3A, %broadcast_in_dim3A_131 : vector<512x4096xi1>, vector<512x4096xi32>
    %reduce_min3A_133 = arith.constant dense<2147483647> : vector<512xi32>
    %reduce_min3A_134 = vector.multi_reduction <minsi>, %select_n3A_132, %reduce_min3A_133 [1] : vector<512x4096xi32> to vector<512xi32>
    %broadcast_in_dim3A_135 = vector.shape_cast %reduce_min3A_134 : vector<512xi32> to vector<512x1xi32>
    %eq3A_136 = vector.broadcast %broadcast_in_dim3A_135 : vector<512x1xi32> to vector<512x4096xi32>
    %eq3A_137 = arith.cmpi eq, %iota3A, %eq3A_136 : vector<512x4096xi32>
    %jit3A_138 = arith.constant 0x7F800000 : f32
    %broadcast_in_dim3A_139 = vector.broadcast %jit3A_138 : f32 to vector<512x4096xf32>
    %select_n3A_140 = arith.select %eq3A_137, %broadcast_in_dim3A_139, %select_n3A_124 : vector<512x4096xi1>, vector<512x4096xf32>
    %reduce_min3A_141 = arith.constant dense<0x7F800000> : vector<512xf32>
    %reduce_min3A_142 = vector.multi_reduction <minimumf>, %select_n3A_140, %reduce_min3A_141 [1] : vector<512x4096xf32> to vector<512xf32>
    %broadcast_in_dim3A_143 = vector.shape_cast %reduce_min3A_142 : vector<512xf32> to vector<512x1xf32>
    %eq3A_144 = vector.broadcast %broadcast_in_dim3A_143 : vector<512x1xf32> to vector<512x4096xf32>
    %eq3A_145 = arith.cmpf oeq, %select_n3A_140, %eq3A_144 : vector<512x4096xf32>
    %jit3A_146 = arith.constant 4096 : i32
    %broadcast_in_dim3A_147 = vector.broadcast %jit3A_146 : i32 to vector<512x4096xi32>
    %select_n3A_148 = arith.select %eq3A_145, %iota3A, %broadcast_in_dim3A_147 : vector<512x4096xi1>, vector<512x4096xi32>
    %reduce_min3A_149 = arith.constant dense<2147483647> : vector<512xi32>
    %reduce_min3A_150 = vector.multi_reduction <minsi>, %select_n3A_148, %reduce_min3A_149 [1] : vector<512x4096xi32> to vector<512xi32>
    %broadcast_in_dim3A_151 = vector.shape_cast %reduce_min3A_150 : vector<512xi32> to vector<512x1xi32>
    %eq3A_152 = vector.broadcast %broadcast_in_dim3A_151 : vector<512x1xi32> to vector<512x4096xi32>
    %eq3A_153 = arith.cmpi eq, %iota3A, %eq3A_152 : vector<512x4096xi32>
    %jit3A_154 = arith.constant 0x7F800000 : f32
    %broadcast_in_dim3A_155 = vector.broadcast %jit3A_154 : f32 to vector<512x4096xf32>
    %select_n3A_156 = arith.select %eq3A_153, %broadcast_in_dim3A_155, %select_n3A_140 : vector<512x4096xi1>, vector<512x4096xf32>
    %reduce_min3A_157 = arith.constant dense<0x7F800000> : vector<512xf32>
    %reduce_min3A_158 = vector.multi_reduction <minimumf>, %select_n3A_156, %reduce_min3A_157 [1] : vector<512x4096xf32> to vector<512xf32>
    %broadcast_in_dim3A_159 = vector.shape_cast %reduce_min3A_158 : vector<512xf32> to vector<512x1xf32>
    %eq3A_160 = vector.broadcast %broadcast_in_dim3A_159 : vector<512x1xf32> to vector<512x4096xf32>
    %eq3A_161 = arith.cmpf oeq, %select_n3A_156, %eq3A_160 : vector<512x4096xf32>
    %jit3A_162 = arith.constant 4096 : i32
    %broadcast_in_dim3A_163 = vector.broadcast %jit3A_162 : i32 to vector<512x4096xi32>
    %select_n3A_164 = arith.select %eq3A_161, %iota3A, %broadcast_in_dim3A_163 : vector<512x4096xi1>, vector<512x4096xi32>
    %reduce_min3A_165 = arith.constant dense<2147483647> : vector<512xi32>
    %reduce_min3A_166 = vector.multi_reduction <minsi>, %select_n3A_164, %reduce_min3A_165 [1] : vector<512x4096xi32> to vector<512xi32>
    %broadcast_in_dim3A_167 = vector.shape_cast %reduce_min3A_166 : vector<512xi32> to vector<512x1xi32>
    %eq3A_168 = vector.broadcast %broadcast_in_dim3A_167 : vector<512x1xi32> to vector<512x4096xi32>
    %eq3A_169 = arith.cmpi eq, %iota3A, %eq3A_168 : vector<512x4096xi32>
    %jit3A_170 = arith.constant 0x7F800000 : f32
    %broadcast_in_dim3A_171 = vector.broadcast %jit3A_170 : f32 to vector<512x4096xf32>
    %select_n3A_172 = arith.select %eq3A_169, %broadcast_in_dim3A_171, %select_n3A_156 : vector<512x4096xi1>, vector<512x4096xf32>
    %reduce_min3A_173 = arith.constant dense<0x7F800000> : vector<512xf32>
    %reduce_min3A_174 = vector.multi_reduction <minimumf>, %select_n3A_172, %reduce_min3A_173 [1] : vector<512x4096xf32> to vector<512xf32>
    %broadcast_in_dim3A_175 = vector.shape_cast %reduce_min3A_174 : vector<512xf32> to vector<512x1xf32>
    %eq3A_176 = vector.broadcast %broadcast_in_dim3A_175 : vector<512x1xf32> to vector<512x4096xf32>
    %eq3A_177 = arith.cmpf oeq, %select_n3A_172, %eq3A_176 : vector<512x4096xf32>
    %jit3A_178 = arith.constant 4096 : i32
    %broadcast_in_dim3A_179 = vector.broadcast %jit3A_178 : i32 to vector<512x4096xi32>
    %select_n3A_180 = arith.select %eq3A_177, %iota3A, %broadcast_in_dim3A_179 : vector<512x4096xi1>, vector<512x4096xi32>
    %reduce_min3A_181 = arith.constant dense<2147483647> : vector<512xi32>
    %reduce_min3A_182 = vector.multi_reduction <minsi>, %select_n3A_180, %reduce_min3A_181 [1] : vector<512x4096xi32> to vector<512xi32>
    %broadcast_in_dim3A_183 = vector.shape_cast %reduce_min3A_182 : vector<512xi32> to vector<512x1xi32>
    %eq3A_184 = vector.broadcast %broadcast_in_dim3A_183 : vector<512x1xi32> to vector<512x4096xi32>
    %eq3A_185 = arith.cmpi eq, %iota3A, %eq3A_184 : vector<512x4096xi32>
    %jit3A_186 = arith.constant 0x7F800000 : f32
    %broadcast_in_dim3A_187 = vector.broadcast %jit3A_186 : f32 to vector<512x4096xf32>
    %select_n3A_188 = arith.select %eq3A_185, %broadcast_in_dim3A_187, %select_n3A_172 : vector<512x4096xi1>, vector<512x4096xf32>
    %reduce_min3A_189 = arith.constant dense<0x7F800000> : vector<512xf32>
    %reduce_min3A_190 = vector.multi_reduction <minimumf>, %select_n3A_188, %reduce_min3A_189 [1] : vector<512x4096xf32> to vector<512xf32>
    %broadcast_in_dim3A_191 = vector.shape_cast %reduce_min3A_190 : vector<512xf32> to vector<512x1xf32>
    %eq3A_192 = vector.broadcast %broadcast_in_dim3A_191 : vector<512x1xf32> to vector<512x4096xf32>
    %eq3A_193 = arith.cmpf oeq, %select_n3A_188, %eq3A_192 : vector<512x4096xf32>
    %jit3A_194 = arith.constant 4096 : i32
    %broadcast_in_dim3A_195 = vector.broadcast %jit3A_194 : i32 to vector<512x4096xi32>
    %select_n3A_196 = arith.select %eq3A_193, %iota3A, %broadcast_in_dim3A_195 : vector<512x4096xi1>, vector<512x4096xi32>
    %reduce_min3A_197 = arith.constant dense<2147483647> : vector<512xi32>
    %reduce_min3A_198 = vector.multi_reduction <minsi>, %select_n3A_196, %reduce_min3A_197 [1] : vector<512x4096xi32> to vector<512xi32>
    %broadcast_in_dim3A_199 = vector.shape_cast %reduce_min3A_198 : vector<512xi32> to vector<512x1xi32>
    %eq3A_200 = vector.broadcast %broadcast_in_dim3A_199 : vector<512x1xi32> to vector<512x4096xi32>
    %eq3A_201 = arith.cmpi eq, %iota3A, %eq3A_200 : vector<512x4096xi32>
    %jit3A_202 = arith.constant 0x7F800000 : f32
    %broadcast_in_dim3A_203 = vector.broadcast %jit3A_202 : f32 to vector<512x4096xf32>
    %select_n3A_204 = arith.select %eq3A_201, %broadcast_in_dim3A_203, %select_n3A_188 : vector<512x4096xi1>, vector<512x4096xf32>
    %reduce_min3A_205 = arith.constant dense<0x7F800000> : vector<512xf32>
    %reduce_min3A_206 = vector.multi_reduction <minimumf>, %select_n3A_204, %reduce_min3A_205 [1] : vector<512x4096xf32> to vector<512xf32>
    %broadcast_in_dim3A_207 = vector.shape_cast %reduce_min3A_206 : vector<512xf32> to vector<512x1xf32>
    %eq3A_208 = vector.broadcast %broadcast_in_dim3A_207 : vector<512x1xf32> to vector<512x4096xf32>
    %eq3A_209 = arith.cmpf oeq, %select_n3A_204, %eq3A_208 : vector<512x4096xf32>
    %jit3A_210 = arith.constant 4096 : i32
    %broadcast_in_dim3A_211 = vector.broadcast %jit3A_210 : i32 to vector<512x4096xi32>
    %select_n3A_212 = arith.select %eq3A_209, %iota3A, %broadcast_in_dim3A_211 : vector<512x4096xi1>, vector<512x4096xi32>
    %reduce_min3A_213 = arith.constant dense<2147483647> : vector<512xi32>
    %reduce_min3A_214 = vector.multi_reduction <minsi>, %select_n3A_212, %reduce_min3A_213 [1] : vector<512x4096xi32> to vector<512xi32>
    %broadcast_in_dim3A_215 = vector.shape_cast %reduce_min3A_214 : vector<512xi32> to vector<512x1xi32>
    %eq3A_216 = vector.broadcast %broadcast_in_dim3A_215 : vector<512x1xi32> to vector<512x4096xi32>
    %eq3A_217 = arith.cmpi eq, %iota3A, %eq3A_216 : vector<512x4096xi32>
    %jit3A_218 = arith.constant 0x7F800000 : f32
    %broadcast_in_dim3A_219 = vector.broadcast %jit3A_218 : f32 to vector<512x4096xf32>
    %select_n3A_220 = arith.select %eq3A_217, %broadcast_in_dim3A_219, %select_n3A_204 : vector<512x4096xi1>, vector<512x4096xf32>
    %reduce_min3A_221 = arith.constant dense<0x7F800000> : vector<512xf32>
    %reduce_min3A_222 = vector.multi_reduction <minimumf>, %select_n3A_220, %reduce_min3A_221 [1] : vector<512x4096xf32> to vector<512xf32>
    %broadcast_in_dim3A_223 = vector.shape_cast %reduce_min3A_222 : vector<512xf32> to vector<512x1xf32>
    %eq3A_224 = vector.broadcast %broadcast_in_dim3A_223 : vector<512x1xf32> to vector<512x4096xf32>
    %eq3A_225 = arith.cmpf oeq, %select_n3A_220, %eq3A_224 : vector<512x4096xf32>
    %jit3A_226 = arith.constant 4096 : i32
    %broadcast_in_dim3A_227 = vector.broadcast %jit3A_226 : i32 to vector<512x4096xi32>
    %select_n3A_228 = arith.select %eq3A_225, %iota3A, %broadcast_in_dim3A_227 : vector<512x4096xi1>, vector<512x4096xi32>
    %reduce_min3A_229 = arith.constant dense<2147483647> : vector<512xi32>
    %reduce_min3A_230 = vector.multi_reduction <minsi>, %select_n3A_228, %reduce_min3A_229 [1] : vector<512x4096xi32> to vector<512xi32>
    %broadcast_in_dim3A_231 = vector.shape_cast %reduce_min3A_230 : vector<512xi32> to vector<512x1xi32>
    %eq3A_232 = vector.broadcast %broadcast_in_dim3A_231 : vector<512x1xi32> to vector<512x4096xi32>
    %eq3A_233 = arith.cmpi eq, %iota3A, %eq3A_232 : vector<512x4096xi32>
    %jit3A_234 = arith.constant 0x7F800000 : f32
    %broadcast_in_dim3A_235 = vector.broadcast %jit3A_234 : f32 to vector<512x4096xf32>
    %select_n3A_236 = arith.select %eq3A_233, %broadcast_in_dim3A_235, %select_n3A_220 : vector<512x4096xi1>, vector<512x4096xf32>
    %reduce_min3A_237 = arith.constant dense<0x7F800000> : vector<512xf32>
    %reduce_min3A_238 = vector.multi_reduction <minimumf>, %select_n3A_236, %reduce_min3A_237 [1] : vector<512x4096xf32> to vector<512xf32>
    %broadcast_in_dim3A_239 = vector.shape_cast %reduce_min3A_238 : vector<512xf32> to vector<512x1xf32>
    %eq3A_240 = vector.broadcast %broadcast_in_dim3A_239 : vector<512x1xf32> to vector<512x4096xf32>
    %eq3A_241 = arith.cmpf oeq, %select_n3A_236, %eq3A_240 : vector<512x4096xf32>
    %jit3A_242 = arith.constant 4096 : i32
    %broadcast_in_dim3A_243 = vector.broadcast %jit3A_242 : i32 to vector<512x4096xi32>
    %select_n3A_244 = arith.select %eq3A_241, %iota3A, %broadcast_in_dim3A_243 : vector<512x4096xi1>, vector<512x4096xi32>
    %reduce_min3A_245 = arith.constant dense<2147483647> : vector<512xi32>
    %reduce_min3A_246 = vector.multi_reduction <minsi>, %select_n3A_244, %reduce_min3A_245 [1] : vector<512x4096xi32> to vector<512xi32>
    %stack3A = vector.shape_cast %reduce_min3A_6 : vector<512xi32> to vector<512x1xi32>
    %stack3A_247 = vector.shape_cast %reduce_min3A_22 : vector<512xi32> to vector<512x1xi32>
    %stack3A_248 = vector.shape_cast %reduce_min3A_38 : vector<512xi32> to vector<512x1xi32>
    %stack3A_249 = vector.shape_cast %reduce_min3A_54 : vector<512xi32> to vector<512x1xi32>
    %stack3A_250 = vector.shape_cast %reduce_min3A_70 : vector<512xi32> to vector<512x1xi32>
    %stack3A_251 = vector.shape_cast %reduce_min3A_86 : vector<512xi32> to vector<512x1xi32>
    %stack3A_252 = vector.shape_cast %reduce_min3A_102 : vector<512xi32> to vector<512x1xi32>
    %stack3A_253 = vector.shape_cast %reduce_min3A_118 : vector<512xi32> to vector<512x1xi32>
    %stack3A_254 = vector.shape_cast %reduce_min3A_134 : vector<512xi32> to vector<512x1xi32>
    %stack3A_255 = vector.shape_cast %reduce_min3A_150 : vector<512xi32> to vector<512x1xi32>
    %stack3A_256 = vector.shape_cast %reduce_min3A_166 : vector<512xi32> to vector<512x1xi32>
    %stack3A_257 = vector.shape_cast %reduce_min3A_182 : vector<512xi32> to vector<512x1xi32>
    %stack3A_258 = vector.shape_cast %reduce_min3A_198 : vector<512xi32> to vector<512x1xi32>
    %stack3A_259 = vector.shape_cast %reduce_min3A_214 : vector<512xi32> to vector<512x1xi32>
    %stack3A_260 = vector.shape_cast %reduce_min3A_230 : vector<512xi32> to vector<512x1xi32>
    %stack3A_261 = vector.shape_cast %reduce_min3A_246 : vector<512xi32> to vector<512x1xi32>
    %stack3A_262 = tpu.concatenate %stack3A, %stack3A_247, %stack3A_248, %stack3A_249, %stack3A_250, %stack3A_251, %stack3A_252, %stack3A_253, %stack3A_254, %stack3A_255, %stack3A_256, %stack3A_257, %stack3A_258, %stack3A_259, %stack3A_260, %stack3A_261 in 1 : vector<512x1xi32>, vector<512x1xi32>, vector<512x1xi32>, vector<512x1xi32>, vector<512x1xi32>, vector<512x1xi32>, vector<512x1xi32>, vector<512x1xi32>, vector<512x1xi32>, vector<512x1xi32>, vector<512x1xi32>, vector<512x1xi32>, vector<512x1xi32>, vector<512x1xi32>, vector<512x1xi32>, vector<512x1xi32> -> vector<512x16xi32>
    %swap3A = arith.constant 0 : index
    %swap3A_263 = arith.constant 0 : index
    %swap3A_264 = vector.load %arg2[%swap3A, %swap3A_263] : memref<512x16xi32, #tpu.memory_space<vmem>>, vector<512x16xi32>
    tpu.vector_store %arg2[%swap3A, %swap3A_263], %stack3A_262 {strides = array<i32>} : memref<512x16xi32, #tpu.memory_space<vmem>>, vector<512x16xi32>,
    return
  }
  func.func @transform_0(%arg0: i32) -> (i32, i32) {
    %c0_i32 = arith.constant 0 : i32
    %c0_i32_0 = arith.constant 0 : i32
    return %arg0, %c0_i32 : i32, i32
  }
  func.func @transform_1(%arg0: i32) -> (i32, i32) {
    %c0_i32 = arith.constant 0 : i32
    %c0_i32_0 = arith.constant 0 : i32
    return %arg0, %c0_i32 : i32, i32
  }
}

module attributes {stable_mosaic.version = 14 : i64} {
  func.func @_sel_topk_kernel(%arg0: i32, %arg1: memref<512x2048xf32, #tpu.memory_space<vmem>>, %arg2: memref<512x20xi32, #tpu.memory_space<vmem>>) attributes {dimension_semantics = [#tpu.dimension_semantics<arbitrary>], iteration_bounds = array<i64: 4>, scalar_prefetch = 0 : i64, scratch_operands = 0 : i64, tpu.core_type = #tpu.core_type<tc>, window_params = [{transform_indices = @transform_0, window_bounds = array<i64: 512, 2048>}, {transform_indices = @transform_1, window_bounds = array<i64: 512, 20>}]} {
    %get3A = arith.constant 0 : index
    %get3A_0 = arith.constant 0 : index
    %get3A_1 = vector.load %arg1[%get3A, %get3A_0] : memref<512x2048xf32, #tpu.memory_space<vmem>>, vector<512x2048xf32>
    %iota3A = tpu.iota {dimensions = array<i32: 1>} : vector<512x2048xi32>
    %reduce_min3A = arith.constant dense<0x7F800000> : vector<512xf32>
    %reduce_min3A_2 = vector.multi_reduction <minimumf>, %get3A_1, %reduce_min3A [1] : vector<512x2048xf32> to vector<512xf32>
    %broadcast_in_dim3A = vector.shape_cast %reduce_min3A_2 : vector<512xf32> to vector<512x1xf32>
    %eq3A = vector.broadcast %broadcast_in_dim3A : vector<512x1xf32> to vector<512x2048xf32>
    %eq3A_3 = arith.cmpf oeq, %get3A_1, %eq3A : vector<512x2048xf32>
    %jit3A = arith.constant 2048 : i32
    %broadcast_in_dim3A_4 = vector.broadcast %jit3A : i32 to vector<512x2048xi32>
    %select_n3A = arith.select %eq3A_3, %iota3A, %broadcast_in_dim3A_4 : vector<512x2048xi1>, vector<512x2048xi32>
    %reduce_min3A_5 = arith.constant dense<2147483647> : vector<512xi32>
    %reduce_min3A_6 = vector.multi_reduction <minsi>, %select_n3A, %reduce_min3A_5 [1] : vector<512x2048xi32> to vector<512xi32>
    %broadcast_in_dim3A_7 = vector.shape_cast %reduce_min3A_6 : vector<512xi32> to vector<512x1xi32>
    %eq3A_8 = vector.broadcast %broadcast_in_dim3A_7 : vector<512x1xi32> to vector<512x2048xi32>
    %eq3A_9 = arith.cmpi eq, %iota3A, %eq3A_8 : vector<512x2048xi32>
    %jit3A_10 = arith.constant 0x7F800000 : f32
    %broadcast_in_dim3A_11 = vector.broadcast %jit3A_10 : f32 to vector<512x2048xf32>
    %select_n3A_12 = arith.select %eq3A_9, %broadcast_in_dim3A_11, %get3A_1 : vector<512x2048xi1>, vector<512x2048xf32>
    %reduce_min3A_13 = arith.constant dense<0x7F800000> : vector<512xf32>
    %reduce_min3A_14 = vector.multi_reduction <minimumf>, %select_n3A_12, %reduce_min3A_13 [1] : vector<512x2048xf32> to vector<512xf32>
    %broadcast_in_dim3A_15 = vector.shape_cast %reduce_min3A_14 : vector<512xf32> to vector<512x1xf32>
    %eq3A_16 = vector.broadcast %broadcast_in_dim3A_15 : vector<512x1xf32> to vector<512x2048xf32>
    %eq3A_17 = arith.cmpf oeq, %select_n3A_12, %eq3A_16 : vector<512x2048xf32>
    %jit3A_18 = arith.constant 2048 : i32
    %broadcast_in_dim3A_19 = vector.broadcast %jit3A_18 : i32 to vector<512x2048xi32>
    %select_n3A_20 = arith.select %eq3A_17, %iota3A, %broadcast_in_dim3A_19 : vector<512x2048xi1>, vector<512x2048xi32>
    %reduce_min3A_21 = arith.constant dense<2147483647> : vector<512xi32>
    %reduce_min3A_22 = vector.multi_reduction <minsi>, %select_n3A_20, %reduce_min3A_21 [1] : vector<512x2048xi32> to vector<512xi32>
    %broadcast_in_dim3A_23 = vector.shape_cast %reduce_min3A_22 : vector<512xi32> to vector<512x1xi32>
    %eq3A_24 = vector.broadcast %broadcast_in_dim3A_23 : vector<512x1xi32> to vector<512x2048xi32>
    %eq3A_25 = arith.cmpi eq, %iota3A, %eq3A_24 : vector<512x2048xi32>
    %jit3A_26 = arith.constant 0x7F800000 : f32
    %broadcast_in_dim3A_27 = vector.broadcast %jit3A_26 : f32 to vector<512x2048xf32>
    %select_n3A_28 = arith.select %eq3A_25, %broadcast_in_dim3A_27, %select_n3A_12 : vector<512x2048xi1>, vector<512x2048xf32>
    %reduce_min3A_29 = arith.constant dense<0x7F800000> : vector<512xf32>
    %reduce_min3A_30 = vector.multi_reduction <minimumf>, %select_n3A_28, %reduce_min3A_29 [1] : vector<512x2048xf32> to vector<512xf32>
    %broadcast_in_dim3A_31 = vector.shape_cast %reduce_min3A_30 : vector<512xf32> to vector<512x1xf32>
    %eq3A_32 = vector.broadcast %broadcast_in_dim3A_31 : vector<512x1xf32> to vector<512x2048xf32>
    %eq3A_33 = arith.cmpf oeq, %select_n3A_28, %eq3A_32 : vector<512x2048xf32>
    %jit3A_34 = arith.constant 2048 : i32
    %broadcast_in_dim3A_35 = vector.broadcast %jit3A_34 : i32 to vector<512x2048xi32>
    %select_n3A_36 = arith.select %eq3A_33, %iota3A, %broadcast_in_dim3A_35 : vector<512x2048xi1>, vector<512x2048xi32>
    %reduce_min3A_37 = arith.constant dense<2147483647> : vector<512xi32>
    %reduce_min3A_38 = vector.multi_reduction <minsi>, %select_n3A_36, %reduce_min3A_37 [1] : vector<512x2048xi32> to vector<512xi32>
    %broadcast_in_dim3A_39 = vector.shape_cast %reduce_min3A_38 : vector<512xi32> to vector<512x1xi32>
    %eq3A_40 = vector.broadcast %broadcast_in_dim3A_39 : vector<512x1xi32> to vector<512x2048xi32>
    %eq3A_41 = arith.cmpi eq, %iota3A, %eq3A_40 : vector<512x2048xi32>
    %jit3A_42 = arith.constant 0x7F800000 : f32
    %broadcast_in_dim3A_43 = vector.broadcast %jit3A_42 : f32 to vector<512x2048xf32>
    %select_n3A_44 = arith.select %eq3A_41, %broadcast_in_dim3A_43, %select_n3A_28 : vector<512x2048xi1>, vector<512x2048xf32>
    %reduce_min3A_45 = arith.constant dense<0x7F800000> : vector<512xf32>
    %reduce_min3A_46 = vector.multi_reduction <minimumf>, %select_n3A_44, %reduce_min3A_45 [1] : vector<512x2048xf32> to vector<512xf32>
    %broadcast_in_dim3A_47 = vector.shape_cast %reduce_min3A_46 : vector<512xf32> to vector<512x1xf32>
    %eq3A_48 = vector.broadcast %broadcast_in_dim3A_47 : vector<512x1xf32> to vector<512x2048xf32>
    %eq3A_49 = arith.cmpf oeq, %select_n3A_44, %eq3A_48 : vector<512x2048xf32>
    %jit3A_50 = arith.constant 2048 : i32
    %broadcast_in_dim3A_51 = vector.broadcast %jit3A_50 : i32 to vector<512x2048xi32>
    %select_n3A_52 = arith.select %eq3A_49, %iota3A, %broadcast_in_dim3A_51 : vector<512x2048xi1>, vector<512x2048xi32>
    %reduce_min3A_53 = arith.constant dense<2147483647> : vector<512xi32>
    %reduce_min3A_54 = vector.multi_reduction <minsi>, %select_n3A_52, %reduce_min3A_53 [1] : vector<512x2048xi32> to vector<512xi32>
    %broadcast_in_dim3A_55 = vector.shape_cast %reduce_min3A_54 : vector<512xi32> to vector<512x1xi32>
    %eq3A_56 = vector.broadcast %broadcast_in_dim3A_55 : vector<512x1xi32> to vector<512x2048xi32>
    %eq3A_57 = arith.cmpi eq, %iota3A, %eq3A_56 : vector<512x2048xi32>
    %jit3A_58 = arith.constant 0x7F800000 : f32
    %broadcast_in_dim3A_59 = vector.broadcast %jit3A_58 : f32 to vector<512x2048xf32>
    %select_n3A_60 = arith.select %eq3A_57, %broadcast_in_dim3A_59, %select_n3A_44 : vector<512x2048xi1>, vector<512x2048xf32>
    %reduce_min3A_61 = arith.constant dense<0x7F800000> : vector<512xf32>
    %reduce_min3A_62 = vector.multi_reduction <minimumf>, %select_n3A_60, %reduce_min3A_61 [1] : vector<512x2048xf32> to vector<512xf32>
    %broadcast_in_dim3A_63 = vector.shape_cast %reduce_min3A_62 : vector<512xf32> to vector<512x1xf32>
    %eq3A_64 = vector.broadcast %broadcast_in_dim3A_63 : vector<512x1xf32> to vector<512x2048xf32>
    %eq3A_65 = arith.cmpf oeq, %select_n3A_60, %eq3A_64 : vector<512x2048xf32>
    %jit3A_66 = arith.constant 2048 : i32
    %broadcast_in_dim3A_67 = vector.broadcast %jit3A_66 : i32 to vector<512x2048xi32>
    %select_n3A_68 = arith.select %eq3A_65, %iota3A, %broadcast_in_dim3A_67 : vector<512x2048xi1>, vector<512x2048xi32>
    %reduce_min3A_69 = arith.constant dense<2147483647> : vector<512xi32>
    %reduce_min3A_70 = vector.multi_reduction <minsi>, %select_n3A_68, %reduce_min3A_69 [1] : vector<512x2048xi32> to vector<512xi32>
    %broadcast_in_dim3A_71 = vector.shape_cast %reduce_min3A_70 : vector<512xi32> to vector<512x1xi32>
    %eq3A_72 = vector.broadcast %broadcast_in_dim3A_71 : vector<512x1xi32> to vector<512x2048xi32>
    %eq3A_73 = arith.cmpi eq, %iota3A, %eq3A_72 : vector<512x2048xi32>
    %jit3A_74 = arith.constant 0x7F800000 : f32
    %broadcast_in_dim3A_75 = vector.broadcast %jit3A_74 : f32 to vector<512x2048xf32>
    %select_n3A_76 = arith.select %eq3A_73, %broadcast_in_dim3A_75, %select_n3A_60 : vector<512x2048xi1>, vector<512x2048xf32>
    %reduce_min3A_77 = arith.constant dense<0x7F800000> : vector<512xf32>
    %reduce_min3A_78 = vector.multi_reduction <minimumf>, %select_n3A_76, %reduce_min3A_77 [1] : vector<512x2048xf32> to vector<512xf32>
    %broadcast_in_dim3A_79 = vector.shape_cast %reduce_min3A_78 : vector<512xf32> to vector<512x1xf32>
    %eq3A_80 = vector.broadcast %broadcast_in_dim3A_79 : vector<512x1xf32> to vector<512x2048xf32>
    %eq3A_81 = arith.cmpf oeq, %select_n3A_76, %eq3A_80 : vector<512x2048xf32>
    %jit3A_82 = arith.constant 2048 : i32
    %broadcast_in_dim3A_83 = vector.broadcast %jit3A_82 : i32 to vector<512x2048xi32>
    %select_n3A_84 = arith.select %eq3A_81, %iota3A, %broadcast_in_dim3A_83 : vector<512x2048xi1>, vector<512x2048xi32>
    %reduce_min3A_85 = arith.constant dense<2147483647> : vector<512xi32>
    %reduce_min3A_86 = vector.multi_reduction <minsi>, %select_n3A_84, %reduce_min3A_85 [1] : vector<512x2048xi32> to vector<512xi32>
    %broadcast_in_dim3A_87 = vector.shape_cast %reduce_min3A_86 : vector<512xi32> to vector<512x1xi32>
    %eq3A_88 = vector.broadcast %broadcast_in_dim3A_87 : vector<512x1xi32> to vector<512x2048xi32>
    %eq3A_89 = arith.cmpi eq, %iota3A, %eq3A_88 : vector<512x2048xi32>
    %jit3A_90 = arith.constant 0x7F800000 : f32
    %broadcast_in_dim3A_91 = vector.broadcast %jit3A_90 : f32 to vector<512x2048xf32>
    %select_n3A_92 = arith.select %eq3A_89, %broadcast_in_dim3A_91, %select_n3A_76 : vector<512x2048xi1>, vector<512x2048xf32>
    %reduce_min3A_93 = arith.constant dense<0x7F800000> : vector<512xf32>
    %reduce_min3A_94 = vector.multi_reduction <minimumf>, %select_n3A_92, %reduce_min3A_93 [1] : vector<512x2048xf32> to vector<512xf32>
    %broadcast_in_dim3A_95 = vector.shape_cast %reduce_min3A_94 : vector<512xf32> to vector<512x1xf32>
    %eq3A_96 = vector.broadcast %broadcast_in_dim3A_95 : vector<512x1xf32> to vector<512x2048xf32>
    %eq3A_97 = arith.cmpf oeq, %select_n3A_92, %eq3A_96 : vector<512x2048xf32>
    %jit3A_98 = arith.constant 2048 : i32
    %broadcast_in_dim3A_99 = vector.broadcast %jit3A_98 : i32 to vector<512x2048xi32>
    %select_n3A_100 = arith.select %eq3A_97, %iota3A, %broadcast_in_dim3A_99 : vector<512x2048xi1>, vector<512x2048xi32>
    %reduce_min3A_101 = arith.constant dense<2147483647> : vector<512xi32>
    %reduce_min3A_102 = vector.multi_reduction <minsi>, %select_n3A_100, %reduce_min3A_101 [1] : vector<512x2048xi32> to vector<512xi32>
    %broadcast_in_dim3A_103 = vector.shape_cast %reduce_min3A_102 : vector<512xi32> to vector<512x1xi32>
    %eq3A_104 = vector.broadcast %broadcast_in_dim3A_103 : vector<512x1xi32> to vector<512x2048xi32>
    %eq3A_105 = arith.cmpi eq, %iota3A, %eq3A_104 : vector<512x2048xi32>
    %jit3A_106 = arith.constant 0x7F800000 : f32
    %broadcast_in_dim3A_107 = vector.broadcast %jit3A_106 : f32 to vector<512x2048xf32>
    %select_n3A_108 = arith.select %eq3A_105, %broadcast_in_dim3A_107, %select_n3A_92 : vector<512x2048xi1>, vector<512x2048xf32>
    %reduce_min3A_109 = arith.constant dense<0x7F800000> : vector<512xf32>
    %reduce_min3A_110 = vector.multi_reduction <minimumf>, %select_n3A_108, %reduce_min3A_109 [1] : vector<512x2048xf32> to vector<512xf32>
    %broadcast_in_dim3A_111 = vector.shape_cast %reduce_min3A_110 : vector<512xf32> to vector<512x1xf32>
    %eq3A_112 = vector.broadcast %broadcast_in_dim3A_111 : vector<512x1xf32> to vector<512x2048xf32>
    %eq3A_113 = arith.cmpf oeq, %select_n3A_108, %eq3A_112 : vector<512x2048xf32>
    %jit3A_114 = arith.constant 2048 : i32
    %broadcast_in_dim3A_115 = vector.broadcast %jit3A_114 : i32 to vector<512x2048xi32>
    %select_n3A_116 = arith.select %eq3A_113, %iota3A, %broadcast_in_dim3A_115 : vector<512x2048xi1>, vector<512x2048xi32>
    %reduce_min3A_117 = arith.constant dense<2147483647> : vector<512xi32>
    %reduce_min3A_118 = vector.multi_reduction <minsi>, %select_n3A_116, %reduce_min3A_117 [1] : vector<512x2048xi32> to vector<512xi32>
    %broadcast_in_dim3A_119 = vector.shape_cast %reduce_min3A_118 : vector<512xi32> to vector<512x1xi32>
    %eq3A_120 = vector.broadcast %broadcast_in_dim3A_119 : vector<512x1xi32> to vector<512x2048xi32>
    %eq3A_121 = arith.cmpi eq, %iota3A, %eq3A_120 : vector<512x2048xi32>
    %jit3A_122 = arith.constant 0x7F800000 : f32
    %broadcast_in_dim3A_123 = vector.broadcast %jit3A_122 : f32 to vector<512x2048xf32>
    %select_n3A_124 = arith.select %eq3A_121, %broadcast_in_dim3A_123, %select_n3A_108 : vector<512x2048xi1>, vector<512x2048xf32>
    %reduce_min3A_125 = arith.constant dense<0x7F800000> : vector<512xf32>
    %reduce_min3A_126 = vector.multi_reduction <minimumf>, %select_n3A_124, %reduce_min3A_125 [1] : vector<512x2048xf32> to vector<512xf32>
    %broadcast_in_dim3A_127 = vector.shape_cast %reduce_min3A_126 : vector<512xf32> to vector<512x1xf32>
    %eq3A_128 = vector.broadcast %broadcast_in_dim3A_127 : vector<512x1xf32> to vector<512x2048xf32>
    %eq3A_129 = arith.cmpf oeq, %select_n3A_124, %eq3A_128 : vector<512x2048xf32>
    %jit3A_130 = arith.constant 2048 : i32
    %broadcast_in_dim3A_131 = vector.broadcast %jit3A_130 : i32 to vector<512x2048xi32>
    %select_n3A_132 = arith.select %eq3A_129, %iota3A, %broadcast_in_dim3A_131 : vector<512x2048xi1>, vector<512x2048xi32>
    %reduce_min3A_133 = arith.constant dense<2147483647> : vector<512xi32>
    %reduce_min3A_134 = vector.multi_reduction <minsi>, %select_n3A_132, %reduce_min3A_133 [1] : vector<512x2048xi32> to vector<512xi32>
    %broadcast_in_dim3A_135 = vector.shape_cast %reduce_min3A_134 : vector<512xi32> to vector<512x1xi32>
    %eq3A_136 = vector.broadcast %broadcast_in_dim3A_135 : vector<512x1xi32> to vector<512x2048xi32>
    %eq3A_137 = arith.cmpi eq, %iota3A, %eq3A_136 : vector<512x2048xi32>
    %jit3A_138 = arith.constant 0x7F800000 : f32
    %broadcast_in_dim3A_139 = vector.broadcast %jit3A_138 : f32 to vector<512x2048xf32>
    %select_n3A_140 = arith.select %eq3A_137, %broadcast_in_dim3A_139, %select_n3A_124 : vector<512x2048xi1>, vector<512x2048xf32>
    %reduce_min3A_141 = arith.constant dense<0x7F800000> : vector<512xf32>
    %reduce_min3A_142 = vector.multi_reduction <minimumf>, %select_n3A_140, %reduce_min3A_141 [1] : vector<512x2048xf32> to vector<512xf32>
    %broadcast_in_dim3A_143 = vector.shape_cast %reduce_min3A_142 : vector<512xf32> to vector<512x1xf32>
    %eq3A_144 = vector.broadcast %broadcast_in_dim3A_143 : vector<512x1xf32> to vector<512x2048xf32>
    %eq3A_145 = arith.cmpf oeq, %select_n3A_140, %eq3A_144 : vector<512x2048xf32>
    %jit3A_146 = arith.constant 2048 : i32
    %broadcast_in_dim3A_147 = vector.broadcast %jit3A_146 : i32 to vector<512x2048xi32>
    %select_n3A_148 = arith.select %eq3A_145, %iota3A, %broadcast_in_dim3A_147 : vector<512x2048xi1>, vector<512x2048xi32>
    %reduce_min3A_149 = arith.constant dense<2147483647> : vector<512xi32>
    %reduce_min3A_150 = vector.multi_reduction <minsi>, %select_n3A_148, %reduce_min3A_149 [1] : vector<512x2048xi32> to vector<512xi32>
    %broadcast_in_dim3A_151 = vector.shape_cast %reduce_min3A_150 : vector<512xi32> to vector<512x1xi32>
    %eq3A_152 = vector.broadcast %broadcast_in_dim3A_151 : vector<512x1xi32> to vector<512x2048xi32>
    %eq3A_153 = arith.cmpi eq, %iota3A, %eq3A_152 : vector<512x2048xi32>
    %jit3A_154 = arith.constant 0x7F800000 : f32
    %broadcast_in_dim3A_155 = vector.broadcast %jit3A_154 : f32 to vector<512x2048xf32>
    %select_n3A_156 = arith.select %eq3A_153, %broadcast_in_dim3A_155, %select_n3A_140 : vector<512x2048xi1>, vector<512x2048xf32>
    %reduce_min3A_157 = arith.constant dense<0x7F800000> : vector<512xf32>
    %reduce_min3A_158 = vector.multi_reduction <minimumf>, %select_n3A_156, %reduce_min3A_157 [1] : vector<512x2048xf32> to vector<512xf32>
    %broadcast_in_dim3A_159 = vector.shape_cast %reduce_min3A_158 : vector<512xf32> to vector<512x1xf32>
    %eq3A_160 = vector.broadcast %broadcast_in_dim3A_159 : vector<512x1xf32> to vector<512x2048xf32>
    %eq3A_161 = arith.cmpf oeq, %select_n3A_156, %eq3A_160 : vector<512x2048xf32>
    %jit3A_162 = arith.constant 2048 : i32
    %broadcast_in_dim3A_163 = vector.broadcast %jit3A_162 : i32 to vector<512x2048xi32>
    %select_n3A_164 = arith.select %eq3A_161, %iota3A, %broadcast_in_dim3A_163 : vector<512x2048xi1>, vector<512x2048xi32>
    %reduce_min3A_165 = arith.constant dense<2147483647> : vector<512xi32>
    %reduce_min3A_166 = vector.multi_reduction <minsi>, %select_n3A_164, %reduce_min3A_165 [1] : vector<512x2048xi32> to vector<512xi32>
    %broadcast_in_dim3A_167 = vector.shape_cast %reduce_min3A_166 : vector<512xi32> to vector<512x1xi32>
    %eq3A_168 = vector.broadcast %broadcast_in_dim3A_167 : vector<512x1xi32> to vector<512x2048xi32>
    %eq3A_169 = arith.cmpi eq, %iota3A, %eq3A_168 : vector<512x2048xi32>
    %jit3A_170 = arith.constant 0x7F800000 : f32
    %broadcast_in_dim3A_171 = vector.broadcast %jit3A_170 : f32 to vector<512x2048xf32>
    %select_n3A_172 = arith.select %eq3A_169, %broadcast_in_dim3A_171, %select_n3A_156 : vector<512x2048xi1>, vector<512x2048xf32>
    %reduce_min3A_173 = arith.constant dense<0x7F800000> : vector<512xf32>
    %reduce_min3A_174 = vector.multi_reduction <minimumf>, %select_n3A_172, %reduce_min3A_173 [1] : vector<512x2048xf32> to vector<512xf32>
    %broadcast_in_dim3A_175 = vector.shape_cast %reduce_min3A_174 : vector<512xf32> to vector<512x1xf32>
    %eq3A_176 = vector.broadcast %broadcast_in_dim3A_175 : vector<512x1xf32> to vector<512x2048xf32>
    %eq3A_177 = arith.cmpf oeq, %select_n3A_172, %eq3A_176 : vector<512x2048xf32>
    %jit3A_178 = arith.constant 2048 : i32
    %broadcast_in_dim3A_179 = vector.broadcast %jit3A_178 : i32 to vector<512x2048xi32>
    %select_n3A_180 = arith.select %eq3A_177, %iota3A, %broadcast_in_dim3A_179 : vector<512x2048xi1>, vector<512x2048xi32>
    %reduce_min3A_181 = arith.constant dense<2147483647> : vector<512xi32>
    %reduce_min3A_182 = vector.multi_reduction <minsi>, %select_n3A_180, %reduce_min3A_181 [1] : vector<512x2048xi32> to vector<512xi32>
    %broadcast_in_dim3A_183 = vector.shape_cast %reduce_min3A_182 : vector<512xi32> to vector<512x1xi32>
    %eq3A_184 = vector.broadcast %broadcast_in_dim3A_183 : vector<512x1xi32> to vector<512x2048xi32>
    %eq3A_185 = arith.cmpi eq, %iota3A, %eq3A_184 : vector<512x2048xi32>
    %jit3A_186 = arith.constant 0x7F800000 : f32
    %broadcast_in_dim3A_187 = vector.broadcast %jit3A_186 : f32 to vector<512x2048xf32>
    %select_n3A_188 = arith.select %eq3A_185, %broadcast_in_dim3A_187, %select_n3A_172 : vector<512x2048xi1>, vector<512x2048xf32>
    %reduce_min3A_189 = arith.constant dense<0x7F800000> : vector<512xf32>
    %reduce_min3A_190 = vector.multi_reduction <minimumf>, %select_n3A_188, %reduce_min3A_189 [1] : vector<512x2048xf32> to vector<512xf32>
    %broadcast_in_dim3A_191 = vector.shape_cast %reduce_min3A_190 : vector<512xf32> to vector<512x1xf32>
    %eq3A_192 = vector.broadcast %broadcast_in_dim3A_191 : vector<512x1xf32> to vector<512x2048xf32>
    %eq3A_193 = arith.cmpf oeq, %select_n3A_188, %eq3A_192 : vector<512x2048xf32>
    %jit3A_194 = arith.constant 2048 : i32
    %broadcast_in_dim3A_195 = vector.broadcast %jit3A_194 : i32 to vector<512x2048xi32>
    %select_n3A_196 = arith.select %eq3A_193, %iota3A, %broadcast_in_dim3A_195 : vector<512x2048xi1>, vector<512x2048xi32>
    %reduce_min3A_197 = arith.constant dense<2147483647> : vector<512xi32>
    %reduce_min3A_198 = vector.multi_reduction <minsi>, %select_n3A_196, %reduce_min3A_197 [1] : vector<512x2048xi32> to vector<512xi32>
    %broadcast_in_dim3A_199 = vector.shape_cast %reduce_min3A_198 : vector<512xi32> to vector<512x1xi32>
    %eq3A_200 = vector.broadcast %broadcast_in_dim3A_199 : vector<512x1xi32> to vector<512x2048xi32>
    %eq3A_201 = arith.cmpi eq, %iota3A, %eq3A_200 : vector<512x2048xi32>
    %jit3A_202 = arith.constant 0x7F800000 : f32
    %broadcast_in_dim3A_203 = vector.broadcast %jit3A_202 : f32 to vector<512x2048xf32>
    %select_n3A_204 = arith.select %eq3A_201, %broadcast_in_dim3A_203, %select_n3A_188 : vector<512x2048xi1>, vector<512x2048xf32>
    %reduce_min3A_205 = arith.constant dense<0x7F800000> : vector<512xf32>
    %reduce_min3A_206 = vector.multi_reduction <minimumf>, %select_n3A_204, %reduce_min3A_205 [1] : vector<512x2048xf32> to vector<512xf32>
    %broadcast_in_dim3A_207 = vector.shape_cast %reduce_min3A_206 : vector<512xf32> to vector<512x1xf32>
    %eq3A_208 = vector.broadcast %broadcast_in_dim3A_207 : vector<512x1xf32> to vector<512x2048xf32>
    %eq3A_209 = arith.cmpf oeq, %select_n3A_204, %eq3A_208 : vector<512x2048xf32>
    %jit3A_210 = arith.constant 2048 : i32
    %broadcast_in_dim3A_211 = vector.broadcast %jit3A_210 : i32 to vector<512x2048xi32>
    %select_n3A_212 = arith.select %eq3A_209, %iota3A, %broadcast_in_dim3A_211 : vector<512x2048xi1>, vector<512x2048xi32>
    %reduce_min3A_213 = arith.constant dense<2147483647> : vector<512xi32>
    %reduce_min3A_214 = vector.multi_reduction <minsi>, %select_n3A_212, %reduce_min3A_213 [1] : vector<512x2048xi32> to vector<512xi32>
    %broadcast_in_dim3A_215 = vector.shape_cast %reduce_min3A_214 : vector<512xi32> to vector<512x1xi32>
    %eq3A_216 = vector.broadcast %broadcast_in_dim3A_215 : vector<512x1xi32> to vector<512x2048xi32>
    %eq3A_217 = arith.cmpi eq, %iota3A, %eq3A_216 : vector<512x2048xi32>
    %jit3A_218 = arith.constant 0x7F800000 : f32
    %broadcast_in_dim3A_219 = vector.broadcast %jit3A_218 : f32 to vector<512x2048xf32>
    %select_n3A_220 = arith.select %eq3A_217, %broadcast_in_dim3A_219, %select_n3A_204 : vector<512x2048xi1>, vector<512x2048xf32>
    %reduce_min3A_221 = arith.constant dense<0x7F800000> : vector<512xf32>
    %reduce_min3A_222 = vector.multi_reduction <minimumf>, %select_n3A_220, %reduce_min3A_221 [1] : vector<512x2048xf32> to vector<512xf32>
    %broadcast_in_dim3A_223 = vector.shape_cast %reduce_min3A_222 : vector<512xf32> to vector<512x1xf32>
    %eq3A_224 = vector.broadcast %broadcast_in_dim3A_223 : vector<512x1xf32> to vector<512x2048xf32>
    %eq3A_225 = arith.cmpf oeq, %select_n3A_220, %eq3A_224 : vector<512x2048xf32>
    %jit3A_226 = arith.constant 2048 : i32
    %broadcast_in_dim3A_227 = vector.broadcast %jit3A_226 : i32 to vector<512x2048xi32>
    %select_n3A_228 = arith.select %eq3A_225, %iota3A, %broadcast_in_dim3A_227 : vector<512x2048xi1>, vector<512x2048xi32>
    %reduce_min3A_229 = arith.constant dense<2147483647> : vector<512xi32>
    %reduce_min3A_230 = vector.multi_reduction <minsi>, %select_n3A_228, %reduce_min3A_229 [1] : vector<512x2048xi32> to vector<512xi32>
    %broadcast_in_dim3A_231 = vector.shape_cast %reduce_min3A_230 : vector<512xi32> to vector<512x1xi32>
    %eq3A_232 = vector.broadcast %broadcast_in_dim3A_231 : vector<512x1xi32> to vector<512x2048xi32>
    %eq3A_233 = arith.cmpi eq, %iota3A, %eq3A_232 : vector<512x2048xi32>
    %jit3A_234 = arith.constant 0x7F800000 : f32
    %broadcast_in_dim3A_235 = vector.broadcast %jit3A_234 : f32 to vector<512x2048xf32>
    %select_n3A_236 = arith.select %eq3A_233, %broadcast_in_dim3A_235, %select_n3A_220 : vector<512x2048xi1>, vector<512x2048xf32>
    %reduce_min3A_237 = arith.constant dense<0x7F800000> : vector<512xf32>
    %reduce_min3A_238 = vector.multi_reduction <minimumf>, %select_n3A_236, %reduce_min3A_237 [1] : vector<512x2048xf32> to vector<512xf32>
    %broadcast_in_dim3A_239 = vector.shape_cast %reduce_min3A_238 : vector<512xf32> to vector<512x1xf32>
    %eq3A_240 = vector.broadcast %broadcast_in_dim3A_239 : vector<512x1xf32> to vector<512x2048xf32>
    %eq3A_241 = arith.cmpf oeq, %select_n3A_236, %eq3A_240 : vector<512x2048xf32>
    %jit3A_242 = arith.constant 2048 : i32
    %broadcast_in_dim3A_243 = vector.broadcast %jit3A_242 : i32 to vector<512x2048xi32>
    %select_n3A_244 = arith.select %eq3A_241, %iota3A, %broadcast_in_dim3A_243 : vector<512x2048xi1>, vector<512x2048xi32>
    %reduce_min3A_245 = arith.constant dense<2147483647> : vector<512xi32>
    %reduce_min3A_246 = vector.multi_reduction <minsi>, %select_n3A_244, %reduce_min3A_245 [1] : vector<512x2048xi32> to vector<512xi32>
    %broadcast_in_dim3A_247 = vector.shape_cast %reduce_min3A_246 : vector<512xi32> to vector<512x1xi32>
    %eq3A_248 = vector.broadcast %broadcast_in_dim3A_247 : vector<512x1xi32> to vector<512x2048xi32>
    %eq3A_249 = arith.cmpi eq, %iota3A, %eq3A_248 : vector<512x2048xi32>
    %jit3A_250 = arith.constant 0x7F800000 : f32
    %broadcast_in_dim3A_251 = vector.broadcast %jit3A_250 : f32 to vector<512x2048xf32>
    %select_n3A_252 = arith.select %eq3A_249, %broadcast_in_dim3A_251, %select_n3A_236 : vector<512x2048xi1>, vector<512x2048xf32>
    %reduce_min3A_253 = arith.constant dense<0x7F800000> : vector<512xf32>
    %reduce_min3A_254 = vector.multi_reduction <minimumf>, %select_n3A_252, %reduce_min3A_253 [1] : vector<512x2048xf32> to vector<512xf32>
    %broadcast_in_dim3A_255 = vector.shape_cast %reduce_min3A_254 : vector<512xf32> to vector<512x1xf32>
    %eq3A_256 = vector.broadcast %broadcast_in_dim3A_255 : vector<512x1xf32> to vector<512x2048xf32>
    %eq3A_257 = arith.cmpf oeq, %select_n3A_252, %eq3A_256 : vector<512x2048xf32>
    %jit3A_258 = arith.constant 2048 : i32
    %broadcast_in_dim3A_259 = vector.broadcast %jit3A_258 : i32 to vector<512x2048xi32>
    %select_n3A_260 = arith.select %eq3A_257, %iota3A, %broadcast_in_dim3A_259 : vector<512x2048xi1>, vector<512x2048xi32>
    %reduce_min3A_261 = arith.constant dense<2147483647> : vector<512xi32>
    %reduce_min3A_262 = vector.multi_reduction <minsi>, %select_n3A_260, %reduce_min3A_261 [1] : vector<512x2048xi32> to vector<512xi32>
    %broadcast_in_dim3A_263 = vector.shape_cast %reduce_min3A_262 : vector<512xi32> to vector<512x1xi32>
    %eq3A_264 = vector.broadcast %broadcast_in_dim3A_263 : vector<512x1xi32> to vector<512x2048xi32>
    %eq3A_265 = arith.cmpi eq, %iota3A, %eq3A_264 : vector<512x2048xi32>
    %jit3A_266 = arith.constant 0x7F800000 : f32
    %broadcast_in_dim3A_267 = vector.broadcast %jit3A_266 : f32 to vector<512x2048xf32>
    %select_n3A_268 = arith.select %eq3A_265, %broadcast_in_dim3A_267, %select_n3A_252 : vector<512x2048xi1>, vector<512x2048xf32>
    %reduce_min3A_269 = arith.constant dense<0x7F800000> : vector<512xf32>
    %reduce_min3A_270 = vector.multi_reduction <minimumf>, %select_n3A_268, %reduce_min3A_269 [1] : vector<512x2048xf32> to vector<512xf32>
    %broadcast_in_dim3A_271 = vector.shape_cast %reduce_min3A_270 : vector<512xf32> to vector<512x1xf32>
    %eq3A_272 = vector.broadcast %broadcast_in_dim3A_271 : vector<512x1xf32> to vector<512x2048xf32>
    %eq3A_273 = arith.cmpf oeq, %select_n3A_268, %eq3A_272 : vector<512x2048xf32>
    %jit3A_274 = arith.constant 2048 : i32
    %broadcast_in_dim3A_275 = vector.broadcast %jit3A_274 : i32 to vector<512x2048xi32>
    %select_n3A_276 = arith.select %eq3A_273, %iota3A, %broadcast_in_dim3A_275 : vector<512x2048xi1>, vector<512x2048xi32>
    %reduce_min3A_277 = arith.constant dense<2147483647> : vector<512xi32>
    %reduce_min3A_278 = vector.multi_reduction <minsi>, %select_n3A_276, %reduce_min3A_277 [1] : vector<512x2048xi32> to vector<512xi32>
    %broadcast_in_dim3A_279 = vector.shape_cast %reduce_min3A_278 : vector<512xi32> to vector<512x1xi32>
    %eq3A_280 = vector.broadcast %broadcast_in_dim3A_279 : vector<512x1xi32> to vector<512x2048xi32>
    %eq3A_281 = arith.cmpi eq, %iota3A, %eq3A_280 : vector<512x2048xi32>
    %jit3A_282 = arith.constant 0x7F800000 : f32
    %broadcast_in_dim3A_283 = vector.broadcast %jit3A_282 : f32 to vector<512x2048xf32>
    %select_n3A_284 = arith.select %eq3A_281, %broadcast_in_dim3A_283, %select_n3A_268 : vector<512x2048xi1>, vector<512x2048xf32>
    %reduce_min3A_285 = arith.constant dense<0x7F800000> : vector<512xf32>
    %reduce_min3A_286 = vector.multi_reduction <minimumf>, %select_n3A_284, %reduce_min3A_285 [1] : vector<512x2048xf32> to vector<512xf32>
    %broadcast_in_dim3A_287 = vector.shape_cast %reduce_min3A_286 : vector<512xf32> to vector<512x1xf32>
    %eq3A_288 = vector.broadcast %broadcast_in_dim3A_287 : vector<512x1xf32> to vector<512x2048xf32>
    %eq3A_289 = arith.cmpf oeq, %select_n3A_284, %eq3A_288 : vector<512x2048xf32>
    %jit3A_290 = arith.constant 2048 : i32
    %broadcast_in_dim3A_291 = vector.broadcast %jit3A_290 : i32 to vector<512x2048xi32>
    %select_n3A_292 = arith.select %eq3A_289, %iota3A, %broadcast_in_dim3A_291 : vector<512x2048xi1>, vector<512x2048xi32>
    %reduce_min3A_293 = arith.constant dense<2147483647> : vector<512xi32>
    %reduce_min3A_294 = vector.multi_reduction <minsi>, %select_n3A_292, %reduce_min3A_293 [1] : vector<512x2048xi32> to vector<512xi32>
    %broadcast_in_dim3A_295 = vector.shape_cast %reduce_min3A_294 : vector<512xi32> to vector<512x1xi32>
    %eq3A_296 = vector.broadcast %broadcast_in_dim3A_295 : vector<512x1xi32> to vector<512x2048xi32>
    %eq3A_297 = arith.cmpi eq, %iota3A, %eq3A_296 : vector<512x2048xi32>
    %jit3A_298 = arith.constant 0x7F800000 : f32
    %broadcast_in_dim3A_299 = vector.broadcast %jit3A_298 : f32 to vector<512x2048xf32>
    %select_n3A_300 = arith.select %eq3A_297, %broadcast_in_dim3A_299, %select_n3A_284 : vector<512x2048xi1>, vector<512x2048xf32>
    %reduce_min3A_301 = arith.constant dense<0x7F800000> : vector<512xf32>
    %reduce_min3A_302 = vector.multi_reduction <minimumf>, %select_n3A_300, %reduce_min3A_301 [1] : vector<512x2048xf32> to vector<512xf32>
    %broadcast_in_dim3A_303 = vector.shape_cast %reduce_min3A_302 : vector<512xf32> to vector<512x1xf32>
    %eq3A_304 = vector.broadcast %broadcast_in_dim3A_303 : vector<512x1xf32> to vector<512x2048xf32>
    %eq3A_305 = arith.cmpf oeq, %select_n3A_300, %eq3A_304 : vector<512x2048xf32>
    %jit3A_306 = arith.constant 2048 : i32
    %broadcast_in_dim3A_307 = vector.broadcast %jit3A_306 : i32 to vector<512x2048xi32>
    %select_n3A_308 = arith.select %eq3A_305, %iota3A, %broadcast_in_dim3A_307 : vector<512x2048xi1>, vector<512x2048xi32>
    %reduce_min3A_309 = arith.constant dense<2147483647> : vector<512xi32>
    %reduce_min3A_310 = vector.multi_reduction <minsi>, %select_n3A_308, %reduce_min3A_309 [1] : vector<512x2048xi32> to vector<512xi32>
    %stack3A = vector.shape_cast %reduce_min3A_6 : vector<512xi32> to vector<512x1xi32>
    %stack3A_311 = vector.shape_cast %reduce_min3A_22 : vector<512xi32> to vector<512x1xi32>
    %stack3A_312 = vector.shape_cast %reduce_min3A_38 : vector<512xi32> to vector<512x1xi32>
    %stack3A_313 = vector.shape_cast %reduce_min3A_54 : vector<512xi32> to vector<512x1xi32>
    %stack3A_314 = vector.shape_cast %reduce_min3A_70 : vector<512xi32> to vector<512x1xi32>
    %stack3A_315 = vector.shape_cast %reduce_min3A_86 : vector<512xi32> to vector<512x1xi32>
    %stack3A_316 = vector.shape_cast %reduce_min3A_102 : vector<512xi32> to vector<512x1xi32>
    %stack3A_317 = vector.shape_cast %reduce_min3A_118 : vector<512xi32> to vector<512x1xi32>
    %stack3A_318 = vector.shape_cast %reduce_min3A_134 : vector<512xi32> to vector<512x1xi32>
    %stack3A_319 = vector.shape_cast %reduce_min3A_150 : vector<512xi32> to vector<512x1xi32>
    %stack3A_320 = vector.shape_cast %reduce_min3A_166 : vector<512xi32> to vector<512x1xi32>
    %stack3A_321 = vector.shape_cast %reduce_min3A_182 : vector<512xi32> to vector<512x1xi32>
    %stack3A_322 = vector.shape_cast %reduce_min3A_198 : vector<512xi32> to vector<512x1xi32>
    %stack3A_323 = vector.shape_cast %reduce_min3A_214 : vector<512xi32> to vector<512x1xi32>
    %stack3A_324 = vector.shape_cast %reduce_min3A_230 : vector<512xi32> to vector<512x1xi32>
    %stack3A_325 = vector.shape_cast %reduce_min3A_246 : vector<512xi32> to vector<512x1xi32>
    %stack3A_326 = vector.shape_cast %reduce_min3A_262 : vector<512xi32> to vector<512x1xi32>
    %stack3A_327 = vector.shape_cast %reduce_min3A_278 : vector<512xi32> to vector<512x1xi32>
    %stack3A_328 = vector.shape_cast %reduce_min3A_294 : vector<512xi32> to vector<512x1xi32>
    %stack3A_329 = vector.shape_cast %reduce_min3A_310 : vector<512xi32> to vector<512x1xi32>
    %stack3A_330 = tpu.concatenate %stack3A, %stack3A_311, %stack3A_312, %stack3A_313, %stack3A_314, %stack3A_315, %stack3A_316, %stack3A_317, %stack3A_318, %stack3A_319, %stack3A_320, %stack3A_321, %stack3A_322, %stack3A_323, %stack3A_324, %stack3A_325, %stack3A_326, %stack3A_327, %stack3A_328, %stack3A_329 in 1 : vector<512x1xi32>, vector<512x1xi32>, vector<512x1xi32>, vector<512x1xi32>, vector<512x1xi32>, vector<512x1xi32>, vector<512x1xi32>, vector<512x1xi32>, vector<512x1xi32>, vector<512x1xi32>, vector<512x1xi32>, vector<512x1xi32>, vector<512x1xi32>, vector<512x1xi32>, vector<512x1xi32>, vector<512x1xi32>, vector<512x1xi32>, vector<512x1xi32>, vector<512x1xi32>, vector<512x1xi32> -> vector<512x20xi32>
    %swap3A = arith.constant 0 : index
    %swap3A_331 = arith.constant 0 : index
    %swap3A_332 = vector.load %arg2[%swap3A, %swap3A_331] : memref<512x20xi32, #tpu.memory_space<vmem>>, vector<512x20xi32>
    tpu.vector_store %arg2[%swap3A, %swap3A_331], %stack3A_330 {strides = array<i32>} : memref<512x20xi32, #tpu.memory_space<vmem>>, vector<512x20xi32>,
    return
  }
  func.func @transform_0(%arg0: i32) -> (i32, i32) {
    %c0_i32 = arith.constant 0 : i32
    %c0_i32_0 = arith.constant 0 : i32
    return %arg0, %c0_i32 : i32, i32
  }
  func.func @transform_1(%arg0: i32) -> (i32, i32) {
    %c0_i32 = arith.constant 0 : i32
    %c0_i32_0 = arith.constant 0 : i32
    return %arg0, %c0_i32 : i32, i32
  }
}

module attributes {stable_mosaic.version = 14 : i64} {
  func.func @_fps_dmat_kernel(%arg0: memref<2048x3xf32, #tpu.memory_space<vmem>>, %arg1: memref<3x2048xf32, #tpu.memory_space<vmem>>, %arg2: memref<1x1024xi32, #tpu.memory_space<vmem>>, %arg3: memref<2048x2048xf32, #tpu.memory_space<vmem>>) attributes {dimension_semantics = [], scalar_prefetch = 0 : i64, scratch_operands = 1 : i64, tpu.core_type = #tpu.core_type<tc>} {
    %get3A = arith.constant 0 : index
    %get3A_0 = arith.constant 0 : index
    %get3A_1 = vector.load %arg0[%get3A, %get3A_0] : memref<2048x3xf32, #tpu.memory_space<vmem>>, vector<2048x3xf32>
    %get3A_2 = arith.constant 0 : index
    %get3A_3 = arith.constant 0 : index
    %get3A_4 = vector.load %arg1[%get3A_2, %get3A_3] : memref<3x2048xf32, #tpu.memory_space<vmem>>, vector<3x2048xf32>
    %slice3A = vector.extract_strided_slice %get3A_1 {offsets = [0, 0], sizes = [2048, 1], strides = [1, 1]} : vector<2048x3xf32> to vector<2048x1xf32>
    %slice3A_5 = vector.extract_strided_slice %get3A_4 {offsets = [0, 0], sizes = [1, 2048], strides = [1, 1]} : vector<3x2048xf32> to vector<1x2048xf32>
    %sub3A = vector.broadcast %slice3A : vector<2048x1xf32> to vector<2048x2048xf32>
    %sub3A_6 = vector.broadcast %slice3A_5 : vector<1x2048xf32> to vector<2048x2048xf32>
    %sub3A_7 = arith.subf %sub3A, %sub3A_6 : vector<2048x2048xf32>
    %slice3A_8 = vector.extract_strided_slice %get3A_1 {offsets = [0, 1], sizes = [2048, 1], strides = [1, 1]} : vector<2048x3xf32> to vector<2048x1xf32>
    %slice3A_9 = vector.extract_strided_slice %get3A_4 {offsets = [1, 0], sizes = [1, 2048], strides = [1, 1]} : vector<3x2048xf32> to vector<1x2048xf32>
    %sub3A_10 = vector.broadcast %slice3A_8 : vector<2048x1xf32> to vector<2048x2048xf32>
    %sub3A_11 = vector.broadcast %slice3A_9 : vector<1x2048xf32> to vector<2048x2048xf32>
    %sub3A_12 = arith.subf %sub3A_10, %sub3A_11 : vector<2048x2048xf32>
    %slice3A_13 = vector.extract_strided_slice %get3A_1 {offsets = [0, 2], sizes = [2048, 1], strides = [1, 1]} : vector<2048x3xf32> to vector<2048x1xf32>
    %slice3A_14 = vector.extract_strided_slice %get3A_4 {offsets = [2, 0], sizes = [1, 2048], strides = [1, 1]} : vector<3x2048xf32> to vector<1x2048xf32>
    %sub3A_15 = vector.broadcast %slice3A_13 : vector<2048x1xf32> to vector<2048x2048xf32>
    %sub3A_16 = vector.broadcast %slice3A_14 : vector<1x2048xf32> to vector<2048x2048xf32>
    %sub3A_17 = arith.subf %sub3A_15, %sub3A_16 : vector<2048x2048xf32>
    %mul3A = arith.mulf %sub3A_7, %sub3A_7 : vector<2048x2048xf32>
    %mul3A_18 = arith.mulf %sub3A_12, %sub3A_12 : vector<2048x2048xf32>
    %add3A = arith.addf %mul3A, %mul3A_18 : vector<2048x2048xf32>
    %mul3A_19 = arith.mulf %sub3A_17, %sub3A_17 : vector<2048x2048xf32>
    %add3A_20 = arith.addf %add3A, %mul3A_19 : vector<2048x2048xf32>
    %swap3A = arith.constant 0 : index
    %swap3A_21 = arith.constant 0 : index
    %swap3A_22 = vector.load %arg3[%swap3A, %swap3A_21] : memref<2048x2048xf32, #tpu.memory_space<vmem>>, vector<2048x2048xf32>
    tpu.vector_store %arg3[%swap3A, %swap3A_21], %add3A_20 {strides = array<i32>} : memref<2048x2048xf32, #tpu.memory_space<vmem>>, vector<2048x2048xf32>,
    %iota3A = tpu.iota {dimensions = array<i32: 1>} : vector<1x2048xi32>
    %iota3A_23 = tpu.iota {dimensions = array<i32: 1>} : vector<1x1024xi32>
    %broadcast_in_dim3A = arith.constant 0x7F800000 : f32
    %broadcast_in_dim3A_24 = vector.broadcast %broadcast_in_dim3A : f32 to vector<1x2048xf32>
    %broadcast_in_dim3A_25 = arith.constant 0 : i32
    %broadcast_in_dim3A_26 = vector.broadcast %broadcast_in_dim3A_25 : i32 to vector<1x1024xi32>
    %scan3A = arith.constant 0 : i32
    %scan3A_27 = arith.constant 1 : i32
    %scan3A_28 = arith.constant 1023 : i32
    %scan3A_29 = arith.addi %scan3A_27, %scan3A_28 : i32
    %scan3A_30 = arith.constant 1 : i32
    %scan3A_31:3 = scf.for %scan3A_36 = %scan3A_27 to %scan3A_29 step %scan3A_30 iter_args(%scan3A_37 = %broadcast_in_dim3A_24, %scan3A_38 = %scan3A, %scan3A_39 = %broadcast_in_dim3A_26) -> (vector<1x2048xf32>, i32, vector<1x1024xi32>)  : i32 {
      %get3A_40 = arith.index_cast %scan3A_38 : i32 to index
      %get3A_41 = arith.constant 0 : index
      %get3A_42 = vector.load %arg3[%get3A_40, %get3A_41] : memref<2048x2048xf32, #tpu.memory_space<vmem>>, vector<1x2048xf32>
      %min3A = arith.minimumf %scan3A_37, %get3A_42 : vector<1x2048xf32>
      %reduce_max3A = vector.shape_cast %min3A : vector<1x2048xf32> to vector<1x1x2048xf32>
      %reduce_max3A_43 = arith.constant dense<0xFF800000> : vector<1xf32>
      %reduce_max3A_44 = vector.multi_reduction <maximumf>, %reduce_max3A, %reduce_max3A_43 [1, 2] : vector<1x1x2048xf32> to vector<1xf32>
      %reduce_max3A_45 = vector.shape_cast %reduce_max3A_44 : vector<1xf32> to vector<1x1x1xf32>
      %reduce_max3A_46 = vector.extract %reduce_max3A_45[0, 0, 0] : f32 from vector<1x1x1xf32>
      %eq3A = vector.broadcast %reduce_max3A_46 : f32 to vector<1x2048xf32>
      %eq3A_47 = arith.cmpf oeq, %min3A, %eq3A : vector<1x2048xf32>
      %jit3A = arith.constant 2048 : i32
      %broadcast_in_dim3A_48 = vector.broadcast %jit3A : i32 to vector<1x2048xi32>
      %select_n3A = arith.select %eq3A_47, %iota3A, %broadcast_in_dim3A_48 : vector<1x2048xi1>, vector<1x2048xi32>
      %reduce_min3A = vector.shape_cast %select_n3A : vector<1x2048xi32> to vector<1x1x2048xi32>
      %reduce_min3A_49 = arith.constant dense<2147483647> : vector<1xi32>
      %reduce_min3A_50 = vector.multi_reduction <minsi>, %reduce_min3A, %reduce_min3A_49 [1, 2] : vector<1x1x2048xi32> to vector<1xi32>
      %reduce_min3A_51 = vector.shape_cast %reduce_min3A_50 : vector<1xi32> to vector<1x1x1xi32>
      %reduce_min3A_52 = vector.extract %reduce_min3A_51[0, 0, 0] : i32 from vector<1x1x1xi32>
      %eq3A_53 = vector.broadcast %scan3A_36 : i32 to vector<1x1024xi32>
      %eq3A_54 = arith.cmpi eq, %iota3A_23, %eq3A_53 : vector<1x1024xi32>
      %broadcast_in_dim3A_55 = vector.broadcast %reduce_min3A_52 : i32 to vector<1x1024xi32>
      %select_n3A_56 = arith.select %eq3A_54, %broadcast_in_dim3A_55, %scan3A_39 : vector<1x1024xi1>, vector<1x1024xi32>
      scf.yield %min3A, %reduce_min3A_52, %select_n3A_56 : vector<1x2048xf32>, i32, vector<1x1024xi32>
    }
    %scan3A_32 = arith.constant 1023 : i32
    %swap3A_33 = arith.constant 0 : index
    %swap3A_34 = arith.constant 0 : index
    %swap3A_35 = vector.load %arg2[%swap3A_33, %swap3A_34] : memref<1x1024xi32, #tpu.memory_space<vmem>>, vector<1x1024xi32>
    tpu.vector_store %arg2[%swap3A_33, %swap3A_34], %scan3A_31#2 {strides = array<i32>} : memref<1x1024xi32, #tpu.memory_space<vmem>>, vector<1x1024xi32>,
    return
  }
}

module attributes {stable_mosaic.version = 14 : i64} {
  func.func @_sel_topk_kernel(%arg0: i32, %arg1: memref<512x2048xf32, #tpu.memory_space<vmem>>, %arg2: memref<512x16xi32, #tpu.memory_space<vmem>>) attributes {dimension_semantics = [#tpu.dimension_semantics<arbitrary>], iteration_bounds = array<i64: 2>, scalar_prefetch = 0 : i64, scratch_operands = 0 : i64, tpu.core_type = #tpu.core_type<tc>, window_params = [{transform_indices = @transform_0, window_bounds = array<i64: 512, 2048>}, {transform_indices = @transform_1, window_bounds = array<i64: 512, 16>}]} {
    %get3A = arith.constant 0 : index
    %get3A_0 = arith.constant 0 : index
    %get3A_1 = vector.load %arg1[%get3A, %get3A_0] : memref<512x2048xf32, #tpu.memory_space<vmem>>, vector<512x2048xf32>
    %iota3A = tpu.iota {dimensions = array<i32: 1>} : vector<512x2048xi32>
    %reduce_min3A = arith.constant dense<0x7F800000> : vector<512xf32>
    %reduce_min3A_2 = vector.multi_reduction <minimumf>, %get3A_1, %reduce_min3A [1] : vector<512x2048xf32> to vector<512xf32>
    %broadcast_in_dim3A = vector.shape_cast %reduce_min3A_2 : vector<512xf32> to vector<512x1xf32>
    %eq3A = vector.broadcast %broadcast_in_dim3A : vector<512x1xf32> to vector<512x2048xf32>
    %eq3A_3 = arith.cmpf oeq, %get3A_1, %eq3A : vector<512x2048xf32>
    %jit3A = arith.constant 2048 : i32
    %broadcast_in_dim3A_4 = vector.broadcast %jit3A : i32 to vector<512x2048xi32>
    %select_n3A = arith.select %eq3A_3, %iota3A, %broadcast_in_dim3A_4 : vector<512x2048xi1>, vector<512x2048xi32>
    %reduce_min3A_5 = arith.constant dense<2147483647> : vector<512xi32>
    %reduce_min3A_6 = vector.multi_reduction <minsi>, %select_n3A, %reduce_min3A_5 [1] : vector<512x2048xi32> to vector<512xi32>
    %broadcast_in_dim3A_7 = vector.shape_cast %reduce_min3A_6 : vector<512xi32> to vector<512x1xi32>
    %eq3A_8 = vector.broadcast %broadcast_in_dim3A_7 : vector<512x1xi32> to vector<512x2048xi32>
    %eq3A_9 = arith.cmpi eq, %iota3A, %eq3A_8 : vector<512x2048xi32>
    %jit3A_10 = arith.constant 0x7F800000 : f32
    %broadcast_in_dim3A_11 = vector.broadcast %jit3A_10 : f32 to vector<512x2048xf32>
    %select_n3A_12 = arith.select %eq3A_9, %broadcast_in_dim3A_11, %get3A_1 : vector<512x2048xi1>, vector<512x2048xf32>
    %reduce_min3A_13 = arith.constant dense<0x7F800000> : vector<512xf32>
    %reduce_min3A_14 = vector.multi_reduction <minimumf>, %select_n3A_12, %reduce_min3A_13 [1] : vector<512x2048xf32> to vector<512xf32>
    %broadcast_in_dim3A_15 = vector.shape_cast %reduce_min3A_14 : vector<512xf32> to vector<512x1xf32>
    %eq3A_16 = vector.broadcast %broadcast_in_dim3A_15 : vector<512x1xf32> to vector<512x2048xf32>
    %eq3A_17 = arith.cmpf oeq, %select_n3A_12, %eq3A_16 : vector<512x2048xf32>
    %jit3A_18 = arith.constant 2048 : i32
    %broadcast_in_dim3A_19 = vector.broadcast %jit3A_18 : i32 to vector<512x2048xi32>
    %select_n3A_20 = arith.select %eq3A_17, %iota3A, %broadcast_in_dim3A_19 : vector<512x2048xi1>, vector<512x2048xi32>
    %reduce_min3A_21 = arith.constant dense<2147483647> : vector<512xi32>
    %reduce_min3A_22 = vector.multi_reduction <minsi>, %select_n3A_20, %reduce_min3A_21 [1] : vector<512x2048xi32> to vector<512xi32>
    %broadcast_in_dim3A_23 = vector.shape_cast %reduce_min3A_22 : vector<512xi32> to vector<512x1xi32>
    %eq3A_24 = vector.broadcast %broadcast_in_dim3A_23 : vector<512x1xi32> to vector<512x2048xi32>
    %eq3A_25 = arith.cmpi eq, %iota3A, %eq3A_24 : vector<512x2048xi32>
    %jit3A_26 = arith.constant 0x7F800000 : f32
    %broadcast_in_dim3A_27 = vector.broadcast %jit3A_26 : f32 to vector<512x2048xf32>
    %select_n3A_28 = arith.select %eq3A_25, %broadcast_in_dim3A_27, %select_n3A_12 : vector<512x2048xi1>, vector<512x2048xf32>
    %reduce_min3A_29 = arith.constant dense<0x7F800000> : vector<512xf32>
    %reduce_min3A_30 = vector.multi_reduction <minimumf>, %select_n3A_28, %reduce_min3A_29 [1] : vector<512x2048xf32> to vector<512xf32>
    %broadcast_in_dim3A_31 = vector.shape_cast %reduce_min3A_30 : vector<512xf32> to vector<512x1xf32>
    %eq3A_32 = vector.broadcast %broadcast_in_dim3A_31 : vector<512x1xf32> to vector<512x2048xf32>
    %eq3A_33 = arith.cmpf oeq, %select_n3A_28, %eq3A_32 : vector<512x2048xf32>
    %jit3A_34 = arith.constant 2048 : i32
    %broadcast_in_dim3A_35 = vector.broadcast %jit3A_34 : i32 to vector<512x2048xi32>
    %select_n3A_36 = arith.select %eq3A_33, %iota3A, %broadcast_in_dim3A_35 : vector<512x2048xi1>, vector<512x2048xi32>
    %reduce_min3A_37 = arith.constant dense<2147483647> : vector<512xi32>
    %reduce_min3A_38 = vector.multi_reduction <minsi>, %select_n3A_36, %reduce_min3A_37 [1] : vector<512x2048xi32> to vector<512xi32>
    %broadcast_in_dim3A_39 = vector.shape_cast %reduce_min3A_38 : vector<512xi32> to vector<512x1xi32>
    %eq3A_40 = vector.broadcast %broadcast_in_dim3A_39 : vector<512x1xi32> to vector<512x2048xi32>
    %eq3A_41 = arith.cmpi eq, %iota3A, %eq3A_40 : vector<512x2048xi32>
    %jit3A_42 = arith.constant 0x7F800000 : f32
    %broadcast_in_dim3A_43 = vector.broadcast %jit3A_42 : f32 to vector<512x2048xf32>
    %select_n3A_44 = arith.select %eq3A_41, %broadcast_in_dim3A_43, %select_n3A_28 : vector<512x2048xi1>, vector<512x2048xf32>
    %reduce_min3A_45 = arith.constant dense<0x7F800000> : vector<512xf32>
    %reduce_min3A_46 = vector.multi_reduction <minimumf>, %select_n3A_44, %reduce_min3A_45 [1] : vector<512x2048xf32> to vector<512xf32>
    %broadcast_in_dim3A_47 = vector.shape_cast %reduce_min3A_46 : vector<512xf32> to vector<512x1xf32>
    %eq3A_48 = vector.broadcast %broadcast_in_dim3A_47 : vector<512x1xf32> to vector<512x2048xf32>
    %eq3A_49 = arith.cmpf oeq, %select_n3A_44, %eq3A_48 : vector<512x2048xf32>
    %jit3A_50 = arith.constant 2048 : i32
    %broadcast_in_dim3A_51 = vector.broadcast %jit3A_50 : i32 to vector<512x2048xi32>
    %select_n3A_52 = arith.select %eq3A_49, %iota3A, %broadcast_in_dim3A_51 : vector<512x2048xi1>, vector<512x2048xi32>
    %reduce_min3A_53 = arith.constant dense<2147483647> : vector<512xi32>
    %reduce_min3A_54 = vector.multi_reduction <minsi>, %select_n3A_52, %reduce_min3A_53 [1] : vector<512x2048xi32> to vector<512xi32>
    %broadcast_in_dim3A_55 = vector.shape_cast %reduce_min3A_54 : vector<512xi32> to vector<512x1xi32>
    %eq3A_56 = vector.broadcast %broadcast_in_dim3A_55 : vector<512x1xi32> to vector<512x2048xi32>
    %eq3A_57 = arith.cmpi eq, %iota3A, %eq3A_56 : vector<512x2048xi32>
    %jit3A_58 = arith.constant 0x7F800000 : f32
    %broadcast_in_dim3A_59 = vector.broadcast %jit3A_58 : f32 to vector<512x2048xf32>
    %select_n3A_60 = arith.select %eq3A_57, %broadcast_in_dim3A_59, %select_n3A_44 : vector<512x2048xi1>, vector<512x2048xf32>
    %reduce_min3A_61 = arith.constant dense<0x7F800000> : vector<512xf32>
    %reduce_min3A_62 = vector.multi_reduction <minimumf>, %select_n3A_60, %reduce_min3A_61 [1] : vector<512x2048xf32> to vector<512xf32>
    %broadcast_in_dim3A_63 = vector.shape_cast %reduce_min3A_62 : vector<512xf32> to vector<512x1xf32>
    %eq3A_64 = vector.broadcast %broadcast_in_dim3A_63 : vector<512x1xf32> to vector<512x2048xf32>
    %eq3A_65 = arith.cmpf oeq, %select_n3A_60, %eq3A_64 : vector<512x2048xf32>
    %jit3A_66 = arith.constant 2048 : i32
    %broadcast_in_dim3A_67 = vector.broadcast %jit3A_66 : i32 to vector<512x2048xi32>
    %select_n3A_68 = arith.select %eq3A_65, %iota3A, %broadcast_in_dim3A_67 : vector<512x2048xi1>, vector<512x2048xi32>
    %reduce_min3A_69 = arith.constant dense<2147483647> : vector<512xi32>
    %reduce_min3A_70 = vector.multi_reduction <minsi>, %select_n3A_68, %reduce_min3A_69 [1] : vector<512x2048xi32> to vector<512xi32>
    %broadcast_in_dim3A_71 = vector.shape_cast %reduce_min3A_70 : vector<512xi32> to vector<512x1xi32>
    %eq3A_72 = vector.broadcast %broadcast_in_dim3A_71 : vector<512x1xi32> to vector<512x2048xi32>
    %eq3A_73 = arith.cmpi eq, %iota3A, %eq3A_72 : vector<512x2048xi32>
    %jit3A_74 = arith.constant 0x7F800000 : f32
    %broadcast_in_dim3A_75 = vector.broadcast %jit3A_74 : f32 to vector<512x2048xf32>
    %select_n3A_76 = arith.select %eq3A_73, %broadcast_in_dim3A_75, %select_n3A_60 : vector<512x2048xi1>, vector<512x2048xf32>
    %reduce_min3A_77 = arith.constant dense<0x7F800000> : vector<512xf32>
    %reduce_min3A_78 = vector.multi_reduction <minimumf>, %select_n3A_76, %reduce_min3A_77 [1] : vector<512x2048xf32> to vector<512xf32>
    %broadcast_in_dim3A_79 = vector.shape_cast %reduce_min3A_78 : vector<512xf32> to vector<512x1xf32>
    %eq3A_80 = vector.broadcast %broadcast_in_dim3A_79 : vector<512x1xf32> to vector<512x2048xf32>
    %eq3A_81 = arith.cmpf oeq, %select_n3A_76, %eq3A_80 : vector<512x2048xf32>
    %jit3A_82 = arith.constant 2048 : i32
    %broadcast_in_dim3A_83 = vector.broadcast %jit3A_82 : i32 to vector<512x2048xi32>
    %select_n3A_84 = arith.select %eq3A_81, %iota3A, %broadcast_in_dim3A_83 : vector<512x2048xi1>, vector<512x2048xi32>
    %reduce_min3A_85 = arith.constant dense<2147483647> : vector<512xi32>
    %reduce_min3A_86 = vector.multi_reduction <minsi>, %select_n3A_84, %reduce_min3A_85 [1] : vector<512x2048xi32> to vector<512xi32>
    %broadcast_in_dim3A_87 = vector.shape_cast %reduce_min3A_86 : vector<512xi32> to vector<512x1xi32>
    %eq3A_88 = vector.broadcast %broadcast_in_dim3A_87 : vector<512x1xi32> to vector<512x2048xi32>
    %eq3A_89 = arith.cmpi eq, %iota3A, %eq3A_88 : vector<512x2048xi32>
    %jit3A_90 = arith.constant 0x7F800000 : f32
    %broadcast_in_dim3A_91 = vector.broadcast %jit3A_90 : f32 to vector<512x2048xf32>
    %select_n3A_92 = arith.select %eq3A_89, %broadcast_in_dim3A_91, %select_n3A_76 : vector<512x2048xi1>, vector<512x2048xf32>
    %reduce_min3A_93 = arith.constant dense<0x7F800000> : vector<512xf32>
    %reduce_min3A_94 = vector.multi_reduction <minimumf>, %select_n3A_92, %reduce_min3A_93 [1] : vector<512x2048xf32> to vector<512xf32>
    %broadcast_in_dim3A_95 = vector.shape_cast %reduce_min3A_94 : vector<512xf32> to vector<512x1xf32>
    %eq3A_96 = vector.broadcast %broadcast_in_dim3A_95 : vector<512x1xf32> to vector<512x2048xf32>
    %eq3A_97 = arith.cmpf oeq, %select_n3A_92, %eq3A_96 : vector<512x2048xf32>
    %jit3A_98 = arith.constant 2048 : i32
    %broadcast_in_dim3A_99 = vector.broadcast %jit3A_98 : i32 to vector<512x2048xi32>
    %select_n3A_100 = arith.select %eq3A_97, %iota3A, %broadcast_in_dim3A_99 : vector<512x2048xi1>, vector<512x2048xi32>
    %reduce_min3A_101 = arith.constant dense<2147483647> : vector<512xi32>
    %reduce_min3A_102 = vector.multi_reduction <minsi>, %select_n3A_100, %reduce_min3A_101 [1] : vector<512x2048xi32> to vector<512xi32>
    %broadcast_in_dim3A_103 = vector.shape_cast %reduce_min3A_102 : vector<512xi32> to vector<512x1xi32>
    %eq3A_104 = vector.broadcast %broadcast_in_dim3A_103 : vector<512x1xi32> to vector<512x2048xi32>
    %eq3A_105 = arith.cmpi eq, %iota3A, %eq3A_104 : vector<512x2048xi32>
    %jit3A_106 = arith.constant 0x7F800000 : f32
    %broadcast_in_dim3A_107 = vector.broadcast %jit3A_106 : f32 to vector<512x2048xf32>
    %select_n3A_108 = arith.select %eq3A_105, %broadcast_in_dim3A_107, %select_n3A_92 : vector<512x2048xi1>, vector<512x2048xf32>
    %reduce_min3A_109 = arith.constant dense<0x7F800000> : vector<512xf32>
    %reduce_min3A_110 = vector.multi_reduction <minimumf>, %select_n3A_108, %reduce_min3A_109 [1] : vector<512x2048xf32> to vector<512xf32>
    %broadcast_in_dim3A_111 = vector.shape_cast %reduce_min3A_110 : vector<512xf32> to vector<512x1xf32>
    %eq3A_112 = vector.broadcast %broadcast_in_dim3A_111 : vector<512x1xf32> to vector<512x2048xf32>
    %eq3A_113 = arith.cmpf oeq, %select_n3A_108, %eq3A_112 : vector<512x2048xf32>
    %jit3A_114 = arith.constant 2048 : i32
    %broadcast_in_dim3A_115 = vector.broadcast %jit3A_114 : i32 to vector<512x2048xi32>
    %select_n3A_116 = arith.select %eq3A_113, %iota3A, %broadcast_in_dim3A_115 : vector<512x2048xi1>, vector<512x2048xi32>
    %reduce_min3A_117 = arith.constant dense<2147483647> : vector<512xi32>
    %reduce_min3A_118 = vector.multi_reduction <minsi>, %select_n3A_116, %reduce_min3A_117 [1] : vector<512x2048xi32> to vector<512xi32>
    %broadcast_in_dim3A_119 = vector.shape_cast %reduce_min3A_118 : vector<512xi32> to vector<512x1xi32>
    %eq3A_120 = vector.broadcast %broadcast_in_dim3A_119 : vector<512x1xi32> to vector<512x2048xi32>
    %eq3A_121 = arith.cmpi eq, %iota3A, %eq3A_120 : vector<512x2048xi32>
    %jit3A_122 = arith.constant 0x7F800000 : f32
    %broadcast_in_dim3A_123 = vector.broadcast %jit3A_122 : f32 to vector<512x2048xf32>
    %select_n3A_124 = arith.select %eq3A_121, %broadcast_in_dim3A_123, %select_n3A_108 : vector<512x2048xi1>, vector<512x2048xf32>
    %reduce_min3A_125 = arith.constant dense<0x7F800000> : vector<512xf32>
    %reduce_min3A_126 = vector.multi_reduction <minimumf>, %select_n3A_124, %reduce_min3A_125 [1] : vector<512x2048xf32> to vector<512xf32>
    %broadcast_in_dim3A_127 = vector.shape_cast %reduce_min3A_126 : vector<512xf32> to vector<512x1xf32>
    %eq3A_128 = vector.broadcast %broadcast_in_dim3A_127 : vector<512x1xf32> to vector<512x2048xf32>
    %eq3A_129 = arith.cmpf oeq, %select_n3A_124, %eq3A_128 : vector<512x2048xf32>
    %jit3A_130 = arith.constant 2048 : i32
    %broadcast_in_dim3A_131 = vector.broadcast %jit3A_130 : i32 to vector<512x2048xi32>
    %select_n3A_132 = arith.select %eq3A_129, %iota3A, %broadcast_in_dim3A_131 : vector<512x2048xi1>, vector<512x2048xi32>
    %reduce_min3A_133 = arith.constant dense<2147483647> : vector<512xi32>
    %reduce_min3A_134 = vector.multi_reduction <minsi>, %select_n3A_132, %reduce_min3A_133 [1] : vector<512x2048xi32> to vector<512xi32>
    %broadcast_in_dim3A_135 = vector.shape_cast %reduce_min3A_134 : vector<512xi32> to vector<512x1xi32>
    %eq3A_136 = vector.broadcast %broadcast_in_dim3A_135 : vector<512x1xi32> to vector<512x2048xi32>
    %eq3A_137 = arith.cmpi eq, %iota3A, %eq3A_136 : vector<512x2048xi32>
    %jit3A_138 = arith.constant 0x7F800000 : f32
    %broadcast_in_dim3A_139 = vector.broadcast %jit3A_138 : f32 to vector<512x2048xf32>
    %select_n3A_140 = arith.select %eq3A_137, %broadcast_in_dim3A_139, %select_n3A_124 : vector<512x2048xi1>, vector<512x2048xf32>
    %reduce_min3A_141 = arith.constant dense<0x7F800000> : vector<512xf32>
    %reduce_min3A_142 = vector.multi_reduction <minimumf>, %select_n3A_140, %reduce_min3A_141 [1] : vector<512x2048xf32> to vector<512xf32>
    %broadcast_in_dim3A_143 = vector.shape_cast %reduce_min3A_142 : vector<512xf32> to vector<512x1xf32>
    %eq3A_144 = vector.broadcast %broadcast_in_dim3A_143 : vector<512x1xf32> to vector<512x2048xf32>
    %eq3A_145 = arith.cmpf oeq, %select_n3A_140, %eq3A_144 : vector<512x2048xf32>
    %jit3A_146 = arith.constant 2048 : i32
    %broadcast_in_dim3A_147 = vector.broadcast %jit3A_146 : i32 to vector<512x2048xi32>
    %select_n3A_148 = arith.select %eq3A_145, %iota3A, %broadcast_in_dim3A_147 : vector<512x2048xi1>, vector<512x2048xi32>
    %reduce_min3A_149 = arith.constant dense<2147483647> : vector<512xi32>
    %reduce_min3A_150 = vector.multi_reduction <minsi>, %select_n3A_148, %reduce_min3A_149 [1] : vector<512x2048xi32> to vector<512xi32>
    %broadcast_in_dim3A_151 = vector.shape_cast %reduce_min3A_150 : vector<512xi32> to vector<512x1xi32>
    %eq3A_152 = vector.broadcast %broadcast_in_dim3A_151 : vector<512x1xi32> to vector<512x2048xi32>
    %eq3A_153 = arith.cmpi eq, %iota3A, %eq3A_152 : vector<512x2048xi32>
    %jit3A_154 = arith.constant 0x7F800000 : f32
    %broadcast_in_dim3A_155 = vector.broadcast %jit3A_154 : f32 to vector<512x2048xf32>
    %select_n3A_156 = arith.select %eq3A_153, %broadcast_in_dim3A_155, %select_n3A_140 : vector<512x2048xi1>, vector<512x2048xf32>
    %reduce_min3A_157 = arith.constant dense<0x7F800000> : vector<512xf32>
    %reduce_min3A_158 = vector.multi_reduction <minimumf>, %select_n3A_156, %reduce_min3A_157 [1] : vector<512x2048xf32> to vector<512xf32>
    %broadcast_in_dim3A_159 = vector.shape_cast %reduce_min3A_158 : vector<512xf32> to vector<512x1xf32>
    %eq3A_160 = vector.broadcast %broadcast_in_dim3A_159 : vector<512x1xf32> to vector<512x2048xf32>
    %eq3A_161 = arith.cmpf oeq, %select_n3A_156, %eq3A_160 : vector<512x2048xf32>
    %jit3A_162 = arith.constant 2048 : i32
    %broadcast_in_dim3A_163 = vector.broadcast %jit3A_162 : i32 to vector<512x2048xi32>
    %select_n3A_164 = arith.select %eq3A_161, %iota3A, %broadcast_in_dim3A_163 : vector<512x2048xi1>, vector<512x2048xi32>
    %reduce_min3A_165 = arith.constant dense<2147483647> : vector<512xi32>
    %reduce_min3A_166 = vector.multi_reduction <minsi>, %select_n3A_164, %reduce_min3A_165 [1] : vector<512x2048xi32> to vector<512xi32>
    %broadcast_in_dim3A_167 = vector.shape_cast %reduce_min3A_166 : vector<512xi32> to vector<512x1xi32>
    %eq3A_168 = vector.broadcast %broadcast_in_dim3A_167 : vector<512x1xi32> to vector<512x2048xi32>
    %eq3A_169 = arith.cmpi eq, %iota3A, %eq3A_168 : vector<512x2048xi32>
    %jit3A_170 = arith.constant 0x7F800000 : f32
    %broadcast_in_dim3A_171 = vector.broadcast %jit3A_170 : f32 to vector<512x2048xf32>
    %select_n3A_172 = arith.select %eq3A_169, %broadcast_in_dim3A_171, %select_n3A_156 : vector<512x2048xi1>, vector<512x2048xf32>
    %reduce_min3A_173 = arith.constant dense<0x7F800000> : vector<512xf32>
    %reduce_min3A_174 = vector.multi_reduction <minimumf>, %select_n3A_172, %reduce_min3A_173 [1] : vector<512x2048xf32> to vector<512xf32>
    %broadcast_in_dim3A_175 = vector.shape_cast %reduce_min3A_174 : vector<512xf32> to vector<512x1xf32>
    %eq3A_176 = vector.broadcast %broadcast_in_dim3A_175 : vector<512x1xf32> to vector<512x2048xf32>
    %eq3A_177 = arith.cmpf oeq, %select_n3A_172, %eq3A_176 : vector<512x2048xf32>
    %jit3A_178 = arith.constant 2048 : i32
    %broadcast_in_dim3A_179 = vector.broadcast %jit3A_178 : i32 to vector<512x2048xi32>
    %select_n3A_180 = arith.select %eq3A_177, %iota3A, %broadcast_in_dim3A_179 : vector<512x2048xi1>, vector<512x2048xi32>
    %reduce_min3A_181 = arith.constant dense<2147483647> : vector<512xi32>
    %reduce_min3A_182 = vector.multi_reduction <minsi>, %select_n3A_180, %reduce_min3A_181 [1] : vector<512x2048xi32> to vector<512xi32>
    %broadcast_in_dim3A_183 = vector.shape_cast %reduce_min3A_182 : vector<512xi32> to vector<512x1xi32>
    %eq3A_184 = vector.broadcast %broadcast_in_dim3A_183 : vector<512x1xi32> to vector<512x2048xi32>
    %eq3A_185 = arith.cmpi eq, %iota3A, %eq3A_184 : vector<512x2048xi32>
    %jit3A_186 = arith.constant 0x7F800000 : f32
    %broadcast_in_dim3A_187 = vector.broadcast %jit3A_186 : f32 to vector<512x2048xf32>
    %select_n3A_188 = arith.select %eq3A_185, %broadcast_in_dim3A_187, %select_n3A_172 : vector<512x2048xi1>, vector<512x2048xf32>
    %reduce_min3A_189 = arith.constant dense<0x7F800000> : vector<512xf32>
    %reduce_min3A_190 = vector.multi_reduction <minimumf>, %select_n3A_188, %reduce_min3A_189 [1] : vector<512x2048xf32> to vector<512xf32>
    %broadcast_in_dim3A_191 = vector.shape_cast %reduce_min3A_190 : vector<512xf32> to vector<512x1xf32>
    %eq3A_192 = vector.broadcast %broadcast_in_dim3A_191 : vector<512x1xf32> to vector<512x2048xf32>
    %eq3A_193 = arith.cmpf oeq, %select_n3A_188, %eq3A_192 : vector<512x2048xf32>
    %jit3A_194 = arith.constant 2048 : i32
    %broadcast_in_dim3A_195 = vector.broadcast %jit3A_194 : i32 to vector<512x2048xi32>
    %select_n3A_196 = arith.select %eq3A_193, %iota3A, %broadcast_in_dim3A_195 : vector<512x2048xi1>, vector<512x2048xi32>
    %reduce_min3A_197 = arith.constant dense<2147483647> : vector<512xi32>
    %reduce_min3A_198 = vector.multi_reduction <minsi>, %select_n3A_196, %reduce_min3A_197 [1] : vector<512x2048xi32> to vector<512xi32>
    %broadcast_in_dim3A_199 = vector.shape_cast %reduce_min3A_198 : vector<512xi32> to vector<512x1xi32>
    %eq3A_200 = vector.broadcast %broadcast_in_dim3A_199 : vector<512x1xi32> to vector<512x2048xi32>
    %eq3A_201 = arith.cmpi eq, %iota3A, %eq3A_200 : vector<512x2048xi32>
    %jit3A_202 = arith.constant 0x7F800000 : f32
    %broadcast_in_dim3A_203 = vector.broadcast %jit3A_202 : f32 to vector<512x2048xf32>
    %select_n3A_204 = arith.select %eq3A_201, %broadcast_in_dim3A_203, %select_n3A_188 : vector<512x2048xi1>, vector<512x2048xf32>
    %reduce_min3A_205 = arith.constant dense<0x7F800000> : vector<512xf32>
    %reduce_min3A_206 = vector.multi_reduction <minimumf>, %select_n3A_204, %reduce_min3A_205 [1] : vector<512x2048xf32> to vector<512xf32>
    %broadcast_in_dim3A_207 = vector.shape_cast %reduce_min3A_206 : vector<512xf32> to vector<512x1xf32>
    %eq3A_208 = vector.broadcast %broadcast_in_dim3A_207 : vector<512x1xf32> to vector<512x2048xf32>
    %eq3A_209 = arith.cmpf oeq, %select_n3A_204, %eq3A_208 : vector<512x2048xf32>
    %jit3A_210 = arith.constant 2048 : i32
    %broadcast_in_dim3A_211 = vector.broadcast %jit3A_210 : i32 to vector<512x2048xi32>
    %select_n3A_212 = arith.select %eq3A_209, %iota3A, %broadcast_in_dim3A_211 : vector<512x2048xi1>, vector<512x2048xi32>
    %reduce_min3A_213 = arith.constant dense<2147483647> : vector<512xi32>
    %reduce_min3A_214 = vector.multi_reduction <minsi>, %select_n3A_212, %reduce_min3A_213 [1] : vector<512x2048xi32> to vector<512xi32>
    %broadcast_in_dim3A_215 = vector.shape_cast %reduce_min3A_214 : vector<512xi32> to vector<512x1xi32>
    %eq3A_216 = vector.broadcast %broadcast_in_dim3A_215 : vector<512x1xi32> to vector<512x2048xi32>
    %eq3A_217 = arith.cmpi eq, %iota3A, %eq3A_216 : vector<512x2048xi32>
    %jit3A_218 = arith.constant 0x7F800000 : f32
    %broadcast_in_dim3A_219 = vector.broadcast %jit3A_218 : f32 to vector<512x2048xf32>
    %select_n3A_220 = arith.select %eq3A_217, %broadcast_in_dim3A_219, %select_n3A_204 : vector<512x2048xi1>, vector<512x2048xf32>
    %reduce_min3A_221 = arith.constant dense<0x7F800000> : vector<512xf32>
    %reduce_min3A_222 = vector.multi_reduction <minimumf>, %select_n3A_220, %reduce_min3A_221 [1] : vector<512x2048xf32> to vector<512xf32>
    %broadcast_in_dim3A_223 = vector.shape_cast %reduce_min3A_222 : vector<512xf32> to vector<512x1xf32>
    %eq3A_224 = vector.broadcast %broadcast_in_dim3A_223 : vector<512x1xf32> to vector<512x2048xf32>
    %eq3A_225 = arith.cmpf oeq, %select_n3A_220, %eq3A_224 : vector<512x2048xf32>
    %jit3A_226 = arith.constant 2048 : i32
    %broadcast_in_dim3A_227 = vector.broadcast %jit3A_226 : i32 to vector<512x2048xi32>
    %select_n3A_228 = arith.select %eq3A_225, %iota3A, %broadcast_in_dim3A_227 : vector<512x2048xi1>, vector<512x2048xi32>
    %reduce_min3A_229 = arith.constant dense<2147483647> : vector<512xi32>
    %reduce_min3A_230 = vector.multi_reduction <minsi>, %select_n3A_228, %reduce_min3A_229 [1] : vector<512x2048xi32> to vector<512xi32>
    %broadcast_in_dim3A_231 = vector.shape_cast %reduce_min3A_230 : vector<512xi32> to vector<512x1xi32>
    %eq3A_232 = vector.broadcast %broadcast_in_dim3A_231 : vector<512x1xi32> to vector<512x2048xi32>
    %eq3A_233 = arith.cmpi eq, %iota3A, %eq3A_232 : vector<512x2048xi32>
    %jit3A_234 = arith.constant 0x7F800000 : f32
    %broadcast_in_dim3A_235 = vector.broadcast %jit3A_234 : f32 to vector<512x2048xf32>
    %select_n3A_236 = arith.select %eq3A_233, %broadcast_in_dim3A_235, %select_n3A_220 : vector<512x2048xi1>, vector<512x2048xf32>
    %reduce_min3A_237 = arith.constant dense<0x7F800000> : vector<512xf32>
    %reduce_min3A_238 = vector.multi_reduction <minimumf>, %select_n3A_236, %reduce_min3A_237 [1] : vector<512x2048xf32> to vector<512xf32>
    %broadcast_in_dim3A_239 = vector.shape_cast %reduce_min3A_238 : vector<512xf32> to vector<512x1xf32>
    %eq3A_240 = vector.broadcast %broadcast_in_dim3A_239 : vector<512x1xf32> to vector<512x2048xf32>
    %eq3A_241 = arith.cmpf oeq, %select_n3A_236, %eq3A_240 : vector<512x2048xf32>
    %jit3A_242 = arith.constant 2048 : i32
    %broadcast_in_dim3A_243 = vector.broadcast %jit3A_242 : i32 to vector<512x2048xi32>
    %select_n3A_244 = arith.select %eq3A_241, %iota3A, %broadcast_in_dim3A_243 : vector<512x2048xi1>, vector<512x2048xi32>
    %reduce_min3A_245 = arith.constant dense<2147483647> : vector<512xi32>
    %reduce_min3A_246 = vector.multi_reduction <minsi>, %select_n3A_244, %reduce_min3A_245 [1] : vector<512x2048xi32> to vector<512xi32>
    %stack3A = vector.shape_cast %reduce_min3A_6 : vector<512xi32> to vector<512x1xi32>
    %stack3A_247 = vector.shape_cast %reduce_min3A_22 : vector<512xi32> to vector<512x1xi32>
    %stack3A_248 = vector.shape_cast %reduce_min3A_38 : vector<512xi32> to vector<512x1xi32>
    %stack3A_249 = vector.shape_cast %reduce_min3A_54 : vector<512xi32> to vector<512x1xi32>
    %stack3A_250 = vector.shape_cast %reduce_min3A_70 : vector<512xi32> to vector<512x1xi32>
    %stack3A_251 = vector.shape_cast %reduce_min3A_86 : vector<512xi32> to vector<512x1xi32>
    %stack3A_252 = vector.shape_cast %reduce_min3A_102 : vector<512xi32> to vector<512x1xi32>
    %stack3A_253 = vector.shape_cast %reduce_min3A_118 : vector<512xi32> to vector<512x1xi32>
    %stack3A_254 = vector.shape_cast %reduce_min3A_134 : vector<512xi32> to vector<512x1xi32>
    %stack3A_255 = vector.shape_cast %reduce_min3A_150 : vector<512xi32> to vector<512x1xi32>
    %stack3A_256 = vector.shape_cast %reduce_min3A_166 : vector<512xi32> to vector<512x1xi32>
    %stack3A_257 = vector.shape_cast %reduce_min3A_182 : vector<512xi32> to vector<512x1xi32>
    %stack3A_258 = vector.shape_cast %reduce_min3A_198 : vector<512xi32> to vector<512x1xi32>
    %stack3A_259 = vector.shape_cast %reduce_min3A_214 : vector<512xi32> to vector<512x1xi32>
    %stack3A_260 = vector.shape_cast %reduce_min3A_230 : vector<512xi32> to vector<512x1xi32>
    %stack3A_261 = vector.shape_cast %reduce_min3A_246 : vector<512xi32> to vector<512x1xi32>
    %stack3A_262 = tpu.concatenate %stack3A, %stack3A_247, %stack3A_248, %stack3A_249, %stack3A_250, %stack3A_251, %stack3A_252, %stack3A_253, %stack3A_254, %stack3A_255, %stack3A_256, %stack3A_257, %stack3A_258, %stack3A_259, %stack3A_260, %stack3A_261 in 1 : vector<512x1xi32>, vector<512x1xi32>, vector<512x1xi32>, vector<512x1xi32>, vector<512x1xi32>, vector<512x1xi32>, vector<512x1xi32>, vector<512x1xi32>, vector<512x1xi32>, vector<512x1xi32>, vector<512x1xi32>, vector<512x1xi32>, vector<512x1xi32>, vector<512x1xi32>, vector<512x1xi32>, vector<512x1xi32> -> vector<512x16xi32>
    %swap3A = arith.constant 0 : index
    %swap3A_263 = arith.constant 0 : index
    %swap3A_264 = vector.load %arg2[%swap3A, %swap3A_263] : memref<512x16xi32, #tpu.memory_space<vmem>>, vector<512x16xi32>
    tpu.vector_store %arg2[%swap3A, %swap3A_263], %stack3A_262 {strides = array<i32>} : memref<512x16xi32, #tpu.memory_space<vmem>>, vector<512x16xi32>,
    return
  }
  func.func @transform_0(%arg0: i32) -> (i32, i32) {
    %c0_i32 = arith.constant 0 : i32
    %c0_i32_0 = arith.constant 0 : i32
    return %arg0, %c0_i32 : i32, i32
  }
  func.func @transform_1(%arg0: i32) -> (i32, i32) {
    %c0_i32 = arith.constant 0 : i32
    %c0_i32_0 = arith.constant 0 : i32
    return %arg0, %c0_i32 : i32, i32
  }
}

module attributes {stable_mosaic.version = 14 : i64} {
  func.func @_sel_topk_kernel(%arg0: i32, %arg1: memref<512x1024xf32, #tpu.memory_space<vmem>>, %arg2: memref<512x20xi32, #tpu.memory_space<vmem>>) attributes {dimension_semantics = [#tpu.dimension_semantics<arbitrary>], iteration_bounds = array<i64: 2>, scalar_prefetch = 0 : i64, scratch_operands = 0 : i64, tpu.core_type = #tpu.core_type<tc>, window_params = [{transform_indices = @transform_0, window_bounds = array<i64: 512, 1024>}, {transform_indices = @transform_1, window_bounds = array<i64: 512, 20>}]} {
    %get3A = arith.constant 0 : index
    %get3A_0 = arith.constant 0 : index
    %get3A_1 = vector.load %arg1[%get3A, %get3A_0] : memref<512x1024xf32, #tpu.memory_space<vmem>>, vector<512x1024xf32>
    %iota3A = tpu.iota {dimensions = array<i32: 1>} : vector<512x1024xi32>
    %reduce_min3A = arith.constant dense<0x7F800000> : vector<512xf32>
    %reduce_min3A_2 = vector.multi_reduction <minimumf>, %get3A_1, %reduce_min3A [1] : vector<512x1024xf32> to vector<512xf32>
    %broadcast_in_dim3A = vector.shape_cast %reduce_min3A_2 : vector<512xf32> to vector<512x1xf32>
    %eq3A = vector.broadcast %broadcast_in_dim3A : vector<512x1xf32> to vector<512x1024xf32>
    %eq3A_3 = arith.cmpf oeq, %get3A_1, %eq3A : vector<512x1024xf32>
    %jit3A = arith.constant 1024 : i32
    %broadcast_in_dim3A_4 = vector.broadcast %jit3A : i32 to vector<512x1024xi32>
    %select_n3A = arith.select %eq3A_3, %iota3A, %broadcast_in_dim3A_4 : vector<512x1024xi1>, vector<512x1024xi32>
    %reduce_min3A_5 = arith.constant dense<2147483647> : vector<512xi32>
    %reduce_min3A_6 = vector.multi_reduction <minsi>, %select_n3A, %reduce_min3A_5 [1] : vector<512x1024xi32> to vector<512xi32>
    %broadcast_in_dim3A_7 = vector.shape_cast %reduce_min3A_6 : vector<512xi32> to vector<512x1xi32>
    %eq3A_8 = vector.broadcast %broadcast_in_dim3A_7 : vector<512x1xi32> to vector<512x1024xi32>
    %eq3A_9 = arith.cmpi eq, %iota3A, %eq3A_8 : vector<512x1024xi32>
    %jit3A_10 = arith.constant 0x7F800000 : f32
    %broadcast_in_dim3A_11 = vector.broadcast %jit3A_10 : f32 to vector<512x1024xf32>
    %select_n3A_12 = arith.select %eq3A_9, %broadcast_in_dim3A_11, %get3A_1 : vector<512x1024xi1>, vector<512x1024xf32>
    %reduce_min3A_13 = arith.constant dense<0x7F800000> : vector<512xf32>
    %reduce_min3A_14 = vector.multi_reduction <minimumf>, %select_n3A_12, %reduce_min3A_13 [1] : vector<512x1024xf32> to vector<512xf32>
    %broadcast_in_dim3A_15 = vector.shape_cast %reduce_min3A_14 : vector<512xf32> to vector<512x1xf32>
    %eq3A_16 = vector.broadcast %broadcast_in_dim3A_15 : vector<512x1xf32> to vector<512x1024xf32>
    %eq3A_17 = arith.cmpf oeq, %select_n3A_12, %eq3A_16 : vector<512x1024xf32>
    %jit3A_18 = arith.constant 1024 : i32
    %broadcast_in_dim3A_19 = vector.broadcast %jit3A_18 : i32 to vector<512x1024xi32>
    %select_n3A_20 = arith.select %eq3A_17, %iota3A, %broadcast_in_dim3A_19 : vector<512x1024xi1>, vector<512x1024xi32>
    %reduce_min3A_21 = arith.constant dense<2147483647> : vector<512xi32>
    %reduce_min3A_22 = vector.multi_reduction <minsi>, %select_n3A_20, %reduce_min3A_21 [1] : vector<512x1024xi32> to vector<512xi32>
    %broadcast_in_dim3A_23 = vector.shape_cast %reduce_min3A_22 : vector<512xi32> to vector<512x1xi32>
    %eq3A_24 = vector.broadcast %broadcast_in_dim3A_23 : vector<512x1xi32> to vector<512x1024xi32>
    %eq3A_25 = arith.cmpi eq, %iota3A, %eq3A_24 : vector<512x1024xi32>
    %jit3A_26 = arith.constant 0x7F800000 : f32
    %broadcast_in_dim3A_27 = vector.broadcast %jit3A_26 : f32 to vector<512x1024xf32>
    %select_n3A_28 = arith.select %eq3A_25, %broadcast_in_dim3A_27, %select_n3A_12 : vector<512x1024xi1>, vector<512x1024xf32>
    %reduce_min3A_29 = arith.constant dense<0x7F800000> : vector<512xf32>
    %reduce_min3A_30 = vector.multi_reduction <minimumf>, %select_n3A_28, %reduce_min3A_29 [1] : vector<512x1024xf32> to vector<512xf32>
    %broadcast_in_dim3A_31 = vector.shape_cast %reduce_min3A_30 : vector<512xf32> to vector<512x1xf32>
    %eq3A_32 = vector.broadcast %broadcast_in_dim3A_31 : vector<512x1xf32> to vector<512x1024xf32>
    %eq3A_33 = arith.cmpf oeq, %select_n3A_28, %eq3A_32 : vector<512x1024xf32>
    %jit3A_34 = arith.constant 1024 : i32
    %broadcast_in_dim3A_35 = vector.broadcast %jit3A_34 : i32 to vector<512x1024xi32>
    %select_n3A_36 = arith.select %eq3A_33, %iota3A, %broadcast_in_dim3A_35 : vector<512x1024xi1>, vector<512x1024xi32>
    %reduce_min3A_37 = arith.constant dense<2147483647> : vector<512xi32>
    %reduce_min3A_38 = vector.multi_reduction <minsi>, %select_n3A_36, %reduce_min3A_37 [1] : vector<512x1024xi32> to vector<512xi32>
    %broadcast_in_dim3A_39 = vector.shape_cast %reduce_min3A_38 : vector<512xi32> to vector<512x1xi32>
    %eq3A_40 = vector.broadcast %broadcast_in_dim3A_39 : vector<512x1xi32> to vector<512x1024xi32>
    %eq3A_41 = arith.cmpi eq, %iota3A, %eq3A_40 : vector<512x1024xi32>
    %jit3A_42 = arith.constant 0x7F800000 : f32
    %broadcast_in_dim3A_43 = vector.broadcast %jit3A_42 : f32 to vector<512x1024xf32>
    %select_n3A_44 = arith.select %eq3A_41, %broadcast_in_dim3A_43, %select_n3A_28 : vector<512x1024xi1>, vector<512x1024xf32>
    %reduce_min3A_45 = arith.constant dense<0x7F800000> : vector<512xf32>
    %reduce_min3A_46 = vector.multi_reduction <minimumf>, %select_n3A_44, %reduce_min3A_45 [1] : vector<512x1024xf32> to vector<512xf32>
    %broadcast_in_dim3A_47 = vector.shape_cast %reduce_min3A_46 : vector<512xf32> to vector<512x1xf32>
    %eq3A_48 = vector.broadcast %broadcast_in_dim3A_47 : vector<512x1xf32> to vector<512x1024xf32>
    %eq3A_49 = arith.cmpf oeq, %select_n3A_44, %eq3A_48 : vector<512x1024xf32>
    %jit3A_50 = arith.constant 1024 : i32
    %broadcast_in_dim3A_51 = vector.broadcast %jit3A_50 : i32 to vector<512x1024xi32>
    %select_n3A_52 = arith.select %eq3A_49, %iota3A, %broadcast_in_dim3A_51 : vector<512x1024xi1>, vector<512x1024xi32>
    %reduce_min3A_53 = arith.constant dense<2147483647> : vector<512xi32>
    %reduce_min3A_54 = vector.multi_reduction <minsi>, %select_n3A_52, %reduce_min3A_53 [1] : vector<512x1024xi32> to vector<512xi32>
    %broadcast_in_dim3A_55 = vector.shape_cast %reduce_min3A_54 : vector<512xi32> to vector<512x1xi32>
    %eq3A_56 = vector.broadcast %broadcast_in_dim3A_55 : vector<512x1xi32> to vector<512x1024xi32>
    %eq3A_57 = arith.cmpi eq, %iota3A, %eq3A_56 : vector<512x1024xi32>
    %jit3A_58 = arith.constant 0x7F800000 : f32
    %broadcast_in_dim3A_59 = vector.broadcast %jit3A_58 : f32 to vector<512x1024xf32>
    %select_n3A_60 = arith.select %eq3A_57, %broadcast_in_dim3A_59, %select_n3A_44 : vector<512x1024xi1>, vector<512x1024xf32>
    %reduce_min3A_61 = arith.constant dense<0x7F800000> : vector<512xf32>
    %reduce_min3A_62 = vector.multi_reduction <minimumf>, %select_n3A_60, %reduce_min3A_61 [1] : vector<512x1024xf32> to vector<512xf32>
    %broadcast_in_dim3A_63 = vector.shape_cast %reduce_min3A_62 : vector<512xf32> to vector<512x1xf32>
    %eq3A_64 = vector.broadcast %broadcast_in_dim3A_63 : vector<512x1xf32> to vector<512x1024xf32>
    %eq3A_65 = arith.cmpf oeq, %select_n3A_60, %eq3A_64 : vector<512x1024xf32>
    %jit3A_66 = arith.constant 1024 : i32
    %broadcast_in_dim3A_67 = vector.broadcast %jit3A_66 : i32 to vector<512x1024xi32>
    %select_n3A_68 = arith.select %eq3A_65, %iota3A, %broadcast_in_dim3A_67 : vector<512x1024xi1>, vector<512x1024xi32>
    %reduce_min3A_69 = arith.constant dense<2147483647> : vector<512xi32>
    %reduce_min3A_70 = vector.multi_reduction <minsi>, %select_n3A_68, %reduce_min3A_69 [1] : vector<512x1024xi32> to vector<512xi32>
    %broadcast_in_dim3A_71 = vector.shape_cast %reduce_min3A_70 : vector<512xi32> to vector<512x1xi32>
    %eq3A_72 = vector.broadcast %broadcast_in_dim3A_71 : vector<512x1xi32> to vector<512x1024xi32>
    %eq3A_73 = arith.cmpi eq, %iota3A, %eq3A_72 : vector<512x1024xi32>
    %jit3A_74 = arith.constant 0x7F800000 : f32
    %broadcast_in_dim3A_75 = vector.broadcast %jit3A_74 : f32 to vector<512x1024xf32>
    %select_n3A_76 = arith.select %eq3A_73, %broadcast_in_dim3A_75, %select_n3A_60 : vector<512x1024xi1>, vector<512x1024xf32>
    %reduce_min3A_77 = arith.constant dense<0x7F800000> : vector<512xf32>
    %reduce_min3A_78 = vector.multi_reduction <minimumf>, %select_n3A_76, %reduce_min3A_77 [1] : vector<512x1024xf32> to vector<512xf32>
    %broadcast_in_dim3A_79 = vector.shape_cast %reduce_min3A_78 : vector<512xf32> to vector<512x1xf32>
    %eq3A_80 = vector.broadcast %broadcast_in_dim3A_79 : vector<512x1xf32> to vector<512x1024xf32>
    %eq3A_81 = arith.cmpf oeq, %select_n3A_76, %eq3A_80 : vector<512x1024xf32>
    %jit3A_82 = arith.constant 1024 : i32
    %broadcast_in_dim3A_83 = vector.broadcast %jit3A_82 : i32 to vector<512x1024xi32>
    %select_n3A_84 = arith.select %eq3A_81, %iota3A, %broadcast_in_dim3A_83 : vector<512x1024xi1>, vector<512x1024xi32>
    %reduce_min3A_85 = arith.constant dense<2147483647> : vector<512xi32>
    %reduce_min3A_86 = vector.multi_reduction <minsi>, %select_n3A_84, %reduce_min3A_85 [1] : vector<512x1024xi32> to vector<512xi32>
    %broadcast_in_dim3A_87 = vector.shape_cast %reduce_min3A_86 : vector<512xi32> to vector<512x1xi32>
    %eq3A_88 = vector.broadcast %broadcast_in_dim3A_87 : vector<512x1xi32> to vector<512x1024xi32>
    %eq3A_89 = arith.cmpi eq, %iota3A, %eq3A_88 : vector<512x1024xi32>
    %jit3A_90 = arith.constant 0x7F800000 : f32
    %broadcast_in_dim3A_91 = vector.broadcast %jit3A_90 : f32 to vector<512x1024xf32>
    %select_n3A_92 = arith.select %eq3A_89, %broadcast_in_dim3A_91, %select_n3A_76 : vector<512x1024xi1>, vector<512x1024xf32>
    %reduce_min3A_93 = arith.constant dense<0x7F800000> : vector<512xf32>
    %reduce_min3A_94 = vector.multi_reduction <minimumf>, %select_n3A_92, %reduce_min3A_93 [1] : vector<512x1024xf32> to vector<512xf32>
    %broadcast_in_dim3A_95 = vector.shape_cast %reduce_min3A_94 : vector<512xf32> to vector<512x1xf32>
    %eq3A_96 = vector.broadcast %broadcast_in_dim3A_95 : vector<512x1xf32> to vector<512x1024xf32>
    %eq3A_97 = arith.cmpf oeq, %select_n3A_92, %eq3A_96 : vector<512x1024xf32>
    %jit3A_98 = arith.constant 1024 : i32
    %broadcast_in_dim3A_99 = vector.broadcast %jit3A_98 : i32 to vector<512x1024xi32>
    %select_n3A_100 = arith.select %eq3A_97, %iota3A, %broadcast_in_dim3A_99 : vector<512x1024xi1>, vector<512x1024xi32>
    %reduce_min3A_101 = arith.constant dense<2147483647> : vector<512xi32>
    %reduce_min3A_102 = vector.multi_reduction <minsi>, %select_n3A_100, %reduce_min3A_101 [1] : vector<512x1024xi32> to vector<512xi32>
    %broadcast_in_dim3A_103 = vector.shape_cast %reduce_min3A_102 : vector<512xi32> to vector<512x1xi32>
    %eq3A_104 = vector.broadcast %broadcast_in_dim3A_103 : vector<512x1xi32> to vector<512x1024xi32>
    %eq3A_105 = arith.cmpi eq, %iota3A, %eq3A_104 : vector<512x1024xi32>
    %jit3A_106 = arith.constant 0x7F800000 : f32
    %broadcast_in_dim3A_107 = vector.broadcast %jit3A_106 : f32 to vector<512x1024xf32>
    %select_n3A_108 = arith.select %eq3A_105, %broadcast_in_dim3A_107, %select_n3A_92 : vector<512x1024xi1>, vector<512x1024xf32>
    %reduce_min3A_109 = arith.constant dense<0x7F800000> : vector<512xf32>
    %reduce_min3A_110 = vector.multi_reduction <minimumf>, %select_n3A_108, %reduce_min3A_109 [1] : vector<512x1024xf32> to vector<512xf32>
    %broadcast_in_dim3A_111 = vector.shape_cast %reduce_min3A_110 : vector<512xf32> to vector<512x1xf32>
    %eq3A_112 = vector.broadcast %broadcast_in_dim3A_111 : vector<512x1xf32> to vector<512x1024xf32>
    %eq3A_113 = arith.cmpf oeq, %select_n3A_108, %eq3A_112 : vector<512x1024xf32>
    %jit3A_114 = arith.constant 1024 : i32
    %broadcast_in_dim3A_115 = vector.broadcast %jit3A_114 : i32 to vector<512x1024xi32>
    %select_n3A_116 = arith.select %eq3A_113, %iota3A, %broadcast_in_dim3A_115 : vector<512x1024xi1>, vector<512x1024xi32>
    %reduce_min3A_117 = arith.constant dense<2147483647> : vector<512xi32>
    %reduce_min3A_118 = vector.multi_reduction <minsi>, %select_n3A_116, %reduce_min3A_117 [1] : vector<512x1024xi32> to vector<512xi32>
    %broadcast_in_dim3A_119 = vector.shape_cast %reduce_min3A_118 : vector<512xi32> to vector<512x1xi32>
    %eq3A_120 = vector.broadcast %broadcast_in_dim3A_119 : vector<512x1xi32> to vector<512x1024xi32>
    %eq3A_121 = arith.cmpi eq, %iota3A, %eq3A_120 : vector<512x1024xi32>
    %jit3A_122 = arith.constant 0x7F800000 : f32
    %broadcast_in_dim3A_123 = vector.broadcast %jit3A_122 : f32 to vector<512x1024xf32>
    %select_n3A_124 = arith.select %eq3A_121, %broadcast_in_dim3A_123, %select_n3A_108 : vector<512x1024xi1>, vector<512x1024xf32>
    %reduce_min3A_125 = arith.constant dense<0x7F800000> : vector<512xf32>
    %reduce_min3A_126 = vector.multi_reduction <minimumf>, %select_n3A_124, %reduce_min3A_125 [1] : vector<512x1024xf32> to vector<512xf32>
    %broadcast_in_dim3A_127 = vector.shape_cast %reduce_min3A_126 : vector<512xf32> to vector<512x1xf32>
    %eq3A_128 = vector.broadcast %broadcast_in_dim3A_127 : vector<512x1xf32> to vector<512x1024xf32>
    %eq3A_129 = arith.cmpf oeq, %select_n3A_124, %eq3A_128 : vector<512x1024xf32>
    %jit3A_130 = arith.constant 1024 : i32
    %broadcast_in_dim3A_131 = vector.broadcast %jit3A_130 : i32 to vector<512x1024xi32>
    %select_n3A_132 = arith.select %eq3A_129, %iota3A, %broadcast_in_dim3A_131 : vector<512x1024xi1>, vector<512x1024xi32>
    %reduce_min3A_133 = arith.constant dense<2147483647> : vector<512xi32>
    %reduce_min3A_134 = vector.multi_reduction <minsi>, %select_n3A_132, %reduce_min3A_133 [1] : vector<512x1024xi32> to vector<512xi32>
    %broadcast_in_dim3A_135 = vector.shape_cast %reduce_min3A_134 : vector<512xi32> to vector<512x1xi32>
    %eq3A_136 = vector.broadcast %broadcast_in_dim3A_135 : vector<512x1xi32> to vector<512x1024xi32>
    %eq3A_137 = arith.cmpi eq, %iota3A, %eq3A_136 : vector<512x1024xi32>
    %jit3A_138 = arith.constant 0x7F800000 : f32
    %broadcast_in_dim3A_139 = vector.broadcast %jit3A_138 : f32 to vector<512x1024xf32>
    %select_n3A_140 = arith.select %eq3A_137, %broadcast_in_dim3A_139, %select_n3A_124 : vector<512x1024xi1>, vector<512x1024xf32>
    %reduce_min3A_141 = arith.constant dense<0x7F800000> : vector<512xf32>
    %reduce_min3A_142 = vector.multi_reduction <minimumf>, %select_n3A_140, %reduce_min3A_141 [1] : vector<512x1024xf32> to vector<512xf32>
    %broadcast_in_dim3A_143 = vector.shape_cast %reduce_min3A_142 : vector<512xf32> to vector<512x1xf32>
    %eq3A_144 = vector.broadcast %broadcast_in_dim3A_143 : vector<512x1xf32> to vector<512x1024xf32>
    %eq3A_145 = arith.cmpf oeq, %select_n3A_140, %eq3A_144 : vector<512x1024xf32>
    %jit3A_146 = arith.constant 1024 : i32
    %broadcast_in_dim3A_147 = vector.broadcast %jit3A_146 : i32 to vector<512x1024xi32>
    %select_n3A_148 = arith.select %eq3A_145, %iota3A, %broadcast_in_dim3A_147 : vector<512x1024xi1>, vector<512x1024xi32>
    %reduce_min3A_149 = arith.constant dense<2147483647> : vector<512xi32>
    %reduce_min3A_150 = vector.multi_reduction <minsi>, %select_n3A_148, %reduce_min3A_149 [1] : vector<512x1024xi32> to vector<512xi32>
    %broadcast_in_dim3A_151 = vector.shape_cast %reduce_min3A_150 : vector<512xi32> to vector<512x1xi32>
    %eq3A_152 = vector.broadcast %broadcast_in_dim3A_151 : vector<512x1xi32> to vector<512x1024xi32>
    %eq3A_153 = arith.cmpi eq, %iota3A, %eq3A_152 : vector<512x1024xi32>
    %jit3A_154 = arith.constant 0x7F800000 : f32
    %broadcast_in_dim3A_155 = vector.broadcast %jit3A_154 : f32 to vector<512x1024xf32>
    %select_n3A_156 = arith.select %eq3A_153, %broadcast_in_dim3A_155, %select_n3A_140 : vector<512x1024xi1>, vector<512x1024xf32>
    %reduce_min3A_157 = arith.constant dense<0x7F800000> : vector<512xf32>
    %reduce_min3A_158 = vector.multi_reduction <minimumf>, %select_n3A_156, %reduce_min3A_157 [1] : vector<512x1024xf32> to vector<512xf32>
    %broadcast_in_dim3A_159 = vector.shape_cast %reduce_min3A_158 : vector<512xf32> to vector<512x1xf32>
    %eq3A_160 = vector.broadcast %broadcast_in_dim3A_159 : vector<512x1xf32> to vector<512x1024xf32>
    %eq3A_161 = arith.cmpf oeq, %select_n3A_156, %eq3A_160 : vector<512x1024xf32>
    %jit3A_162 = arith.constant 1024 : i32
    %broadcast_in_dim3A_163 = vector.broadcast %jit3A_162 : i32 to vector<512x1024xi32>
    %select_n3A_164 = arith.select %eq3A_161, %iota3A, %broadcast_in_dim3A_163 : vector<512x1024xi1>, vector<512x1024xi32>
    %reduce_min3A_165 = arith.constant dense<2147483647> : vector<512xi32>
    %reduce_min3A_166 = vector.multi_reduction <minsi>, %select_n3A_164, %reduce_min3A_165 [1] : vector<512x1024xi32> to vector<512xi32>
    %broadcast_in_dim3A_167 = vector.shape_cast %reduce_min3A_166 : vector<512xi32> to vector<512x1xi32>
    %eq3A_168 = vector.broadcast %broadcast_in_dim3A_167 : vector<512x1xi32> to vector<512x1024xi32>
    %eq3A_169 = arith.cmpi eq, %iota3A, %eq3A_168 : vector<512x1024xi32>
    %jit3A_170 = arith.constant 0x7F800000 : f32
    %broadcast_in_dim3A_171 = vector.broadcast %jit3A_170 : f32 to vector<512x1024xf32>
    %select_n3A_172 = arith.select %eq3A_169, %broadcast_in_dim3A_171, %select_n3A_156 : vector<512x1024xi1>, vector<512x1024xf32>
    %reduce_min3A_173 = arith.constant dense<0x7F800000> : vector<512xf32>
    %reduce_min3A_174 = vector.multi_reduction <minimumf>, %select_n3A_172, %reduce_min3A_173 [1] : vector<512x1024xf32> to vector<512xf32>
    %broadcast_in_dim3A_175 = vector.shape_cast %reduce_min3A_174 : vector<512xf32> to vector<512x1xf32>
    %eq3A_176 = vector.broadcast %broadcast_in_dim3A_175 : vector<512x1xf32> to vector<512x1024xf32>
    %eq3A_177 = arith.cmpf oeq, %select_n3A_172, %eq3A_176 : vector<512x1024xf32>
    %jit3A_178 = arith.constant 1024 : i32
    %broadcast_in_dim3A_179 = vector.broadcast %jit3A_178 : i32 to vector<512x1024xi32>
    %select_n3A_180 = arith.select %eq3A_177, %iota3A, %broadcast_in_dim3A_179 : vector<512x1024xi1>, vector<512x1024xi32>
    %reduce_min3A_181 = arith.constant dense<2147483647> : vector<512xi32>
    %reduce_min3A_182 = vector.multi_reduction <minsi>, %select_n3A_180, %reduce_min3A_181 [1] : vector<512x1024xi32> to vector<512xi32>
    %broadcast_in_dim3A_183 = vector.shape_cast %reduce_min3A_182 : vector<512xi32> to vector<512x1xi32>
    %eq3A_184 = vector.broadcast %broadcast_in_dim3A_183 : vector<512x1xi32> to vector<512x1024xi32>
    %eq3A_185 = arith.cmpi eq, %iota3A, %eq3A_184 : vector<512x1024xi32>
    %jit3A_186 = arith.constant 0x7F800000 : f32
    %broadcast_in_dim3A_187 = vector.broadcast %jit3A_186 : f32 to vector<512x1024xf32>
    %select_n3A_188 = arith.select %eq3A_185, %broadcast_in_dim3A_187, %select_n3A_172 : vector<512x1024xi1>, vector<512x1024xf32>
    %reduce_min3A_189 = arith.constant dense<0x7F800000> : vector<512xf32>
    %reduce_min3A_190 = vector.multi_reduction <minimumf>, %select_n3A_188, %reduce_min3A_189 [1] : vector<512x1024xf32> to vector<512xf32>
    %broadcast_in_dim3A_191 = vector.shape_cast %reduce_min3A_190 : vector<512xf32> to vector<512x1xf32>
    %eq3A_192 = vector.broadcast %broadcast_in_dim3A_191 : vector<512x1xf32> to vector<512x1024xf32>
    %eq3A_193 = arith.cmpf oeq, %select_n3A_188, %eq3A_192 : vector<512x1024xf32>
    %jit3A_194 = arith.constant 1024 : i32
    %broadcast_in_dim3A_195 = vector.broadcast %jit3A_194 : i32 to vector<512x1024xi32>
    %select_n3A_196 = arith.select %eq3A_193, %iota3A, %broadcast_in_dim3A_195 : vector<512x1024xi1>, vector<512x1024xi32>
    %reduce_min3A_197 = arith.constant dense<2147483647> : vector<512xi32>
    %reduce_min3A_198 = vector.multi_reduction <minsi>, %select_n3A_196, %reduce_min3A_197 [1] : vector<512x1024xi32> to vector<512xi32>
    %broadcast_in_dim3A_199 = vector.shape_cast %reduce_min3A_198 : vector<512xi32> to vector<512x1xi32>
    %eq3A_200 = vector.broadcast %broadcast_in_dim3A_199 : vector<512x1xi32> to vector<512x1024xi32>
    %eq3A_201 = arith.cmpi eq, %iota3A, %eq3A_200 : vector<512x1024xi32>
    %jit3A_202 = arith.constant 0x7F800000 : f32
    %broadcast_in_dim3A_203 = vector.broadcast %jit3A_202 : f32 to vector<512x1024xf32>
    %select_n3A_204 = arith.select %eq3A_201, %broadcast_in_dim3A_203, %select_n3A_188 : vector<512x1024xi1>, vector<512x1024xf32>
    %reduce_min3A_205 = arith.constant dense<0x7F800000> : vector<512xf32>
    %reduce_min3A_206 = vector.multi_reduction <minimumf>, %select_n3A_204, %reduce_min3A_205 [1] : vector<512x1024xf32> to vector<512xf32>
    %broadcast_in_dim3A_207 = vector.shape_cast %reduce_min3A_206 : vector<512xf32> to vector<512x1xf32>
    %eq3A_208 = vector.broadcast %broadcast_in_dim3A_207 : vector<512x1xf32> to vector<512x1024xf32>
    %eq3A_209 = arith.cmpf oeq, %select_n3A_204, %eq3A_208 : vector<512x1024xf32>
    %jit3A_210 = arith.constant 1024 : i32
    %broadcast_in_dim3A_211 = vector.broadcast %jit3A_210 : i32 to vector<512x1024xi32>
    %select_n3A_212 = arith.select %eq3A_209, %iota3A, %broadcast_in_dim3A_211 : vector<512x1024xi1>, vector<512x1024xi32>
    %reduce_min3A_213 = arith.constant dense<2147483647> : vector<512xi32>
    %reduce_min3A_214 = vector.multi_reduction <minsi>, %select_n3A_212, %reduce_min3A_213 [1] : vector<512x1024xi32> to vector<512xi32>
    %broadcast_in_dim3A_215 = vector.shape_cast %reduce_min3A_214 : vector<512xi32> to vector<512x1xi32>
    %eq3A_216 = vector.broadcast %broadcast_in_dim3A_215 : vector<512x1xi32> to vector<512x1024xi32>
    %eq3A_217 = arith.cmpi eq, %iota3A, %eq3A_216 : vector<512x1024xi32>
    %jit3A_218 = arith.constant 0x7F800000 : f32
    %broadcast_in_dim3A_219 = vector.broadcast %jit3A_218 : f32 to vector<512x1024xf32>
    %select_n3A_220 = arith.select %eq3A_217, %broadcast_in_dim3A_219, %select_n3A_204 : vector<512x1024xi1>, vector<512x1024xf32>
    %reduce_min3A_221 = arith.constant dense<0x7F800000> : vector<512xf32>
    %reduce_min3A_222 = vector.multi_reduction <minimumf>, %select_n3A_220, %reduce_min3A_221 [1] : vector<512x1024xf32> to vector<512xf32>
    %broadcast_in_dim3A_223 = vector.shape_cast %reduce_min3A_222 : vector<512xf32> to vector<512x1xf32>
    %eq3A_224 = vector.broadcast %broadcast_in_dim3A_223 : vector<512x1xf32> to vector<512x1024xf32>
    %eq3A_225 = arith.cmpf oeq, %select_n3A_220, %eq3A_224 : vector<512x1024xf32>
    %jit3A_226 = arith.constant 1024 : i32
    %broadcast_in_dim3A_227 = vector.broadcast %jit3A_226 : i32 to vector<512x1024xi32>
    %select_n3A_228 = arith.select %eq3A_225, %iota3A, %broadcast_in_dim3A_227 : vector<512x1024xi1>, vector<512x1024xi32>
    %reduce_min3A_229 = arith.constant dense<2147483647> : vector<512xi32>
    %reduce_min3A_230 = vector.multi_reduction <minsi>, %select_n3A_228, %reduce_min3A_229 [1] : vector<512x1024xi32> to vector<512xi32>
    %broadcast_in_dim3A_231 = vector.shape_cast %reduce_min3A_230 : vector<512xi32> to vector<512x1xi32>
    %eq3A_232 = vector.broadcast %broadcast_in_dim3A_231 : vector<512x1xi32> to vector<512x1024xi32>
    %eq3A_233 = arith.cmpi eq, %iota3A, %eq3A_232 : vector<512x1024xi32>
    %jit3A_234 = arith.constant 0x7F800000 : f32
    %broadcast_in_dim3A_235 = vector.broadcast %jit3A_234 : f32 to vector<512x1024xf32>
    %select_n3A_236 = arith.select %eq3A_233, %broadcast_in_dim3A_235, %select_n3A_220 : vector<512x1024xi1>, vector<512x1024xf32>
    %reduce_min3A_237 = arith.constant dense<0x7F800000> : vector<512xf32>
    %reduce_min3A_238 = vector.multi_reduction <minimumf>, %select_n3A_236, %reduce_min3A_237 [1] : vector<512x1024xf32> to vector<512xf32>
    %broadcast_in_dim3A_239 = vector.shape_cast %reduce_min3A_238 : vector<512xf32> to vector<512x1xf32>
    %eq3A_240 = vector.broadcast %broadcast_in_dim3A_239 : vector<512x1xf32> to vector<512x1024xf32>
    %eq3A_241 = arith.cmpf oeq, %select_n3A_236, %eq3A_240 : vector<512x1024xf32>
    %jit3A_242 = arith.constant 1024 : i32
    %broadcast_in_dim3A_243 = vector.broadcast %jit3A_242 : i32 to vector<512x1024xi32>
    %select_n3A_244 = arith.select %eq3A_241, %iota3A, %broadcast_in_dim3A_243 : vector<512x1024xi1>, vector<512x1024xi32>
    %reduce_min3A_245 = arith.constant dense<2147483647> : vector<512xi32>
    %reduce_min3A_246 = vector.multi_reduction <minsi>, %select_n3A_244, %reduce_min3A_245 [1] : vector<512x1024xi32> to vector<512xi32>
    %broadcast_in_dim3A_247 = vector.shape_cast %reduce_min3A_246 : vector<512xi32> to vector<512x1xi32>
    %eq3A_248 = vector.broadcast %broadcast_in_dim3A_247 : vector<512x1xi32> to vector<512x1024xi32>
    %eq3A_249 = arith.cmpi eq, %iota3A, %eq3A_248 : vector<512x1024xi32>
    %jit3A_250 = arith.constant 0x7F800000 : f32
    %broadcast_in_dim3A_251 = vector.broadcast %jit3A_250 : f32 to vector<512x1024xf32>
    %select_n3A_252 = arith.select %eq3A_249, %broadcast_in_dim3A_251, %select_n3A_236 : vector<512x1024xi1>, vector<512x1024xf32>
    %reduce_min3A_253 = arith.constant dense<0x7F800000> : vector<512xf32>
    %reduce_min3A_254 = vector.multi_reduction <minimumf>, %select_n3A_252, %reduce_min3A_253 [1] : vector<512x1024xf32> to vector<512xf32>
    %broadcast_in_dim3A_255 = vector.shape_cast %reduce_min3A_254 : vector<512xf32> to vector<512x1xf32>
    %eq3A_256 = vector.broadcast %broadcast_in_dim3A_255 : vector<512x1xf32> to vector<512x1024xf32>
    %eq3A_257 = arith.cmpf oeq, %select_n3A_252, %eq3A_256 : vector<512x1024xf32>
    %jit3A_258 = arith.constant 1024 : i32
    %broadcast_in_dim3A_259 = vector.broadcast %jit3A_258 : i32 to vector<512x1024xi32>
    %select_n3A_260 = arith.select %eq3A_257, %iota3A, %broadcast_in_dim3A_259 : vector<512x1024xi1>, vector<512x1024xi32>
    %reduce_min3A_261 = arith.constant dense<2147483647> : vector<512xi32>
    %reduce_min3A_262 = vector.multi_reduction <minsi>, %select_n3A_260, %reduce_min3A_261 [1] : vector<512x1024xi32> to vector<512xi32>
    %broadcast_in_dim3A_263 = vector.shape_cast %reduce_min3A_262 : vector<512xi32> to vector<512x1xi32>
    %eq3A_264 = vector.broadcast %broadcast_in_dim3A_263 : vector<512x1xi32> to vector<512x1024xi32>
    %eq3A_265 = arith.cmpi eq, %iota3A, %eq3A_264 : vector<512x1024xi32>
    %jit3A_266 = arith.constant 0x7F800000 : f32
    %broadcast_in_dim3A_267 = vector.broadcast %jit3A_266 : f32 to vector<512x1024xf32>
    %select_n3A_268 = arith.select %eq3A_265, %broadcast_in_dim3A_267, %select_n3A_252 : vector<512x1024xi1>, vector<512x1024xf32>
    %reduce_min3A_269 = arith.constant dense<0x7F800000> : vector<512xf32>
    %reduce_min3A_270 = vector.multi_reduction <minimumf>, %select_n3A_268, %reduce_min3A_269 [1] : vector<512x1024xf32> to vector<512xf32>
    %broadcast_in_dim3A_271 = vector.shape_cast %reduce_min3A_270 : vector<512xf32> to vector<512x1xf32>
    %eq3A_272 = vector.broadcast %broadcast_in_dim3A_271 : vector<512x1xf32> to vector<512x1024xf32>
    %eq3A_273 = arith.cmpf oeq, %select_n3A_268, %eq3A_272 : vector<512x1024xf32>
    %jit3A_274 = arith.constant 1024 : i32
    %broadcast_in_dim3A_275 = vector.broadcast %jit3A_274 : i32 to vector<512x1024xi32>
    %select_n3A_276 = arith.select %eq3A_273, %iota3A, %broadcast_in_dim3A_275 : vector<512x1024xi1>, vector<512x1024xi32>
    %reduce_min3A_277 = arith.constant dense<2147483647> : vector<512xi32>
    %reduce_min3A_278 = vector.multi_reduction <minsi>, %select_n3A_276, %reduce_min3A_277 [1] : vector<512x1024xi32> to vector<512xi32>
    %broadcast_in_dim3A_279 = vector.shape_cast %reduce_min3A_278 : vector<512xi32> to vector<512x1xi32>
    %eq3A_280 = vector.broadcast %broadcast_in_dim3A_279 : vector<512x1xi32> to vector<512x1024xi32>
    %eq3A_281 = arith.cmpi eq, %iota3A, %eq3A_280 : vector<512x1024xi32>
    %jit3A_282 = arith.constant 0x7F800000 : f32
    %broadcast_in_dim3A_283 = vector.broadcast %jit3A_282 : f32 to vector<512x1024xf32>
    %select_n3A_284 = arith.select %eq3A_281, %broadcast_in_dim3A_283, %select_n3A_268 : vector<512x1024xi1>, vector<512x1024xf32>
    %reduce_min3A_285 = arith.constant dense<0x7F800000> : vector<512xf32>
    %reduce_min3A_286 = vector.multi_reduction <minimumf>, %select_n3A_284, %reduce_min3A_285 [1] : vector<512x1024xf32> to vector<512xf32>
    %broadcast_in_dim3A_287 = vector.shape_cast %reduce_min3A_286 : vector<512xf32> to vector<512x1xf32>
    %eq3A_288 = vector.broadcast %broadcast_in_dim3A_287 : vector<512x1xf32> to vector<512x1024xf32>
    %eq3A_289 = arith.cmpf oeq, %select_n3A_284, %eq3A_288 : vector<512x1024xf32>
    %jit3A_290 = arith.constant 1024 : i32
    %broadcast_in_dim3A_291 = vector.broadcast %jit3A_290 : i32 to vector<512x1024xi32>
    %select_n3A_292 = arith.select %eq3A_289, %iota3A, %broadcast_in_dim3A_291 : vector<512x1024xi1>, vector<512x1024xi32>
    %reduce_min3A_293 = arith.constant dense<2147483647> : vector<512xi32>
    %reduce_min3A_294 = vector.multi_reduction <minsi>, %select_n3A_292, %reduce_min3A_293 [1] : vector<512x1024xi32> to vector<512xi32>
    %broadcast_in_dim3A_295 = vector.shape_cast %reduce_min3A_294 : vector<512xi32> to vector<512x1xi32>
    %eq3A_296 = vector.broadcast %broadcast_in_dim3A_295 : vector<512x1xi32> to vector<512x1024xi32>
    %eq3A_297 = arith.cmpi eq, %iota3A, %eq3A_296 : vector<512x1024xi32>
    %jit3A_298 = arith.constant 0x7F800000 : f32
    %broadcast_in_dim3A_299 = vector.broadcast %jit3A_298 : f32 to vector<512x1024xf32>
    %select_n3A_300 = arith.select %eq3A_297, %broadcast_in_dim3A_299, %select_n3A_284 : vector<512x1024xi1>, vector<512x1024xf32>
    %reduce_min3A_301 = arith.constant dense<0x7F800000> : vector<512xf32>
    %reduce_min3A_302 = vector.multi_reduction <minimumf>, %select_n3A_300, %reduce_min3A_301 [1] : vector<512x1024xf32> to vector<512xf32>
    %broadcast_in_dim3A_303 = vector.shape_cast %reduce_min3A_302 : vector<512xf32> to vector<512x1xf32>
    %eq3A_304 = vector.broadcast %broadcast_in_dim3A_303 : vector<512x1xf32> to vector<512x1024xf32>
    %eq3A_305 = arith.cmpf oeq, %select_n3A_300, %eq3A_304 : vector<512x1024xf32>
    %jit3A_306 = arith.constant 1024 : i32
    %broadcast_in_dim3A_307 = vector.broadcast %jit3A_306 : i32 to vector<512x1024xi32>
    %select_n3A_308 = arith.select %eq3A_305, %iota3A, %broadcast_in_dim3A_307 : vector<512x1024xi1>, vector<512x1024xi32>
    %reduce_min3A_309 = arith.constant dense<2147483647> : vector<512xi32>
    %reduce_min3A_310 = vector.multi_reduction <minsi>, %select_n3A_308, %reduce_min3A_309 [1] : vector<512x1024xi32> to vector<512xi32>
    %stack3A = vector.shape_cast %reduce_min3A_6 : vector<512xi32> to vector<512x1xi32>
    %stack3A_311 = vector.shape_cast %reduce_min3A_22 : vector<512xi32> to vector<512x1xi32>
    %stack3A_312 = vector.shape_cast %reduce_min3A_38 : vector<512xi32> to vector<512x1xi32>
    %stack3A_313 = vector.shape_cast %reduce_min3A_54 : vector<512xi32> to vector<512x1xi32>
    %stack3A_314 = vector.shape_cast %reduce_min3A_70 : vector<512xi32> to vector<512x1xi32>
    %stack3A_315 = vector.shape_cast %reduce_min3A_86 : vector<512xi32> to vector<512x1xi32>
    %stack3A_316 = vector.shape_cast %reduce_min3A_102 : vector<512xi32> to vector<512x1xi32>
    %stack3A_317 = vector.shape_cast %reduce_min3A_118 : vector<512xi32> to vector<512x1xi32>
    %stack3A_318 = vector.shape_cast %reduce_min3A_134 : vector<512xi32> to vector<512x1xi32>
    %stack3A_319 = vector.shape_cast %reduce_min3A_150 : vector<512xi32> to vector<512x1xi32>
    %stack3A_320 = vector.shape_cast %reduce_min3A_166 : vector<512xi32> to vector<512x1xi32>
    %stack3A_321 = vector.shape_cast %reduce_min3A_182 : vector<512xi32> to vector<512x1xi32>
    %stack3A_322 = vector.shape_cast %reduce_min3A_198 : vector<512xi32> to vector<512x1xi32>
    %stack3A_323 = vector.shape_cast %reduce_min3A_214 : vector<512xi32> to vector<512x1xi32>
    %stack3A_324 = vector.shape_cast %reduce_min3A_230 : vector<512xi32> to vector<512x1xi32>
    %stack3A_325 = vector.shape_cast %reduce_min3A_246 : vector<512xi32> to vector<512x1xi32>
    %stack3A_326 = vector.shape_cast %reduce_min3A_262 : vector<512xi32> to vector<512x1xi32>
    %stack3A_327 = vector.shape_cast %reduce_min3A_278 : vector<512xi32> to vector<512x1xi32>
    %stack3A_328 = vector.shape_cast %reduce_min3A_294 : vector<512xi32> to vector<512x1xi32>
    %stack3A_329 = vector.shape_cast %reduce_min3A_310 : vector<512xi32> to vector<512x1xi32>
    %stack3A_330 = tpu.concatenate %stack3A, %stack3A_311, %stack3A_312, %stack3A_313, %stack3A_314, %stack3A_315, %stack3A_316, %stack3A_317, %stack3A_318, %stack3A_319, %stack3A_320, %stack3A_321, %stack3A_322, %stack3A_323, %stack3A_324, %stack3A_325, %stack3A_326, %stack3A_327, %stack3A_328, %stack3A_329 in 1 : vector<512x1xi32>, vector<512x1xi32>, vector<512x1xi32>, vector<512x1xi32>, vector<512x1xi32>, vector<512x1xi32>, vector<512x1xi32>, vector<512x1xi32>, vector<512x1xi32>, vector<512x1xi32>, vector<512x1xi32>, vector<512x1xi32>, vector<512x1xi32>, vector<512x1xi32>, vector<512x1xi32>, vector<512x1xi32>, vector<512x1xi32>, vector<512x1xi32>, vector<512x1xi32>, vector<512x1xi32> -> vector<512x20xi32>
    %swap3A = arith.constant 0 : index
    %swap3A_331 = arith.constant 0 : index
    %swap3A_332 = vector.load %arg2[%swap3A, %swap3A_331] : memref<512x20xi32, #tpu.memory_space<vmem>>, vector<512x20xi32>
    tpu.vector_store %arg2[%swap3A, %swap3A_331], %stack3A_330 {strides = array<i32>} : memref<512x20xi32, #tpu.memory_space<vmem>>, vector<512x20xi32>,
    return
  }
  func.func @transform_0(%arg0: i32) -> (i32, i32) {
    %c0_i32 = arith.constant 0 : i32
    %c0_i32_0 = arith.constant 0 : i32
    return %arg0, %c0_i32 : i32, i32
  }
  func.func @transform_1(%arg0: i32) -> (i32, i32) {
    %c0_i32 = arith.constant 0 : i32
    %c0_i32_0 = arith.constant 0 : i32
    return %arg0, %c0_i32 : i32, i32
  }
}

module attributes {stable_mosaic.version = 14 : i64} {
  func.func @_fps_dmat_kernel(%arg0: memref<1024x3xf32, #tpu.memory_space<vmem>>, %arg1: memref<3x1024xf32, #tpu.memory_space<vmem>>, %arg2: memref<1x512xi32, #tpu.memory_space<vmem>>, %arg3: memref<1024x1024xf32, #tpu.memory_space<vmem>>) attributes {dimension_semantics = [], scalar_prefetch = 0 : i64, scratch_operands = 1 : i64, tpu.core_type = #tpu.core_type<tc>} {
    %get3A = arith.constant 0 : index
    %get3A_0 = arith.constant 0 : index
    %get3A_1 = vector.load %arg0[%get3A, %get3A_0] : memref<1024x3xf32, #tpu.memory_space<vmem>>, vector<1024x3xf32>
    %get3A_2 = arith.constant 0 : index
    %get3A_3 = arith.constant 0 : index
    %get3A_4 = vector.load %arg1[%get3A_2, %get3A_3] : memref<3x1024xf32, #tpu.memory_space<vmem>>, vector<3x1024xf32>
    %slice3A = vector.extract_strided_slice %get3A_1 {offsets = [0, 0], sizes = [1024, 1], strides = [1, 1]} : vector<1024x3xf32> to vector<1024x1xf32>
    %slice3A_5 = vector.extract_strided_slice %get3A_4 {offsets = [0, 0], sizes = [1, 1024], strides = [1, 1]} : vector<3x1024xf32> to vector<1x1024xf32>
    %sub3A = vector.broadcast %slice3A : vector<1024x1xf32> to vector<1024x1024xf32>
    %sub3A_6 = vector.broadcast %slice3A_5 : vector<1x1024xf32> to vector<1024x1024xf32>
    %sub3A_7 = arith.subf %sub3A, %sub3A_6 : vector<1024x1024xf32>
    %slice3A_8 = vector.extract_strided_slice %get3A_1 {offsets = [0, 1], sizes = [1024, 1], strides = [1, 1]} : vector<1024x3xf32> to vector<1024x1xf32>
    %slice3A_9 = vector.extract_strided_slice %get3A_4 {offsets = [1, 0], sizes = [1, 1024], strides = [1, 1]} : vector<3x1024xf32> to vector<1x1024xf32>
    %sub3A_10 = vector.broadcast %slice3A_8 : vector<1024x1xf32> to vector<1024x1024xf32>
    %sub3A_11 = vector.broadcast %slice3A_9 : vector<1x1024xf32> to vector<1024x1024xf32>
    %sub3A_12 = arith.subf %sub3A_10, %sub3A_11 : vector<1024x1024xf32>
    %slice3A_13 = vector.extract_strided_slice %get3A_1 {offsets = [0, 2], sizes = [1024, 1], strides = [1, 1]} : vector<1024x3xf32> to vector<1024x1xf32>
    %slice3A_14 = vector.extract_strided_slice %get3A_4 {offsets = [2, 0], sizes = [1, 1024], strides = [1, 1]} : vector<3x1024xf32> to vector<1x1024xf32>
    %sub3A_15 = vector.broadcast %slice3A_13 : vector<1024x1xf32> to vector<1024x1024xf32>
    %sub3A_16 = vector.broadcast %slice3A_14 : vector<1x1024xf32> to vector<1024x1024xf32>
    %sub3A_17 = arith.subf %sub3A_15, %sub3A_16 : vector<1024x1024xf32>
    %mul3A = arith.mulf %sub3A_7, %sub3A_7 : vector<1024x1024xf32>
    %mul3A_18 = arith.mulf %sub3A_12, %sub3A_12 : vector<1024x1024xf32>
    %add3A = arith.addf %mul3A, %mul3A_18 : vector<1024x1024xf32>
    %mul3A_19 = arith.mulf %sub3A_17, %sub3A_17 : vector<1024x1024xf32>
    %add3A_20 = arith.addf %add3A, %mul3A_19 : vector<1024x1024xf32>
    %swap3A = arith.constant 0 : index
    %swap3A_21 = arith.constant 0 : index
    %swap3A_22 = vector.load %arg3[%swap3A, %swap3A_21] : memref<1024x1024xf32, #tpu.memory_space<vmem>>, vector<1024x1024xf32>
    tpu.vector_store %arg3[%swap3A, %swap3A_21], %add3A_20 {strides = array<i32>} : memref<1024x1024xf32, #tpu.memory_space<vmem>>, vector<1024x1024xf32>,
    %iota3A = tpu.iota {dimensions = array<i32: 1>} : vector<1x1024xi32>
    %iota3A_23 = tpu.iota {dimensions = array<i32: 1>} : vector<1x512xi32>
    %broadcast_in_dim3A = arith.constant 0x7F800000 : f32
    %broadcast_in_dim3A_24 = vector.broadcast %broadcast_in_dim3A : f32 to vector<1x1024xf32>
    %broadcast_in_dim3A_25 = arith.constant 0 : i32
    %broadcast_in_dim3A_26 = vector.broadcast %broadcast_in_dim3A_25 : i32 to vector<1x512xi32>
    %scan3A = arith.constant 0 : i32
    %scan3A_27 = arith.constant 1 : i32
    %scan3A_28 = arith.constant 511 : i32
    %scan3A_29 = arith.addi %scan3A_27, %scan3A_28 : i32
    %scan3A_30 = arith.constant 1 : i32
    %scan3A_31:3 = scf.for %scan3A_36 = %scan3A_27 to %scan3A_29 step %scan3A_30 iter_args(%scan3A_37 = %broadcast_in_dim3A_24, %scan3A_38 = %scan3A, %scan3A_39 = %broadcast_in_dim3A_26) -> (vector<1x1024xf32>, i32, vector<1x512xi32>)  : i32 {
      %get3A_40 = arith.index_cast %scan3A_38 : i32 to index
      %get3A_41 = arith.constant 0 : index
      %get3A_42 = vector.load %arg3[%get3A_40, %get3A_41] : memref<1024x1024xf32, #tpu.memory_space<vmem>>, vector<1x1024xf32>
      %min3A = arith.minimumf %scan3A_37, %get3A_42 : vector<1x1024xf32>
      %reduce_max3A = vector.shape_cast %min3A : vector<1x1024xf32> to vector<1x1x1024xf32>
      %reduce_max3A_43 = arith.constant dense<0xFF800000> : vector<1xf32>
      %reduce_max3A_44 = vector.multi_reduction <maximumf>, %reduce_max3A, %reduce_max3A_43 [1, 2] : vector<1x1x1024xf32> to vector<1xf32>
      %reduce_max3A_45 = vector.shape_cast %reduce_max3A_44 : vector<1xf32> to vector<1x1x1xf32>
      %reduce_max3A_46 = vector.extract %reduce_max3A_45[0, 0, 0] : f32 from vector<1x1x1xf32>
      %eq3A = vector.broadcast %reduce_max3A_46 : f32 to vector<1x1024xf32>
      %eq3A_47 = arith.cmpf oeq, %min3A, %eq3A : vector<1x1024xf32>
      %jit3A = arith.constant 1024 : i32
      %broadcast_in_dim3A_48 = vector.broadcast %jit3A : i32 to vector<1x1024xi32>
      %select_n3A = arith.select %eq3A_47, %iota3A, %broadcast_in_dim3A_48 : vector<1x1024xi1>, vector<1x1024xi32>
      %reduce_min3A = vector.shape_cast %select_n3A : vector<1x1024xi32> to vector<1x1x1024xi32>
      %reduce_min3A_49 = arith.constant dense<2147483647> : vector<1xi32>
      %reduce_min3A_50 = vector.multi_reduction <minsi>, %reduce_min3A, %reduce_min3A_49 [1, 2] : vector<1x1x1024xi32> to vector<1xi32>
      %reduce_min3A_51 = vector.shape_cast %reduce_min3A_50 : vector<1xi32> to vector<1x1x1xi32>
      %reduce_min3A_52 = vector.extract %reduce_min3A_51[0, 0, 0] : i32 from vector<1x1x1xi32>
      %eq3A_53 = vector.broadcast %scan3A_36 : i32 to vector<1x512xi32>
      %eq3A_54 = arith.cmpi eq, %iota3A_23, %eq3A_53 : vector<1x512xi32>
      %broadcast_in_dim3A_55 = vector.broadcast %reduce_min3A_52 : i32 to vector<1x512xi32>
      %select_n3A_56 = arith.select %eq3A_54, %broadcast_in_dim3A_55, %scan3A_39 : vector<1x512xi1>, vector<1x512xi32>
      scf.yield %min3A, %reduce_min3A_52, %select_n3A_56 : vector<1x1024xf32>, i32, vector<1x512xi32>
    }
    %scan3A_32 = arith.constant 511 : i32
    %swap3A_33 = arith.constant 0 : index
    %swap3A_34 = arith.constant 0 : index
    %swap3A_35 = vector.load %arg2[%swap3A_33, %swap3A_34] : memref<1x512xi32, #tpu.memory_space<vmem>>, vector<1x512xi32>
    tpu.vector_store %arg2[%swap3A_33, %swap3A_34], %scan3A_31#2 {strides = array<i32>} : memref<1x512xi32, #tpu.memory_space<vmem>>, vector<1x512xi32>,
    return
  }
}

module attributes {stable_mosaic.version = 14 : i64} {
  func.func @_sel_topk_kernel(%arg0: i32, %arg1: memref<512x1024xf32, #tpu.memory_space<vmem>>, %arg2: memref<512x16xi32, #tpu.memory_space<vmem>>) attributes {dimension_semantics = [#tpu.dimension_semantics<arbitrary>], iteration_bounds = array<i64: 1>, scalar_prefetch = 0 : i64, scratch_operands = 0 : i64, tpu.core_type = #tpu.core_type<tc>, window_params = [{transform_indices = @transform_0, window_bounds = array<i64: 512, 1024>}, {transform_indices = @transform_1, window_bounds = array<i64: 512, 16>}]} {
    %get3A = arith.constant 0 : index
    %get3A_0 = arith.constant 0 : index
    %get3A_1 = vector.load %arg1[%get3A, %get3A_0] : memref<512x1024xf32, #tpu.memory_space<vmem>>, vector<512x1024xf32>
    %iota3A = tpu.iota {dimensions = array<i32: 1>} : vector<512x1024xi32>
    %reduce_min3A = arith.constant dense<0x7F800000> : vector<512xf32>
    %reduce_min3A_2 = vector.multi_reduction <minimumf>, %get3A_1, %reduce_min3A [1] : vector<512x1024xf32> to vector<512xf32>
    %broadcast_in_dim3A = vector.shape_cast %reduce_min3A_2 : vector<512xf32> to vector<512x1xf32>
    %eq3A = vector.broadcast %broadcast_in_dim3A : vector<512x1xf32> to vector<512x1024xf32>
    %eq3A_3 = arith.cmpf oeq, %get3A_1, %eq3A : vector<512x1024xf32>
    %jit3A = arith.constant 1024 : i32
    %broadcast_in_dim3A_4 = vector.broadcast %jit3A : i32 to vector<512x1024xi32>
    %select_n3A = arith.select %eq3A_3, %iota3A, %broadcast_in_dim3A_4 : vector<512x1024xi1>, vector<512x1024xi32>
    %reduce_min3A_5 = arith.constant dense<2147483647> : vector<512xi32>
    %reduce_min3A_6 = vector.multi_reduction <minsi>, %select_n3A, %reduce_min3A_5 [1] : vector<512x1024xi32> to vector<512xi32>
    %broadcast_in_dim3A_7 = vector.shape_cast %reduce_min3A_6 : vector<512xi32> to vector<512x1xi32>
    %eq3A_8 = vector.broadcast %broadcast_in_dim3A_7 : vector<512x1xi32> to vector<512x1024xi32>
    %eq3A_9 = arith.cmpi eq, %iota3A, %eq3A_8 : vector<512x1024xi32>
    %jit3A_10 = arith.constant 0x7F800000 : f32
    %broadcast_in_dim3A_11 = vector.broadcast %jit3A_10 : f32 to vector<512x1024xf32>
    %select_n3A_12 = arith.select %eq3A_9, %broadcast_in_dim3A_11, %get3A_1 : vector<512x1024xi1>, vector<512x1024xf32>
    %reduce_min3A_13 = arith.constant dense<0x7F800000> : vector<512xf32>
    %reduce_min3A_14 = vector.multi_reduction <minimumf>, %select_n3A_12, %reduce_min3A_13 [1] : vector<512x1024xf32> to vector<512xf32>
    %broadcast_in_dim3A_15 = vector.shape_cast %reduce_min3A_14 : vector<512xf32> to vector<512x1xf32>
    %eq3A_16 = vector.broadcast %broadcast_in_dim3A_15 : vector<512x1xf32> to vector<512x1024xf32>
    %eq3A_17 = arith.cmpf oeq, %select_n3A_12, %eq3A_16 : vector<512x1024xf32>
    %jit3A_18 = arith.constant 1024 : i32
    %broadcast_in_dim3A_19 = vector.broadcast %jit3A_18 : i32 to vector<512x1024xi32>
    %select_n3A_20 = arith.select %eq3A_17, %iota3A, %broadcast_in_dim3A_19 : vector<512x1024xi1>, vector<512x1024xi32>
    %reduce_min3A_21 = arith.constant dense<2147483647> : vector<512xi32>
    %reduce_min3A_22 = vector.multi_reduction <minsi>, %select_n3A_20, %reduce_min3A_21 [1] : vector<512x1024xi32> to vector<512xi32>
    %broadcast_in_dim3A_23 = vector.shape_cast %reduce_min3A_22 : vector<512xi32> to vector<512x1xi32>
    %eq3A_24 = vector.broadcast %broadcast_in_dim3A_23 : vector<512x1xi32> to vector<512x1024xi32>
    %eq3A_25 = arith.cmpi eq, %iota3A, %eq3A_24 : vector<512x1024xi32>
    %jit3A_26 = arith.constant 0x7F800000 : f32
    %broadcast_in_dim3A_27 = vector.broadcast %jit3A_26 : f32 to vector<512x1024xf32>
    %select_n3A_28 = arith.select %eq3A_25, %broadcast_in_dim3A_27, %select_n3A_12 : vector<512x1024xi1>, vector<512x1024xf32>
    %reduce_min3A_29 = arith.constant dense<0x7F800000> : vector<512xf32>
    %reduce_min3A_30 = vector.multi_reduction <minimumf>, %select_n3A_28, %reduce_min3A_29 [1] : vector<512x1024xf32> to vector<512xf32>
    %broadcast_in_dim3A_31 = vector.shape_cast %reduce_min3A_30 : vector<512xf32> to vector<512x1xf32>
    %eq3A_32 = vector.broadcast %broadcast_in_dim3A_31 : vector<512x1xf32> to vector<512x1024xf32>
    %eq3A_33 = arith.cmpf oeq, %select_n3A_28, %eq3A_32 : vector<512x1024xf32>
    %jit3A_34 = arith.constant 1024 : i32
    %broadcast_in_dim3A_35 = vector.broadcast %jit3A_34 : i32 to vector<512x1024xi32>
    %select_n3A_36 = arith.select %eq3A_33, %iota3A, %broadcast_in_dim3A_35 : vector<512x1024xi1>, vector<512x1024xi32>
    %reduce_min3A_37 = arith.constant dense<2147483647> : vector<512xi32>
    %reduce_min3A_38 = vector.multi_reduction <minsi>, %select_n3A_36, %reduce_min3A_37 [1] : vector<512x1024xi32> to vector<512xi32>
    %broadcast_in_dim3A_39 = vector.shape_cast %reduce_min3A_38 : vector<512xi32> to vector<512x1xi32>
    %eq3A_40 = vector.broadcast %broadcast_in_dim3A_39 : vector<512x1xi32> to vector<512x1024xi32>
    %eq3A_41 = arith.cmpi eq, %iota3A, %eq3A_40 : vector<512x1024xi32>
    %jit3A_42 = arith.constant 0x7F800000 : f32
    %broadcast_in_dim3A_43 = vector.broadcast %jit3A_42 : f32 to vector<512x1024xf32>
    %select_n3A_44 = arith.select %eq3A_41, %broadcast_in_dim3A_43, %select_n3A_28 : vector<512x1024xi1>, vector<512x1024xf32>
    %reduce_min3A_45 = arith.constant dense<0x7F800000> : vector<512xf32>
    %reduce_min3A_46 = vector.multi_reduction <minimumf>, %select_n3A_44, %reduce_min3A_45 [1] : vector<512x1024xf32> to vector<512xf32>
    %broadcast_in_dim3A_47 = vector.shape_cast %reduce_min3A_46 : vector<512xf32> to vector<512x1xf32>
    %eq3A_48 = vector.broadcast %broadcast_in_dim3A_47 : vector<512x1xf32> to vector<512x1024xf32>
    %eq3A_49 = arith.cmpf oeq, %select_n3A_44, %eq3A_48 : vector<512x1024xf32>
    %jit3A_50 = arith.constant 1024 : i32
    %broadcast_in_dim3A_51 = vector.broadcast %jit3A_50 : i32 to vector<512x1024xi32>
    %select_n3A_52 = arith.select %eq3A_49, %iota3A, %broadcast_in_dim3A_51 : vector<512x1024xi1>, vector<512x1024xi32>
    %reduce_min3A_53 = arith.constant dense<2147483647> : vector<512xi32>
    %reduce_min3A_54 = vector.multi_reduction <minsi>, %select_n3A_52, %reduce_min3A_53 [1] : vector<512x1024xi32> to vector<512xi32>
    %broadcast_in_dim3A_55 = vector.shape_cast %reduce_min3A_54 : vector<512xi32> to vector<512x1xi32>
    %eq3A_56 = vector.broadcast %broadcast_in_dim3A_55 : vector<512x1xi32> to vector<512x1024xi32>
    %eq3A_57 = arith.cmpi eq, %iota3A, %eq3A_56 : vector<512x1024xi32>
    %jit3A_58 = arith.constant 0x7F800000 : f32
    %broadcast_in_dim3A_59 = vector.broadcast %jit3A_58 : f32 to vector<512x1024xf32>
    %select_n3A_60 = arith.select %eq3A_57, %broadcast_in_dim3A_59, %select_n3A_44 : vector<512x1024xi1>, vector<512x1024xf32>
    %reduce_min3A_61 = arith.constant dense<0x7F800000> : vector<512xf32>
    %reduce_min3A_62 = vector.multi_reduction <minimumf>, %select_n3A_60, %reduce_min3A_61 [1] : vector<512x1024xf32> to vector<512xf32>
    %broadcast_in_dim3A_63 = vector.shape_cast %reduce_min3A_62 : vector<512xf32> to vector<512x1xf32>
    %eq3A_64 = vector.broadcast %broadcast_in_dim3A_63 : vector<512x1xf32> to vector<512x1024xf32>
    %eq3A_65 = arith.cmpf oeq, %select_n3A_60, %eq3A_64 : vector<512x1024xf32>
    %jit3A_66 = arith.constant 1024 : i32
    %broadcast_in_dim3A_67 = vector.broadcast %jit3A_66 : i32 to vector<512x1024xi32>
    %select_n3A_68 = arith.select %eq3A_65, %iota3A, %broadcast_in_dim3A_67 : vector<512x1024xi1>, vector<512x1024xi32>
    %reduce_min3A_69 = arith.constant dense<2147483647> : vector<512xi32>
    %reduce_min3A_70 = vector.multi_reduction <minsi>, %select_n3A_68, %reduce_min3A_69 [1] : vector<512x1024xi32> to vector<512xi32>
    %broadcast_in_dim3A_71 = vector.shape_cast %reduce_min3A_70 : vector<512xi32> to vector<512x1xi32>
    %eq3A_72 = vector.broadcast %broadcast_in_dim3A_71 : vector<512x1xi32> to vector<512x1024xi32>
    %eq3A_73 = arith.cmpi eq, %iota3A, %eq3A_72 : vector<512x1024xi32>
    %jit3A_74 = arith.constant 0x7F800000 : f32
    %broadcast_in_dim3A_75 = vector.broadcast %jit3A_74 : f32 to vector<512x1024xf32>
    %select_n3A_76 = arith.select %eq3A_73, %broadcast_in_dim3A_75, %select_n3A_60 : vector<512x1024xi1>, vector<512x1024xf32>
    %reduce_min3A_77 = arith.constant dense<0x7F800000> : vector<512xf32>
    %reduce_min3A_78 = vector.multi_reduction <minimumf>, %select_n3A_76, %reduce_min3A_77 [1] : vector<512x1024xf32> to vector<512xf32>
    %broadcast_in_dim3A_79 = vector.shape_cast %reduce_min3A_78 : vector<512xf32> to vector<512x1xf32>
    %eq3A_80 = vector.broadcast %broadcast_in_dim3A_79 : vector<512x1xf32> to vector<512x1024xf32>
    %eq3A_81 = arith.cmpf oeq, %select_n3A_76, %eq3A_80 : vector<512x1024xf32>
    %jit3A_82 = arith.constant 1024 : i32
    %broadcast_in_dim3A_83 = vector.broadcast %jit3A_82 : i32 to vector<512x1024xi32>
    %select_n3A_84 = arith.select %eq3A_81, %iota3A, %broadcast_in_dim3A_83 : vector<512x1024xi1>, vector<512x1024xi32>
    %reduce_min3A_85 = arith.constant dense<2147483647> : vector<512xi32>
    %reduce_min3A_86 = vector.multi_reduction <minsi>, %select_n3A_84, %reduce_min3A_85 [1] : vector<512x1024xi32> to vector<512xi32>
    %broadcast_in_dim3A_87 = vector.shape_cast %reduce_min3A_86 : vector<512xi32> to vector<512x1xi32>
    %eq3A_88 = vector.broadcast %broadcast_in_dim3A_87 : vector<512x1xi32> to vector<512x1024xi32>
    %eq3A_89 = arith.cmpi eq, %iota3A, %eq3A_88 : vector<512x1024xi32>
    %jit3A_90 = arith.constant 0x7F800000 : f32
    %broadcast_in_dim3A_91 = vector.broadcast %jit3A_90 : f32 to vector<512x1024xf32>
    %select_n3A_92 = arith.select %eq3A_89, %broadcast_in_dim3A_91, %select_n3A_76 : vector<512x1024xi1>, vector<512x1024xf32>
    %reduce_min3A_93 = arith.constant dense<0x7F800000> : vector<512xf32>
    %reduce_min3A_94 = vector.multi_reduction <minimumf>, %select_n3A_92, %reduce_min3A_93 [1] : vector<512x1024xf32> to vector<512xf32>
    %broadcast_in_dim3A_95 = vector.shape_cast %reduce_min3A_94 : vector<512xf32> to vector<512x1xf32>
    %eq3A_96 = vector.broadcast %broadcast_in_dim3A_95 : vector<512x1xf32> to vector<512x1024xf32>
    %eq3A_97 = arith.cmpf oeq, %select_n3A_92, %eq3A_96 : vector<512x1024xf32>
    %jit3A_98 = arith.constant 1024 : i32
    %broadcast_in_dim3A_99 = vector.broadcast %jit3A_98 : i32 to vector<512x1024xi32>
    %select_n3A_100 = arith.select %eq3A_97, %iota3A, %broadcast_in_dim3A_99 : vector<512x1024xi1>, vector<512x1024xi32>
    %reduce_min3A_101 = arith.constant dense<2147483647> : vector<512xi32>
    %reduce_min3A_102 = vector.multi_reduction <minsi>, %select_n3A_100, %reduce_min3A_101 [1] : vector<512x1024xi32> to vector<512xi32>
    %broadcast_in_dim3A_103 = vector.shape_cast %reduce_min3A_102 : vector<512xi32> to vector<512x1xi32>
    %eq3A_104 = vector.broadcast %broadcast_in_dim3A_103 : vector<512x1xi32> to vector<512x1024xi32>
    %eq3A_105 = arith.cmpi eq, %iota3A, %eq3A_104 : vector<512x1024xi32>
    %jit3A_106 = arith.constant 0x7F800000 : f32
    %broadcast_in_dim3A_107 = vector.broadcast %jit3A_106 : f32 to vector<512x1024xf32>
    %select_n3A_108 = arith.select %eq3A_105, %broadcast_in_dim3A_107, %select_n3A_92 : vector<512x1024xi1>, vector<512x1024xf32>
    %reduce_min3A_109 = arith.constant dense<0x7F800000> : vector<512xf32>
    %reduce_min3A_110 = vector.multi_reduction <minimumf>, %select_n3A_108, %reduce_min3A_109 [1] : vector<512x1024xf32> to vector<512xf32>
    %broadcast_in_dim3A_111 = vector.shape_cast %reduce_min3A_110 : vector<512xf32> to vector<512x1xf32>
    %eq3A_112 = vector.broadcast %broadcast_in_dim3A_111 : vector<512x1xf32> to vector<512x1024xf32>
    %eq3A_113 = arith.cmpf oeq, %select_n3A_108, %eq3A_112 : vector<512x1024xf32>
    %jit3A_114 = arith.constant 1024 : i32
    %broadcast_in_dim3A_115 = vector.broadcast %jit3A_114 : i32 to vector<512x1024xi32>
    %select_n3A_116 = arith.select %eq3A_113, %iota3A, %broadcast_in_dim3A_115 : vector<512x1024xi1>, vector<512x1024xi32>
    %reduce_min3A_117 = arith.constant dense<2147483647> : vector<512xi32>
    %reduce_min3A_118 = vector.multi_reduction <minsi>, %select_n3A_116, %reduce_min3A_117 [1] : vector<512x1024xi32> to vector<512xi32>
    %broadcast_in_dim3A_119 = vector.shape_cast %reduce_min3A_118 : vector<512xi32> to vector<512x1xi32>
    %eq3A_120 = vector.broadcast %broadcast_in_dim3A_119 : vector<512x1xi32> to vector<512x1024xi32>
    %eq3A_121 = arith.cmpi eq, %iota3A, %eq3A_120 : vector<512x1024xi32>
    %jit3A_122 = arith.constant 0x7F800000 : f32
    %broadcast_in_dim3A_123 = vector.broadcast %jit3A_122 : f32 to vector<512x1024xf32>
    %select_n3A_124 = arith.select %eq3A_121, %broadcast_in_dim3A_123, %select_n3A_108 : vector<512x1024xi1>, vector<512x1024xf32>
    %reduce_min3A_125 = arith.constant dense<0x7F800000> : vector<512xf32>
    %reduce_min3A_126 = vector.multi_reduction <minimumf>, %select_n3A_124, %reduce_min3A_125 [1] : vector<512x1024xf32> to vector<512xf32>
    %broadcast_in_dim3A_127 = vector.shape_cast %reduce_min3A_126 : vector<512xf32> to vector<512x1xf32>
    %eq3A_128 = vector.broadcast %broadcast_in_dim3A_127 : vector<512x1xf32> to vector<512x1024xf32>
    %eq3A_129 = arith.cmpf oeq, %select_n3A_124, %eq3A_128 : vector<512x1024xf32>
    %jit3A_130 = arith.constant 1024 : i32
    %broadcast_in_dim3A_131 = vector.broadcast %jit3A_130 : i32 to vector<512x1024xi32>
    %select_n3A_132 = arith.select %eq3A_129, %iota3A, %broadcast_in_dim3A_131 : vector<512x1024xi1>, vector<512x1024xi32>
    %reduce_min3A_133 = arith.constant dense<2147483647> : vector<512xi32>
    %reduce_min3A_134 = vector.multi_reduction <minsi>, %select_n3A_132, %reduce_min3A_133 [1] : vector<512x1024xi32> to vector<512xi32>
    %broadcast_in_dim3A_135 = vector.shape_cast %reduce_min3A_134 : vector<512xi32> to vector<512x1xi32>
    %eq3A_136 = vector.broadcast %broadcast_in_dim3A_135 : vector<512x1xi32> to vector<512x1024xi32>
    %eq3A_137 = arith.cmpi eq, %iota3A, %eq3A_136 : vector<512x1024xi32>
    %jit3A_138 = arith.constant 0x7F800000 : f32
    %broadcast_in_dim3A_139 = vector.broadcast %jit3A_138 : f32 to vector<512x1024xf32>
    %select_n3A_140 = arith.select %eq3A_137, %broadcast_in_dim3A_139, %select_n3A_124 : vector<512x1024xi1>, vector<512x1024xf32>
    %reduce_min3A_141 = arith.constant dense<0x7F800000> : vector<512xf32>
    %reduce_min3A_142 = vector.multi_reduction <minimumf>, %select_n3A_140, %reduce_min3A_141 [1] : vector<512x1024xf32> to vector<512xf32>
    %broadcast_in_dim3A_143 = vector.shape_cast %reduce_min3A_142 : vector<512xf32> to vector<512x1xf32>
    %eq3A_144 = vector.broadcast %broadcast_in_dim3A_143 : vector<512x1xf32> to vector<512x1024xf32>
    %eq3A_145 = arith.cmpf oeq, %select_n3A_140, %eq3A_144 : vector<512x1024xf32>
    %jit3A_146 = arith.constant 1024 : i32
    %broadcast_in_dim3A_147 = vector.broadcast %jit3A_146 : i32 to vector<512x1024xi32>
    %select_n3A_148 = arith.select %eq3A_145, %iota3A, %broadcast_in_dim3A_147 : vector<512x1024xi1>, vector<512x1024xi32>
    %reduce_min3A_149 = arith.constant dense<2147483647> : vector<512xi32>
    %reduce_min3A_150 = vector.multi_reduction <minsi>, %select_n3A_148, %reduce_min3A_149 [1] : vector<512x1024xi32> to vector<512xi32>
    %broadcast_in_dim3A_151 = vector.shape_cast %reduce_min3A_150 : vector<512xi32> to vector<512x1xi32>
    %eq3A_152 = vector.broadcast %broadcast_in_dim3A_151 : vector<512x1xi32> to vector<512x1024xi32>
    %eq3A_153 = arith.cmpi eq, %iota3A, %eq3A_152 : vector<512x1024xi32>
    %jit3A_154 = arith.constant 0x7F800000 : f32
    %broadcast_in_dim3A_155 = vector.broadcast %jit3A_154 : f32 to vector<512x1024xf32>
    %select_n3A_156 = arith.select %eq3A_153, %broadcast_in_dim3A_155, %select_n3A_140 : vector<512x1024xi1>, vector<512x1024xf32>
    %reduce_min3A_157 = arith.constant dense<0x7F800000> : vector<512xf32>
    %reduce_min3A_158 = vector.multi_reduction <minimumf>, %select_n3A_156, %reduce_min3A_157 [1] : vector<512x1024xf32> to vector<512xf32>
    %broadcast_in_dim3A_159 = vector.shape_cast %reduce_min3A_158 : vector<512xf32> to vector<512x1xf32>
    %eq3A_160 = vector.broadcast %broadcast_in_dim3A_159 : vector<512x1xf32> to vector<512x1024xf32>
    %eq3A_161 = arith.cmpf oeq, %select_n3A_156, %eq3A_160 : vector<512x1024xf32>
    %jit3A_162 = arith.constant 1024 : i32
    %broadcast_in_dim3A_163 = vector.broadcast %jit3A_162 : i32 to vector<512x1024xi32>
    %select_n3A_164 = arith.select %eq3A_161, %iota3A, %broadcast_in_dim3A_163 : vector<512x1024xi1>, vector<512x1024xi32>
    %reduce_min3A_165 = arith.constant dense<2147483647> : vector<512xi32>
    %reduce_min3A_166 = vector.multi_reduction <minsi>, %select_n3A_164, %reduce_min3A_165 [1] : vector<512x1024xi32> to vector<512xi32>
    %broadcast_in_dim3A_167 = vector.shape_cast %reduce_min3A_166 : vector<512xi32> to vector<512x1xi32>
    %eq3A_168 = vector.broadcast %broadcast_in_dim3A_167 : vector<512x1xi32> to vector<512x1024xi32>
    %eq3A_169 = arith.cmpi eq, %iota3A, %eq3A_168 : vector<512x1024xi32>
    %jit3A_170 = arith.constant 0x7F800000 : f32
    %broadcast_in_dim3A_171 = vector.broadcast %jit3A_170 : f32 to vector<512x1024xf32>
    %select_n3A_172 = arith.select %eq3A_169, %broadcast_in_dim3A_171, %select_n3A_156 : vector<512x1024xi1>, vector<512x1024xf32>
    %reduce_min3A_173 = arith.constant dense<0x7F800000> : vector<512xf32>
    %reduce_min3A_174 = vector.multi_reduction <minimumf>, %select_n3A_172, %reduce_min3A_173 [1] : vector<512x1024xf32> to vector<512xf32>
    %broadcast_in_dim3A_175 = vector.shape_cast %reduce_min3A_174 : vector<512xf32> to vector<512x1xf32>
    %eq3A_176 = vector.broadcast %broadcast_in_dim3A_175 : vector<512x1xf32> to vector<512x1024xf32>
    %eq3A_177 = arith.cmpf oeq, %select_n3A_172, %eq3A_176 : vector<512x1024xf32>
    %jit3A_178 = arith.constant 1024 : i32
    %broadcast_in_dim3A_179 = vector.broadcast %jit3A_178 : i32 to vector<512x1024xi32>
    %select_n3A_180 = arith.select %eq3A_177, %iota3A, %broadcast_in_dim3A_179 : vector<512x1024xi1>, vector<512x1024xi32>
    %reduce_min3A_181 = arith.constant dense<2147483647> : vector<512xi32>
    %reduce_min3A_182 = vector.multi_reduction <minsi>, %select_n3A_180, %reduce_min3A_181 [1] : vector<512x1024xi32> to vector<512xi32>
    %broadcast_in_dim3A_183 = vector.shape_cast %reduce_min3A_182 : vector<512xi32> to vector<512x1xi32>
    %eq3A_184 = vector.broadcast %broadcast_in_dim3A_183 : vector<512x1xi32> to vector<512x1024xi32>
    %eq3A_185 = arith.cmpi eq, %iota3A, %eq3A_184 : vector<512x1024xi32>
    %jit3A_186 = arith.constant 0x7F800000 : f32
    %broadcast_in_dim3A_187 = vector.broadcast %jit3A_186 : f32 to vector<512x1024xf32>
    %select_n3A_188 = arith.select %eq3A_185, %broadcast_in_dim3A_187, %select_n3A_172 : vector<512x1024xi1>, vector<512x1024xf32>
    %reduce_min3A_189 = arith.constant dense<0x7F800000> : vector<512xf32>
    %reduce_min3A_190 = vector.multi_reduction <minimumf>, %select_n3A_188, %reduce_min3A_189 [1] : vector<512x1024xf32> to vector<512xf32>
    %broadcast_in_dim3A_191 = vector.shape_cast %reduce_min3A_190 : vector<512xf32> to vector<512x1xf32>
    %eq3A_192 = vector.broadcast %broadcast_in_dim3A_191 : vector<512x1xf32> to vector<512x1024xf32>
    %eq3A_193 = arith.cmpf oeq, %select_n3A_188, %eq3A_192 : vector<512x1024xf32>
    %jit3A_194 = arith.constant 1024 : i32
    %broadcast_in_dim3A_195 = vector.broadcast %jit3A_194 : i32 to vector<512x1024xi32>
    %select_n3A_196 = arith.select %eq3A_193, %iota3A, %broadcast_in_dim3A_195 : vector<512x1024xi1>, vector<512x1024xi32>
    %reduce_min3A_197 = arith.constant dense<2147483647> : vector<512xi32>
    %reduce_min3A_198 = vector.multi_reduction <minsi>, %select_n3A_196, %reduce_min3A_197 [1] : vector<512x1024xi32> to vector<512xi32>
    %broadcast_in_dim3A_199 = vector.shape_cast %reduce_min3A_198 : vector<512xi32> to vector<512x1xi32>
    %eq3A_200 = vector.broadcast %broadcast_in_dim3A_199 : vector<512x1xi32> to vector<512x1024xi32>
    %eq3A_201 = arith.cmpi eq, %iota3A, %eq3A_200 : vector<512x1024xi32>
    %jit3A_202 = arith.constant 0x7F800000 : f32
    %broadcast_in_dim3A_203 = vector.broadcast %jit3A_202 : f32 to vector<512x1024xf32>
    %select_n3A_204 = arith.select %eq3A_201, %broadcast_in_dim3A_203, %select_n3A_188 : vector<512x1024xi1>, vector<512x1024xf32>
    %reduce_min3A_205 = arith.constant dense<0x7F800000> : vector<512xf32>
    %reduce_min3A_206 = vector.multi_reduction <minimumf>, %select_n3A_204, %reduce_min3A_205 [1] : vector<512x1024xf32> to vector<512xf32>
    %broadcast_in_dim3A_207 = vector.shape_cast %reduce_min3A_206 : vector<512xf32> to vector<512x1xf32>
    %eq3A_208 = vector.broadcast %broadcast_in_dim3A_207 : vector<512x1xf32> to vector<512x1024xf32>
    %eq3A_209 = arith.cmpf oeq, %select_n3A_204, %eq3A_208 : vector<512x1024xf32>
    %jit3A_210 = arith.constant 1024 : i32
    %broadcast_in_dim3A_211 = vector.broadcast %jit3A_210 : i32 to vector<512x1024xi32>
    %select_n3A_212 = arith.select %eq3A_209, %iota3A, %broadcast_in_dim3A_211 : vector<512x1024xi1>, vector<512x1024xi32>
    %reduce_min3A_213 = arith.constant dense<2147483647> : vector<512xi32>
    %reduce_min3A_214 = vector.multi_reduction <minsi>, %select_n3A_212, %reduce_min3A_213 [1] : vector<512x1024xi32> to vector<512xi32>
    %broadcast_in_dim3A_215 = vector.shape_cast %reduce_min3A_214 : vector<512xi32> to vector<512x1xi32>
    %eq3A_216 = vector.broadcast %broadcast_in_dim3A_215 : vector<512x1xi32> to vector<512x1024xi32>
    %eq3A_217 = arith.cmpi eq, %iota3A, %eq3A_216 : vector<512x1024xi32>
    %jit3A_218 = arith.constant 0x7F800000 : f32
    %broadcast_in_dim3A_219 = vector.broadcast %jit3A_218 : f32 to vector<512x1024xf32>
    %select_n3A_220 = arith.select %eq3A_217, %broadcast_in_dim3A_219, %select_n3A_204 : vector<512x1024xi1>, vector<512x1024xf32>
    %reduce_min3A_221 = arith.constant dense<0x7F800000> : vector<512xf32>
    %reduce_min3A_222 = vector.multi_reduction <minimumf>, %select_n3A_220, %reduce_min3A_221 [1] : vector<512x1024xf32> to vector<512xf32>
    %broadcast_in_dim3A_223 = vector.shape_cast %reduce_min3A_222 : vector<512xf32> to vector<512x1xf32>
    %eq3A_224 = vector.broadcast %broadcast_in_dim3A_223 : vector<512x1xf32> to vector<512x1024xf32>
    %eq3A_225 = arith.cmpf oeq, %select_n3A_220, %eq3A_224 : vector<512x1024xf32>
    %jit3A_226 = arith.constant 1024 : i32
    %broadcast_in_dim3A_227 = vector.broadcast %jit3A_226 : i32 to vector<512x1024xi32>
    %select_n3A_228 = arith.select %eq3A_225, %iota3A, %broadcast_in_dim3A_227 : vector<512x1024xi1>, vector<512x1024xi32>
    %reduce_min3A_229 = arith.constant dense<2147483647> : vector<512xi32>
    %reduce_min3A_230 = vector.multi_reduction <minsi>, %select_n3A_228, %reduce_min3A_229 [1] : vector<512x1024xi32> to vector<512xi32>
    %broadcast_in_dim3A_231 = vector.shape_cast %reduce_min3A_230 : vector<512xi32> to vector<512x1xi32>
    %eq3A_232 = vector.broadcast %broadcast_in_dim3A_231 : vector<512x1xi32> to vector<512x1024xi32>
    %eq3A_233 = arith.cmpi eq, %iota3A, %eq3A_232 : vector<512x1024xi32>
    %jit3A_234 = arith.constant 0x7F800000 : f32
    %broadcast_in_dim3A_235 = vector.broadcast %jit3A_234 : f32 to vector<512x1024xf32>
    %select_n3A_236 = arith.select %eq3A_233, %broadcast_in_dim3A_235, %select_n3A_220 : vector<512x1024xi1>, vector<512x1024xf32>
    %reduce_min3A_237 = arith.constant dense<0x7F800000> : vector<512xf32>
    %reduce_min3A_238 = vector.multi_reduction <minimumf>, %select_n3A_236, %reduce_min3A_237 [1] : vector<512x1024xf32> to vector<512xf32>
    %broadcast_in_dim3A_239 = vector.shape_cast %reduce_min3A_238 : vector<512xf32> to vector<512x1xf32>
    %eq3A_240 = vector.broadcast %broadcast_in_dim3A_239 : vector<512x1xf32> to vector<512x1024xf32>
    %eq3A_241 = arith.cmpf oeq, %select_n3A_236, %eq3A_240 : vector<512x1024xf32>
    %jit3A_242 = arith.constant 1024 : i32
    %broadcast_in_dim3A_243 = vector.broadcast %jit3A_242 : i32 to vector<512x1024xi32>
    %select_n3A_244 = arith.select %eq3A_241, %iota3A, %broadcast_in_dim3A_243 : vector<512x1024xi1>, vector<512x1024xi32>
    %reduce_min3A_245 = arith.constant dense<2147483647> : vector<512xi32>
    %reduce_min3A_246 = vector.multi_reduction <minsi>, %select_n3A_244, %reduce_min3A_245 [1] : vector<512x1024xi32> to vector<512xi32>
    %stack3A = vector.shape_cast %reduce_min3A_6 : vector<512xi32> to vector<512x1xi32>
    %stack3A_247 = vector.shape_cast %reduce_min3A_22 : vector<512xi32> to vector<512x1xi32>
    %stack3A_248 = vector.shape_cast %reduce_min3A_38 : vector<512xi32> to vector<512x1xi32>
    %stack3A_249 = vector.shape_cast %reduce_min3A_54 : vector<512xi32> to vector<512x1xi32>
    %stack3A_250 = vector.shape_cast %reduce_min3A_70 : vector<512xi32> to vector<512x1xi32>
    %stack3A_251 = vector.shape_cast %reduce_min3A_86 : vector<512xi32> to vector<512x1xi32>
    %stack3A_252 = vector.shape_cast %reduce_min3A_102 : vector<512xi32> to vector<512x1xi32>
    %stack3A_253 = vector.shape_cast %reduce_min3A_118 : vector<512xi32> to vector<512x1xi32>
    %stack3A_254 = vector.shape_cast %reduce_min3A_134 : vector<512xi32> to vector<512x1xi32>
    %stack3A_255 = vector.shape_cast %reduce_min3A_150 : vector<512xi32> to vector<512x1xi32>
    %stack3A_256 = vector.shape_cast %reduce_min3A_166 : vector<512xi32> to vector<512x1xi32>
    %stack3A_257 = vector.shape_cast %reduce_min3A_182 : vector<512xi32> to vector<512x1xi32>
    %stack3A_258 = vector.shape_cast %reduce_min3A_198 : vector<512xi32> to vector<512x1xi32>
    %stack3A_259 = vector.shape_cast %reduce_min3A_214 : vector<512xi32> to vector<512x1xi32>
    %stack3A_260 = vector.shape_cast %reduce_min3A_230 : vector<512xi32> to vector<512x1xi32>
    %stack3A_261 = vector.shape_cast %reduce_min3A_246 : vector<512xi32> to vector<512x1xi32>
    %stack3A_262 = tpu.concatenate %stack3A, %stack3A_247, %stack3A_248, %stack3A_249, %stack3A_250, %stack3A_251, %stack3A_252, %stack3A_253, %stack3A_254, %stack3A_255, %stack3A_256, %stack3A_257, %stack3A_258, %stack3A_259, %stack3A_260, %stack3A_261 in 1 : vector<512x1xi32>, vector<512x1xi32>, vector<512x1xi32>, vector<512x1xi32>, vector<512x1xi32>, vector<512x1xi32>, vector<512x1xi32>, vector<512x1xi32>, vector<512x1xi32>, vector<512x1xi32>, vector<512x1xi32>, vector<512x1xi32>, vector<512x1xi32>, vector<512x1xi32>, vector<512x1xi32>, vector<512x1xi32> -> vector<512x16xi32>
    %swap3A = arith.constant 0 : index
    %swap3A_263 = arith.constant 0 : index
    %swap3A_264 = vector.load %arg2[%swap3A, %swap3A_263] : memref<512x16xi32, #tpu.memory_space<vmem>>, vector<512x16xi32>
    tpu.vector_store %arg2[%swap3A, %swap3A_263], %stack3A_262 {strides = array<i32>} : memref<512x16xi32, #tpu.memory_space<vmem>>, vector<512x16xi32>,
    return
  }
  func.func @transform_0(%arg0: i32) -> (i32, i32) {
    %c0_i32 = arith.constant 0 : i32
    %c0_i32_0 = arith.constant 0 : i32
    return %arg0, %c0_i32 : i32, i32
  }
  func.func @transform_1(%arg0: i32) -> (i32, i32) {
    %c0_i32 = arith.constant 0 : i32
    %c0_i32_0 = arith.constant 0 : i32
    return %arg0, %c0_i32 : i32, i32
  }
}

module attributes {stable_mosaic.version = 14 : i64} {
  func.func @_sel_topk_kernel(%arg0: i32, %arg1: memref<512x512xf32, #tpu.memory_space<vmem>>, %arg2: memref<512x20xi32, #tpu.memory_space<vmem>>) attributes {dimension_semantics = [#tpu.dimension_semantics<arbitrary>], iteration_bounds = array<i64: 1>, scalar_prefetch = 0 : i64, scratch_operands = 0 : i64, tpu.core_type = #tpu.core_type<tc>, window_params = [{transform_indices = @transform_0, window_bounds = array<i64: 512, 512>}, {transform_indices = @transform_1, window_bounds = array<i64: 512, 20>}]} {
    %get3A = arith.constant 0 : index
    %get3A_0 = arith.constant 0 : index
    %get3A_1 = vector.load %arg1[%get3A, %get3A_0] : memref<512x512xf32, #tpu.memory_space<vmem>>, vector<512x512xf32>
    %iota3A = tpu.iota {dimensions = array<i32: 1>} : vector<512x512xi32>
    %reduce_min3A = arith.constant dense<0x7F800000> : vector<512xf32>
    %reduce_min3A_2 = vector.multi_reduction <minimumf>, %get3A_1, %reduce_min3A [1] : vector<512x512xf32> to vector<512xf32>
    %broadcast_in_dim3A = vector.shape_cast %reduce_min3A_2 : vector<512xf32> to vector<512x1xf32>
    %eq3A = vector.broadcast %broadcast_in_dim3A : vector<512x1xf32> to vector<512x512xf32>
    %eq3A_3 = arith.cmpf oeq, %get3A_1, %eq3A : vector<512x512xf32>
    %jit3A = arith.constant 512 : i32
    %broadcast_in_dim3A_4 = vector.broadcast %jit3A : i32 to vector<512x512xi32>
    %select_n3A = arith.select %eq3A_3, %iota3A, %broadcast_in_dim3A_4 : vector<512x512xi1>, vector<512x512xi32>
    %reduce_min3A_5 = arith.constant dense<2147483647> : vector<512xi32>
    %reduce_min3A_6 = vector.multi_reduction <minsi>, %select_n3A, %reduce_min3A_5 [1] : vector<512x512xi32> to vector<512xi32>
    %broadcast_in_dim3A_7 = vector.shape_cast %reduce_min3A_6 : vector<512xi32> to vector<512x1xi32>
    %eq3A_8 = vector.broadcast %broadcast_in_dim3A_7 : vector<512x1xi32> to vector<512x512xi32>
    %eq3A_9 = arith.cmpi eq, %iota3A, %eq3A_8 : vector<512x512xi32>
    %jit3A_10 = arith.constant 0x7F800000 : f32
    %broadcast_in_dim3A_11 = vector.broadcast %jit3A_10 : f32 to vector<512x512xf32>
    %select_n3A_12 = arith.select %eq3A_9, %broadcast_in_dim3A_11, %get3A_1 : vector<512x512xi1>, vector<512x512xf32>
    %reduce_min3A_13 = arith.constant dense<0x7F800000> : vector<512xf32>
    %reduce_min3A_14 = vector.multi_reduction <minimumf>, %select_n3A_12, %reduce_min3A_13 [1] : vector<512x512xf32> to vector<512xf32>
    %broadcast_in_dim3A_15 = vector.shape_cast %reduce_min3A_14 : vector<512xf32> to vector<512x1xf32>
    %eq3A_16 = vector.broadcast %broadcast_in_dim3A_15 : vector<512x1xf32> to vector<512x512xf32>
    %eq3A_17 = arith.cmpf oeq, %select_n3A_12, %eq3A_16 : vector<512x512xf32>
    %jit3A_18 = arith.constant 512 : i32
    %broadcast_in_dim3A_19 = vector.broadcast %jit3A_18 : i32 to vector<512x512xi32>
    %select_n3A_20 = arith.select %eq3A_17, %iota3A, %broadcast_in_dim3A_19 : vector<512x512xi1>, vector<512x512xi32>
    %reduce_min3A_21 = arith.constant dense<2147483647> : vector<512xi32>
    %reduce_min3A_22 = vector.multi_reduction <minsi>, %select_n3A_20, %reduce_min3A_21 [1] : vector<512x512xi32> to vector<512xi32>
    %broadcast_in_dim3A_23 = vector.shape_cast %reduce_min3A_22 : vector<512xi32> to vector<512x1xi32>
    %eq3A_24 = vector.broadcast %broadcast_in_dim3A_23 : vector<512x1xi32> to vector<512x512xi32>
    %eq3A_25 = arith.cmpi eq, %iota3A, %eq3A_24 : vector<512x512xi32>
    %jit3A_26 = arith.constant 0x7F800000 : f32
    %broadcast_in_dim3A_27 = vector.broadcast %jit3A_26 : f32 to vector<512x512xf32>
    %select_n3A_28 = arith.select %eq3A_25, %broadcast_in_dim3A_27, %select_n3A_12 : vector<512x512xi1>, vector<512x512xf32>
    %reduce_min3A_29 = arith.constant dense<0x7F800000> : vector<512xf32>
    %reduce_min3A_30 = vector.multi_reduction <minimumf>, %select_n3A_28, %reduce_min3A_29 [1] : vector<512x512xf32> to vector<512xf32>
    %broadcast_in_dim3A_31 = vector.shape_cast %reduce_min3A_30 : vector<512xf32> to vector<512x1xf32>
    %eq3A_32 = vector.broadcast %broadcast_in_dim3A_31 : vector<512x1xf32> to vector<512x512xf32>
    %eq3A_33 = arith.cmpf oeq, %select_n3A_28, %eq3A_32 : vector<512x512xf32>
    %jit3A_34 = arith.constant 512 : i32
    %broadcast_in_dim3A_35 = vector.broadcast %jit3A_34 : i32 to vector<512x512xi32>
    %select_n3A_36 = arith.select %eq3A_33, %iota3A, %broadcast_in_dim3A_35 : vector<512x512xi1>, vector<512x512xi32>
    %reduce_min3A_37 = arith.constant dense<2147483647> : vector<512xi32>
    %reduce_min3A_38 = vector.multi_reduction <minsi>, %select_n3A_36, %reduce_min3A_37 [1] : vector<512x512xi32> to vector<512xi32>
    %broadcast_in_dim3A_39 = vector.shape_cast %reduce_min3A_38 : vector<512xi32> to vector<512x1xi32>
    %eq3A_40 = vector.broadcast %broadcast_in_dim3A_39 : vector<512x1xi32> to vector<512x512xi32>
    %eq3A_41 = arith.cmpi eq, %iota3A, %eq3A_40 : vector<512x512xi32>
    %jit3A_42 = arith.constant 0x7F800000 : f32
    %broadcast_in_dim3A_43 = vector.broadcast %jit3A_42 : f32 to vector<512x512xf32>
    %select_n3A_44 = arith.select %eq3A_41, %broadcast_in_dim3A_43, %select_n3A_28 : vector<512x512xi1>, vector<512x512xf32>
    %reduce_min3A_45 = arith.constant dense<0x7F800000> : vector<512xf32>
    %reduce_min3A_46 = vector.multi_reduction <minimumf>, %select_n3A_44, %reduce_min3A_45 [1] : vector<512x512xf32> to vector<512xf32>
    %broadcast_in_dim3A_47 = vector.shape_cast %reduce_min3A_46 : vector<512xf32> to vector<512x1xf32>
    %eq3A_48 = vector.broadcast %broadcast_in_dim3A_47 : vector<512x1xf32> to vector<512x512xf32>
    %eq3A_49 = arith.cmpf oeq, %select_n3A_44, %eq3A_48 : vector<512x512xf32>
    %jit3A_50 = arith.constant 512 : i32
    %broadcast_in_dim3A_51 = vector.broadcast %jit3A_50 : i32 to vector<512x512xi32>
    %select_n3A_52 = arith.select %eq3A_49, %iota3A, %broadcast_in_dim3A_51 : vector<512x512xi1>, vector<512x512xi32>
    %reduce_min3A_53 = arith.constant dense<2147483647> : vector<512xi32>
    %reduce_min3A_54 = vector.multi_reduction <minsi>, %select_n3A_52, %reduce_min3A_53 [1] : vector<512x512xi32> to vector<512xi32>
    %broadcast_in_dim3A_55 = vector.shape_cast %reduce_min3A_54 : vector<512xi32> to vector<512x1xi32>
    %eq3A_56 = vector.broadcast %broadcast_in_dim3A_55 : vector<512x1xi32> to vector<512x512xi32>
    %eq3A_57 = arith.cmpi eq, %iota3A, %eq3A_56 : vector<512x512xi32>
    %jit3A_58 = arith.constant 0x7F800000 : f32
    %broadcast_in_dim3A_59 = vector.broadcast %jit3A_58 : f32 to vector<512x512xf32>
    %select_n3A_60 = arith.select %eq3A_57, %broadcast_in_dim3A_59, %select_n3A_44 : vector<512x512xi1>, vector<512x512xf32>
    %reduce_min3A_61 = arith.constant dense<0x7F800000> : vector<512xf32>
    %reduce_min3A_62 = vector.multi_reduction <minimumf>, %select_n3A_60, %reduce_min3A_61 [1] : vector<512x512xf32> to vector<512xf32>
    %broadcast_in_dim3A_63 = vector.shape_cast %reduce_min3A_62 : vector<512xf32> to vector<512x1xf32>
    %eq3A_64 = vector.broadcast %broadcast_in_dim3A_63 : vector<512x1xf32> to vector<512x512xf32>
    %eq3A_65 = arith.cmpf oeq, %select_n3A_60, %eq3A_64 : vector<512x512xf32>
    %jit3A_66 = arith.constant 512 : i32
    %broadcast_in_dim3A_67 = vector.broadcast %jit3A_66 : i32 to vector<512x512xi32>
    %select_n3A_68 = arith.select %eq3A_65, %iota3A, %broadcast_in_dim3A_67 : vector<512x512xi1>, vector<512x512xi32>
    %reduce_min3A_69 = arith.constant dense<2147483647> : vector<512xi32>
    %reduce_min3A_70 = vector.multi_reduction <minsi>, %select_n3A_68, %reduce_min3A_69 [1] : vector<512x512xi32> to vector<512xi32>
    %broadcast_in_dim3A_71 = vector.shape_cast %reduce_min3A_70 : vector<512xi32> to vector<512x1xi32>
    %eq3A_72 = vector.broadcast %broadcast_in_dim3A_71 : vector<512x1xi32> to vector<512x512xi32>
    %eq3A_73 = arith.cmpi eq, %iota3A, %eq3A_72 : vector<512x512xi32>
    %jit3A_74 = arith.constant 0x7F800000 : f32
    %broadcast_in_dim3A_75 = vector.broadcast %jit3A_74 : f32 to vector<512x512xf32>
    %select_n3A_76 = arith.select %eq3A_73, %broadcast_in_dim3A_75, %select_n3A_60 : vector<512x512xi1>, vector<512x512xf32>
    %reduce_min3A_77 = arith.constant dense<0x7F800000> : vector<512xf32>
    %reduce_min3A_78 = vector.multi_reduction <minimumf>, %select_n3A_76, %reduce_min3A_77 [1] : vector<512x512xf32> to vector<512xf32>
    %broadcast_in_dim3A_79 = vector.shape_cast %reduce_min3A_78 : vector<512xf32> to vector<512x1xf32>
    %eq3A_80 = vector.broadcast %broadcast_in_dim3A_79 : vector<512x1xf32> to vector<512x512xf32>
    %eq3A_81 = arith.cmpf oeq, %select_n3A_76, %eq3A_80 : vector<512x512xf32>
    %jit3A_82 = arith.constant 512 : i32
    %broadcast_in_dim3A_83 = vector.broadcast %jit3A_82 : i32 to vector<512x512xi32>
    %select_n3A_84 = arith.select %eq3A_81, %iota3A, %broadcast_in_dim3A_83 : vector<512x512xi1>, vector<512x512xi32>
    %reduce_min3A_85 = arith.constant dense<2147483647> : vector<512xi32>
    %reduce_min3A_86 = vector.multi_reduction <minsi>, %select_n3A_84, %reduce_min3A_85 [1] : vector<512x512xi32> to vector<512xi32>
    %broadcast_in_dim3A_87 = vector.shape_cast %reduce_min3A_86 : vector<512xi32> to vector<512x1xi32>
    %eq3A_88 = vector.broadcast %broadcast_in_dim3A_87 : vector<512x1xi32> to vector<512x512xi32>
    %eq3A_89 = arith.cmpi eq, %iota3A, %eq3A_88 : vector<512x512xi32>
    %jit3A_90 = arith.constant 0x7F800000 : f32
    %broadcast_in_dim3A_91 = vector.broadcast %jit3A_90 : f32 to vector<512x512xf32>
    %select_n3A_92 = arith.select %eq3A_89, %broadcast_in_dim3A_91, %select_n3A_76 : vector<512x512xi1>, vector<512x512xf32>
    %reduce_min3A_93 = arith.constant dense<0x7F800000> : vector<512xf32>
    %reduce_min3A_94 = vector.multi_reduction <minimumf>, %select_n3A_92, %reduce_min3A_93 [1] : vector<512x512xf32> to vector<512xf32>
    %broadcast_in_dim3A_95 = vector.shape_cast %reduce_min3A_94 : vector<512xf32> to vector<512x1xf32>
    %eq3A_96 = vector.broadcast %broadcast_in_dim3A_95 : vector<512x1xf32> to vector<512x512xf32>
    %eq3A_97 = arith.cmpf oeq, %select_n3A_92, %eq3A_96 : vector<512x512xf32>
    %jit3A_98 = arith.constant 512 : i32
    %broadcast_in_dim3A_99 = vector.broadcast %jit3A_98 : i32 to vector<512x512xi32>
    %select_n3A_100 = arith.select %eq3A_97, %iota3A, %broadcast_in_dim3A_99 : vector<512x512xi1>, vector<512x512xi32>
    %reduce_min3A_101 = arith.constant dense<2147483647> : vector<512xi32>
    %reduce_min3A_102 = vector.multi_reduction <minsi>, %select_n3A_100, %reduce_min3A_101 [1] : vector<512x512xi32> to vector<512xi32>
    %broadcast_in_dim3A_103 = vector.shape_cast %reduce_min3A_102 : vector<512xi32> to vector<512x1xi32>
    %eq3A_104 = vector.broadcast %broadcast_in_dim3A_103 : vector<512x1xi32> to vector<512x512xi32>
    %eq3A_105 = arith.cmpi eq, %iota3A, %eq3A_104 : vector<512x512xi32>
    %jit3A_106 = arith.constant 0x7F800000 : f32
    %broadcast_in_dim3A_107 = vector.broadcast %jit3A_106 : f32 to vector<512x512xf32>
    %select_n3A_108 = arith.select %eq3A_105, %broadcast_in_dim3A_107, %select_n3A_92 : vector<512x512xi1>, vector<512x512xf32>
    %reduce_min3A_109 = arith.constant dense<0x7F800000> : vector<512xf32>
    %reduce_min3A_110 = vector.multi_reduction <minimumf>, %select_n3A_108, %reduce_min3A_109 [1] : vector<512x512xf32> to vector<512xf32>
    %broadcast_in_dim3A_111 = vector.shape_cast %reduce_min3A_110 : vector<512xf32> to vector<512x1xf32>
    %eq3A_112 = vector.broadcast %broadcast_in_dim3A_111 : vector<512x1xf32> to vector<512x512xf32>
    %eq3A_113 = arith.cmpf oeq, %select_n3A_108, %eq3A_112 : vector<512x512xf32>
    %jit3A_114 = arith.constant 512 : i32
    %broadcast_in_dim3A_115 = vector.broadcast %jit3A_114 : i32 to vector<512x512xi32>
    %select_n3A_116 = arith.select %eq3A_113, %iota3A, %broadcast_in_dim3A_115 : vector<512x512xi1>, vector<512x512xi32>
    %reduce_min3A_117 = arith.constant dense<2147483647> : vector<512xi32>
    %reduce_min3A_118 = vector.multi_reduction <minsi>, %select_n3A_116, %reduce_min3A_117 [1] : vector<512x512xi32> to vector<512xi32>
    %broadcast_in_dim3A_119 = vector.shape_cast %reduce_min3A_118 : vector<512xi32> to vector<512x1xi32>
    %eq3A_120 = vector.broadcast %broadcast_in_dim3A_119 : vector<512x1xi32> to vector<512x512xi32>
    %eq3A_121 = arith.cmpi eq, %iota3A, %eq3A_120 : vector<512x512xi32>
    %jit3A_122 = arith.constant 0x7F800000 : f32
    %broadcast_in_dim3A_123 = vector.broadcast %jit3A_122 : f32 to vector<512x512xf32>
    %select_n3A_124 = arith.select %eq3A_121, %broadcast_in_dim3A_123, %select_n3A_108 : vector<512x512xi1>, vector<512x512xf32>
    %reduce_min3A_125 = arith.constant dense<0x7F800000> : vector<512xf32>
    %reduce_min3A_126 = vector.multi_reduction <minimumf>, %select_n3A_124, %reduce_min3A_125 [1] : vector<512x512xf32> to vector<512xf32>
    %broadcast_in_dim3A_127 = vector.shape_cast %reduce_min3A_126 : vector<512xf32> to vector<512x1xf32>
    %eq3A_128 = vector.broadcast %broadcast_in_dim3A_127 : vector<512x1xf32> to vector<512x512xf32>
    %eq3A_129 = arith.cmpf oeq, %select_n3A_124, %eq3A_128 : vector<512x512xf32>
    %jit3A_130 = arith.constant 512 : i32
    %broadcast_in_dim3A_131 = vector.broadcast %jit3A_130 : i32 to vector<512x512xi32>
    %select_n3A_132 = arith.select %eq3A_129, %iota3A, %broadcast_in_dim3A_131 : vector<512x512xi1>, vector<512x512xi32>
    %reduce_min3A_133 = arith.constant dense<2147483647> : vector<512xi32>
    %reduce_min3A_134 = vector.multi_reduction <minsi>, %select_n3A_132, %reduce_min3A_133 [1] : vector<512x512xi32> to vector<512xi32>
    %broadcast_in_dim3A_135 = vector.shape_cast %reduce_min3A_134 : vector<512xi32> to vector<512x1xi32>
    %eq3A_136 = vector.broadcast %broadcast_in_dim3A_135 : vector<512x1xi32> to vector<512x512xi32>
    %eq3A_137 = arith.cmpi eq, %iota3A, %eq3A_136 : vector<512x512xi32>
    %jit3A_138 = arith.constant 0x7F800000 : f32
    %broadcast_in_dim3A_139 = vector.broadcast %jit3A_138 : f32 to vector<512x512xf32>
    %select_n3A_140 = arith.select %eq3A_137, %broadcast_in_dim3A_139, %select_n3A_124 : vector<512x512xi1>, vector<512x512xf32>
    %reduce_min3A_141 = arith.constant dense<0x7F800000> : vector<512xf32>
    %reduce_min3A_142 = vector.multi_reduction <minimumf>, %select_n3A_140, %reduce_min3A_141 [1] : vector<512x512xf32> to vector<512xf32>
    %broadcast_in_dim3A_143 = vector.shape_cast %reduce_min3A_142 : vector<512xf32> to vector<512x1xf32>
    %eq3A_144 = vector.broadcast %broadcast_in_dim3A_143 : vector<512x1xf32> to vector<512x512xf32>
    %eq3A_145 = arith.cmpf oeq, %select_n3A_140, %eq3A_144 : vector<512x512xf32>
    %jit3A_146 = arith.constant 512 : i32
    %broadcast_in_dim3A_147 = vector.broadcast %jit3A_146 : i32 to vector<512x512xi32>
    %select_n3A_148 = arith.select %eq3A_145, %iota3A, %broadcast_in_dim3A_147 : vector<512x512xi1>, vector<512x512xi32>
    %reduce_min3A_149 = arith.constant dense<2147483647> : vector<512xi32>
    %reduce_min3A_150 = vector.multi_reduction <minsi>, %select_n3A_148, %reduce_min3A_149 [1] : vector<512x512xi32> to vector<512xi32>
    %broadcast_in_dim3A_151 = vector.shape_cast %reduce_min3A_150 : vector<512xi32> to vector<512x1xi32>
    %eq3A_152 = vector.broadcast %broadcast_in_dim3A_151 : vector<512x1xi32> to vector<512x512xi32>
    %eq3A_153 = arith.cmpi eq, %iota3A, %eq3A_152 : vector<512x512xi32>
    %jit3A_154 = arith.constant 0x7F800000 : f32
    %broadcast_in_dim3A_155 = vector.broadcast %jit3A_154 : f32 to vector<512x512xf32>
    %select_n3A_156 = arith.select %eq3A_153, %broadcast_in_dim3A_155, %select_n3A_140 : vector<512x512xi1>, vector<512x512xf32>
    %reduce_min3A_157 = arith.constant dense<0x7F800000> : vector<512xf32>
    %reduce_min3A_158 = vector.multi_reduction <minimumf>, %select_n3A_156, %reduce_min3A_157 [1] : vector<512x512xf32> to vector<512xf32>
    %broadcast_in_dim3A_159 = vector.shape_cast %reduce_min3A_158 : vector<512xf32> to vector<512x1xf32>
    %eq3A_160 = vector.broadcast %broadcast_in_dim3A_159 : vector<512x1xf32> to vector<512x512xf32>
    %eq3A_161 = arith.cmpf oeq, %select_n3A_156, %eq3A_160 : vector<512x512xf32>
    %jit3A_162 = arith.constant 512 : i32
    %broadcast_in_dim3A_163 = vector.broadcast %jit3A_162 : i32 to vector<512x512xi32>
    %select_n3A_164 = arith.select %eq3A_161, %iota3A, %broadcast_in_dim3A_163 : vector<512x512xi1>, vector<512x512xi32>
    %reduce_min3A_165 = arith.constant dense<2147483647> : vector<512xi32>
    %reduce_min3A_166 = vector.multi_reduction <minsi>, %select_n3A_164, %reduce_min3A_165 [1] : vector<512x512xi32> to vector<512xi32>
    %broadcast_in_dim3A_167 = vector.shape_cast %reduce_min3A_166 : vector<512xi32> to vector<512x1xi32>
    %eq3A_168 = vector.broadcast %broadcast_in_dim3A_167 : vector<512x1xi32> to vector<512x512xi32>
    %eq3A_169 = arith.cmpi eq, %iota3A, %eq3A_168 : vector<512x512xi32>
    %jit3A_170 = arith.constant 0x7F800000 : f32
    %broadcast_in_dim3A_171 = vector.broadcast %jit3A_170 : f32 to vector<512x512xf32>
    %select_n3A_172 = arith.select %eq3A_169, %broadcast_in_dim3A_171, %select_n3A_156 : vector<512x512xi1>, vector<512x512xf32>
    %reduce_min3A_173 = arith.constant dense<0x7F800000> : vector<512xf32>
    %reduce_min3A_174 = vector.multi_reduction <minimumf>, %select_n3A_172, %reduce_min3A_173 [1] : vector<512x512xf32> to vector<512xf32>
    %broadcast_in_dim3A_175 = vector.shape_cast %reduce_min3A_174 : vector<512xf32> to vector<512x1xf32>
    %eq3A_176 = vector.broadcast %broadcast_in_dim3A_175 : vector<512x1xf32> to vector<512x512xf32>
    %eq3A_177 = arith.cmpf oeq, %select_n3A_172, %eq3A_176 : vector<512x512xf32>
    %jit3A_178 = arith.constant 512 : i32
    %broadcast_in_dim3A_179 = vector.broadcast %jit3A_178 : i32 to vector<512x512xi32>
    %select_n3A_180 = arith.select %eq3A_177, %iota3A, %broadcast_in_dim3A_179 : vector<512x512xi1>, vector<512x512xi32>
    %reduce_min3A_181 = arith.constant dense<2147483647> : vector<512xi32>
    %reduce_min3A_182 = vector.multi_reduction <minsi>, %select_n3A_180, %reduce_min3A_181 [1] : vector<512x512xi32> to vector<512xi32>
    %broadcast_in_dim3A_183 = vector.shape_cast %reduce_min3A_182 : vector<512xi32> to vector<512x1xi32>
    %eq3A_184 = vector.broadcast %broadcast_in_dim3A_183 : vector<512x1xi32> to vector<512x512xi32>
    %eq3A_185 = arith.cmpi eq, %iota3A, %eq3A_184 : vector<512x512xi32>
    %jit3A_186 = arith.constant 0x7F800000 : f32
    %broadcast_in_dim3A_187 = vector.broadcast %jit3A_186 : f32 to vector<512x512xf32>
    %select_n3A_188 = arith.select %eq3A_185, %broadcast_in_dim3A_187, %select_n3A_172 : vector<512x512xi1>, vector<512x512xf32>
    %reduce_min3A_189 = arith.constant dense<0x7F800000> : vector<512xf32>
    %reduce_min3A_190 = vector.multi_reduction <minimumf>, %select_n3A_188, %reduce_min3A_189 [1] : vector<512x512xf32> to vector<512xf32>
    %broadcast_in_dim3A_191 = vector.shape_cast %reduce_min3A_190 : vector<512xf32> to vector<512x1xf32>
    %eq3A_192 = vector.broadcast %broadcast_in_dim3A_191 : vector<512x1xf32> to vector<512x512xf32>
    %eq3A_193 = arith.cmpf oeq, %select_n3A_188, %eq3A_192 : vector<512x512xf32>
    %jit3A_194 = arith.constant 512 : i32
    %broadcast_in_dim3A_195 = vector.broadcast %jit3A_194 : i32 to vector<512x512xi32>
    %select_n3A_196 = arith.select %eq3A_193, %iota3A, %broadcast_in_dim3A_195 : vector<512x512xi1>, vector<512x512xi32>
    %reduce_min3A_197 = arith.constant dense<2147483647> : vector<512xi32>
    %reduce_min3A_198 = vector.multi_reduction <minsi>, %select_n3A_196, %reduce_min3A_197 [1] : vector<512x512xi32> to vector<512xi32>
    %broadcast_in_dim3A_199 = vector.shape_cast %reduce_min3A_198 : vector<512xi32> to vector<512x1xi32>
    %eq3A_200 = vector.broadcast %broadcast_in_dim3A_199 : vector<512x1xi32> to vector<512x512xi32>
    %eq3A_201 = arith.cmpi eq, %iota3A, %eq3A_200 : vector<512x512xi32>
    %jit3A_202 = arith.constant 0x7F800000 : f32
    %broadcast_in_dim3A_203 = vector.broadcast %jit3A_202 : f32 to vector<512x512xf32>
    %select_n3A_204 = arith.select %eq3A_201, %broadcast_in_dim3A_203, %select_n3A_188 : vector<512x512xi1>, vector<512x512xf32>
    %reduce_min3A_205 = arith.constant dense<0x7F800000> : vector<512xf32>
    %reduce_min3A_206 = vector.multi_reduction <minimumf>, %select_n3A_204, %reduce_min3A_205 [1] : vector<512x512xf32> to vector<512xf32>
    %broadcast_in_dim3A_207 = vector.shape_cast %reduce_min3A_206 : vector<512xf32> to vector<512x1xf32>
    %eq3A_208 = vector.broadcast %broadcast_in_dim3A_207 : vector<512x1xf32> to vector<512x512xf32>
    %eq3A_209 = arith.cmpf oeq, %select_n3A_204, %eq3A_208 : vector<512x512xf32>
    %jit3A_210 = arith.constant 512 : i32
    %broadcast_in_dim3A_211 = vector.broadcast %jit3A_210 : i32 to vector<512x512xi32>
    %select_n3A_212 = arith.select %eq3A_209, %iota3A, %broadcast_in_dim3A_211 : vector<512x512xi1>, vector<512x512xi32>
    %reduce_min3A_213 = arith.constant dense<2147483647> : vector<512xi32>
    %reduce_min3A_214 = vector.multi_reduction <minsi>, %select_n3A_212, %reduce_min3A_213 [1] : vector<512x512xi32> to vector<512xi32>
    %broadcast_in_dim3A_215 = vector.shape_cast %reduce_min3A_214 : vector<512xi32> to vector<512x1xi32>
    %eq3A_216 = vector.broadcast %broadcast_in_dim3A_215 : vector<512x1xi32> to vector<512x512xi32>
    %eq3A_217 = arith.cmpi eq, %iota3A, %eq3A_216 : vector<512x512xi32>
    %jit3A_218 = arith.constant 0x7F800000 : f32
    %broadcast_in_dim3A_219 = vector.broadcast %jit3A_218 : f32 to vector<512x512xf32>
    %select_n3A_220 = arith.select %eq3A_217, %broadcast_in_dim3A_219, %select_n3A_204 : vector<512x512xi1>, vector<512x512xf32>
    %reduce_min3A_221 = arith.constant dense<0x7F800000> : vector<512xf32>
    %reduce_min3A_222 = vector.multi_reduction <minimumf>, %select_n3A_220, %reduce_min3A_221 [1] : vector<512x512xf32> to vector<512xf32>
    %broadcast_in_dim3A_223 = vector.shape_cast %reduce_min3A_222 : vector<512xf32> to vector<512x1xf32>
    %eq3A_224 = vector.broadcast %broadcast_in_dim3A_223 : vector<512x1xf32> to vector<512x512xf32>
    %eq3A_225 = arith.cmpf oeq, %select_n3A_220, %eq3A_224 : vector<512x512xf32>
    %jit3A_226 = arith.constant 512 : i32
    %broadcast_in_dim3A_227 = vector.broadcast %jit3A_226 : i32 to vector<512x512xi32>
    %select_n3A_228 = arith.select %eq3A_225, %iota3A, %broadcast_in_dim3A_227 : vector<512x512xi1>, vector<512x512xi32>
    %reduce_min3A_229 = arith.constant dense<2147483647> : vector<512xi32>
    %reduce_min3A_230 = vector.multi_reduction <minsi>, %select_n3A_228, %reduce_min3A_229 [1] : vector<512x512xi32> to vector<512xi32>
    %broadcast_in_dim3A_231 = vector.shape_cast %reduce_min3A_230 : vector<512xi32> to vector<512x1xi32>
    %eq3A_232 = vector.broadcast %broadcast_in_dim3A_231 : vector<512x1xi32> to vector<512x512xi32>
    %eq3A_233 = arith.cmpi eq, %iota3A, %eq3A_232 : vector<512x512xi32>
    %jit3A_234 = arith.constant 0x7F800000 : f32
    %broadcast_in_dim3A_235 = vector.broadcast %jit3A_234 : f32 to vector<512x512xf32>
    %select_n3A_236 = arith.select %eq3A_233, %broadcast_in_dim3A_235, %select_n3A_220 : vector<512x512xi1>, vector<512x512xf32>
    %reduce_min3A_237 = arith.constant dense<0x7F800000> : vector<512xf32>
    %reduce_min3A_238 = vector.multi_reduction <minimumf>, %select_n3A_236, %reduce_min3A_237 [1] : vector<512x512xf32> to vector<512xf32>
    %broadcast_in_dim3A_239 = vector.shape_cast %reduce_min3A_238 : vector<512xf32> to vector<512x1xf32>
    %eq3A_240 = vector.broadcast %broadcast_in_dim3A_239 : vector<512x1xf32> to vector<512x512xf32>
    %eq3A_241 = arith.cmpf oeq, %select_n3A_236, %eq3A_240 : vector<512x512xf32>
    %jit3A_242 = arith.constant 512 : i32
    %broadcast_in_dim3A_243 = vector.broadcast %jit3A_242 : i32 to vector<512x512xi32>
    %select_n3A_244 = arith.select %eq3A_241, %iota3A, %broadcast_in_dim3A_243 : vector<512x512xi1>, vector<512x512xi32>
    %reduce_min3A_245 = arith.constant dense<2147483647> : vector<512xi32>
    %reduce_min3A_246 = vector.multi_reduction <minsi>, %select_n3A_244, %reduce_min3A_245 [1] : vector<512x512xi32> to vector<512xi32>
    %broadcast_in_dim3A_247 = vector.shape_cast %reduce_min3A_246 : vector<512xi32> to vector<512x1xi32>
    %eq3A_248 = vector.broadcast %broadcast_in_dim3A_247 : vector<512x1xi32> to vector<512x512xi32>
    %eq3A_249 = arith.cmpi eq, %iota3A, %eq3A_248 : vector<512x512xi32>
    %jit3A_250 = arith.constant 0x7F800000 : f32
    %broadcast_in_dim3A_251 = vector.broadcast %jit3A_250 : f32 to vector<512x512xf32>
    %select_n3A_252 = arith.select %eq3A_249, %broadcast_in_dim3A_251, %select_n3A_236 : vector<512x512xi1>, vector<512x512xf32>
    %reduce_min3A_253 = arith.constant dense<0x7F800000> : vector<512xf32>
    %reduce_min3A_254 = vector.multi_reduction <minimumf>, %select_n3A_252, %reduce_min3A_253 [1] : vector<512x512xf32> to vector<512xf32>
    %broadcast_in_dim3A_255 = vector.shape_cast %reduce_min3A_254 : vector<512xf32> to vector<512x1xf32>
    %eq3A_256 = vector.broadcast %broadcast_in_dim3A_255 : vector<512x1xf32> to vector<512x512xf32>
    %eq3A_257 = arith.cmpf oeq, %select_n3A_252, %eq3A_256 : vector<512x512xf32>
    %jit3A_258 = arith.constant 512 : i32
    %broadcast_in_dim3A_259 = vector.broadcast %jit3A_258 : i32 to vector<512x512xi32>
    %select_n3A_260 = arith.select %eq3A_257, %iota3A, %broadcast_in_dim3A_259 : vector<512x512xi1>, vector<512x512xi32>
    %reduce_min3A_261 = arith.constant dense<2147483647> : vector<512xi32>
    %reduce_min3A_262 = vector.multi_reduction <minsi>, %select_n3A_260, %reduce_min3A_261 [1] : vector<512x512xi32> to vector<512xi32>
    %broadcast_in_dim3A_263 = vector.shape_cast %reduce_min3A_262 : vector<512xi32> to vector<512x1xi32>
    %eq3A_264 = vector.broadcast %broadcast_in_dim3A_263 : vector<512x1xi32> to vector<512x512xi32>
    %eq3A_265 = arith.cmpi eq, %iota3A, %eq3A_264 : vector<512x512xi32>
    %jit3A_266 = arith.constant 0x7F800000 : f32
    %broadcast_in_dim3A_267 = vector.broadcast %jit3A_266 : f32 to vector<512x512xf32>
    %select_n3A_268 = arith.select %eq3A_265, %broadcast_in_dim3A_267, %select_n3A_252 : vector<512x512xi1>, vector<512x512xf32>
    %reduce_min3A_269 = arith.constant dense<0x7F800000> : vector<512xf32>
    %reduce_min3A_270 = vector.multi_reduction <minimumf>, %select_n3A_268, %reduce_min3A_269 [1] : vector<512x512xf32> to vector<512xf32>
    %broadcast_in_dim3A_271 = vector.shape_cast %reduce_min3A_270 : vector<512xf32> to vector<512x1xf32>
    %eq3A_272 = vector.broadcast %broadcast_in_dim3A_271 : vector<512x1xf32> to vector<512x512xf32>
    %eq3A_273 = arith.cmpf oeq, %select_n3A_268, %eq3A_272 : vector<512x512xf32>
    %jit3A_274 = arith.constant 512 : i32
    %broadcast_in_dim3A_275 = vector.broadcast %jit3A_274 : i32 to vector<512x512xi32>
    %select_n3A_276 = arith.select %eq3A_273, %iota3A, %broadcast_in_dim3A_275 : vector<512x512xi1>, vector<512x512xi32>
    %reduce_min3A_277 = arith.constant dense<2147483647> : vector<512xi32>
    %reduce_min3A_278 = vector.multi_reduction <minsi>, %select_n3A_276, %reduce_min3A_277 [1] : vector<512x512xi32> to vector<512xi32>
    %broadcast_in_dim3A_279 = vector.shape_cast %reduce_min3A_278 : vector<512xi32> to vector<512x1xi32>
    %eq3A_280 = vector.broadcast %broadcast_in_dim3A_279 : vector<512x1xi32> to vector<512x512xi32>
    %eq3A_281 = arith.cmpi eq, %iota3A, %eq3A_280 : vector<512x512xi32>
    %jit3A_282 = arith.constant 0x7F800000 : f32
    %broadcast_in_dim3A_283 = vector.broadcast %jit3A_282 : f32 to vector<512x512xf32>
    %select_n3A_284 = arith.select %eq3A_281, %broadcast_in_dim3A_283, %select_n3A_268 : vector<512x512xi1>, vector<512x512xf32>
    %reduce_min3A_285 = arith.constant dense<0x7F800000> : vector<512xf32>
    %reduce_min3A_286 = vector.multi_reduction <minimumf>, %select_n3A_284, %reduce_min3A_285 [1] : vector<512x512xf32> to vector<512xf32>
    %broadcast_in_dim3A_287 = vector.shape_cast %reduce_min3A_286 : vector<512xf32> to vector<512x1xf32>
    %eq3A_288 = vector.broadcast %broadcast_in_dim3A_287 : vector<512x1xf32> to vector<512x512xf32>
    %eq3A_289 = arith.cmpf oeq, %select_n3A_284, %eq3A_288 : vector<512x512xf32>
    %jit3A_290 = arith.constant 512 : i32
    %broadcast_in_dim3A_291 = vector.broadcast %jit3A_290 : i32 to vector<512x512xi32>
    %select_n3A_292 = arith.select %eq3A_289, %iota3A, %broadcast_in_dim3A_291 : vector<512x512xi1>, vector<512x512xi32>
    %reduce_min3A_293 = arith.constant dense<2147483647> : vector<512xi32>
    %reduce_min3A_294 = vector.multi_reduction <minsi>, %select_n3A_292, %reduce_min3A_293 [1] : vector<512x512xi32> to vector<512xi32>
    %broadcast_in_dim3A_295 = vector.shape_cast %reduce_min3A_294 : vector<512xi32> to vector<512x1xi32>
    %eq3A_296 = vector.broadcast %broadcast_in_dim3A_295 : vector<512x1xi32> to vector<512x512xi32>
    %eq3A_297 = arith.cmpi eq, %iota3A, %eq3A_296 : vector<512x512xi32>
    %jit3A_298 = arith.constant 0x7F800000 : f32
    %broadcast_in_dim3A_299 = vector.broadcast %jit3A_298 : f32 to vector<512x512xf32>
    %select_n3A_300 = arith.select %eq3A_297, %broadcast_in_dim3A_299, %select_n3A_284 : vector<512x512xi1>, vector<512x512xf32>
    %reduce_min3A_301 = arith.constant dense<0x7F800000> : vector<512xf32>
    %reduce_min3A_302 = vector.multi_reduction <minimumf>, %select_n3A_300, %reduce_min3A_301 [1] : vector<512x512xf32> to vector<512xf32>
    %broadcast_in_dim3A_303 = vector.shape_cast %reduce_min3A_302 : vector<512xf32> to vector<512x1xf32>
    %eq3A_304 = vector.broadcast %broadcast_in_dim3A_303 : vector<512x1xf32> to vector<512x512xf32>
    %eq3A_305 = arith.cmpf oeq, %select_n3A_300, %eq3A_304 : vector<512x512xf32>
    %jit3A_306 = arith.constant 512 : i32
    %broadcast_in_dim3A_307 = vector.broadcast %jit3A_306 : i32 to vector<512x512xi32>
    %select_n3A_308 = arith.select %eq3A_305, %iota3A, %broadcast_in_dim3A_307 : vector<512x512xi1>, vector<512x512xi32>
    %reduce_min3A_309 = arith.constant dense<2147483647> : vector<512xi32>
    %reduce_min3A_310 = vector.multi_reduction <minsi>, %select_n3A_308, %reduce_min3A_309 [1] : vector<512x512xi32> to vector<512xi32>
    %stack3A = vector.shape_cast %reduce_min3A_6 : vector<512xi32> to vector<512x1xi32>
    %stack3A_311 = vector.shape_cast %reduce_min3A_22 : vector<512xi32> to vector<512x1xi32>
    %stack3A_312 = vector.shape_cast %reduce_min3A_38 : vector<512xi32> to vector<512x1xi32>
    %stack3A_313 = vector.shape_cast %reduce_min3A_54 : vector<512xi32> to vector<512x1xi32>
    %stack3A_314 = vector.shape_cast %reduce_min3A_70 : vector<512xi32> to vector<512x1xi32>
    %stack3A_315 = vector.shape_cast %reduce_min3A_86 : vector<512xi32> to vector<512x1xi32>
    %stack3A_316 = vector.shape_cast %reduce_min3A_102 : vector<512xi32> to vector<512x1xi32>
    %stack3A_317 = vector.shape_cast %reduce_min3A_118 : vector<512xi32> to vector<512x1xi32>
    %stack3A_318 = vector.shape_cast %reduce_min3A_134 : vector<512xi32> to vector<512x1xi32>
    %stack3A_319 = vector.shape_cast %reduce_min3A_150 : vector<512xi32> to vector<512x1xi32>
    %stack3A_320 = vector.shape_cast %reduce_min3A_166 : vector<512xi32> to vector<512x1xi32>
    %stack3A_321 = vector.shape_cast %reduce_min3A_182 : vector<512xi32> to vector<512x1xi32>
    %stack3A_322 = vector.shape_cast %reduce_min3A_198 : vector<512xi32> to vector<512x1xi32>
    %stack3A_323 = vector.shape_cast %reduce_min3A_214 : vector<512xi32> to vector<512x1xi32>
    %stack3A_324 = vector.shape_cast %reduce_min3A_230 : vector<512xi32> to vector<512x1xi32>
    %stack3A_325 = vector.shape_cast %reduce_min3A_246 : vector<512xi32> to vector<512x1xi32>
    %stack3A_326 = vector.shape_cast %reduce_min3A_262 : vector<512xi32> to vector<512x1xi32>
    %stack3A_327 = vector.shape_cast %reduce_min3A_278 : vector<512xi32> to vector<512x1xi32>
    %stack3A_328 = vector.shape_cast %reduce_min3A_294 : vector<512xi32> to vector<512x1xi32>
    %stack3A_329 = vector.shape_cast %reduce_min3A_310 : vector<512xi32> to vector<512x1xi32>
    %stack3A_330 = tpu.concatenate %stack3A, %stack3A_311, %stack3A_312, %stack3A_313, %stack3A_314, %stack3A_315, %stack3A_316, %stack3A_317, %stack3A_318, %stack3A_319, %stack3A_320, %stack3A_321, %stack3A_322, %stack3A_323, %stack3A_324, %stack3A_325, %stack3A_326, %stack3A_327, %stack3A_328, %stack3A_329 in 1 : vector<512x1xi32>, vector<512x1xi32>, vector<512x1xi32>, vector<512x1xi32>, vector<512x1xi32>, vector<512x1xi32>, vector<512x1xi32>, vector<512x1xi32>, vector<512x1xi32>, vector<512x1xi32>, vector<512x1xi32>, vector<512x1xi32>, vector<512x1xi32>, vector<512x1xi32>, vector<512x1xi32>, vector<512x1xi32>, vector<512x1xi32>, vector<512x1xi32>, vector<512x1xi32>, vector<512x1xi32> -> vector<512x20xi32>
    %swap3A = arith.constant 0 : index
    %swap3A_331 = arith.constant 0 : index
    %swap3A_332 = vector.load %arg2[%swap3A, %swap3A_331] : memref<512x20xi32, #tpu.memory_space<vmem>>, vector<512x20xi32>
    tpu.vector_store %arg2[%swap3A, %swap3A_331], %stack3A_330 {strides = array<i32>} : memref<512x20xi32, #tpu.memory_space<vmem>>, vector<512x20xi32>,
    return
  }
  func.func @transform_0(%arg0: i32) -> (i32, i32) {
    %c0_i32 = arith.constant 0 : i32
    %c0_i32_0 = arith.constant 0 : i32
    return %arg0, %c0_i32 : i32, i32
  }
  func.func @transform_1(%arg0: i32) -> (i32, i32) {
    %c0_i32 = arith.constant 0 : i32
    %c0_i32_0 = arith.constant 0 : i32
    return %arg0, %c0_i32 : i32, i32
  }
}

module attributes {stable_mosaic.version = 14 : i64} {
  func.func @_sel_topk3v_kernel(%arg0: i32, %arg1: memref<256x512xf32, #tpu.memory_space<vmem>>, %arg2: memref<256x3xi32, #tpu.memory_space<vmem>>, %arg3: memref<256x3xf32, #tpu.memory_space<vmem>>) attributes {dimension_semantics = [#tpu.dimension_semantics<arbitrary>], iteration_bounds = array<i64: 4>, scalar_prefetch = 0 : i64, scratch_operands = 0 : i64, tpu.core_type = #tpu.core_type<tc>, window_params = [{transform_indices = @transform_0, window_bounds = array<i64: 256, 512>}, {transform_indices = @transform_1, window_bounds = array<i64: 256, 3>}, {transform_indices = @transform_2, window_bounds = array<i64: 256, 3>}]} {
    %get3A = arith.constant 0 : index
    %get3A_0 = arith.constant 0 : index
    %get3A_1 = vector.load %arg1[%get3A, %get3A_0] : memref<256x512xf32, #tpu.memory_space<vmem>>, vector<256x512xf32>
    %iota3A = tpu.iota {dimensions = array<i32: 1>} : vector<256x512xi32>
    %reduce_min3A = arith.constant dense<0x7F800000> : vector<256xf32>
    %reduce_min3A_2 = vector.multi_reduction <minimumf>, %get3A_1, %reduce_min3A [1] : vector<256x512xf32> to vector<256xf32>
    %broadcast_in_dim3A = vector.shape_cast %reduce_min3A_2 : vector<256xf32> to vector<256x1xf32>
    %eq3A = vector.broadcast %broadcast_in_dim3A : vector<256x1xf32> to vector<256x512xf32>
    %eq3A_3 = arith.cmpf oeq, %get3A_1, %eq3A : vector<256x512xf32>
    %jit3A = arith.constant 512 : i32
    %broadcast_in_dim3A_4 = vector.broadcast %jit3A : i32 to vector<256x512xi32>
    %select_n3A = arith.select %eq3A_3, %iota3A, %broadcast_in_dim3A_4 : vector<256x512xi1>, vector<256x512xi32>
    %reduce_min3A_5 = arith.constant dense<2147483647> : vector<256xi32>
    %reduce_min3A_6 = vector.multi_reduction <minsi>, %select_n3A, %reduce_min3A_5 [1] : vector<256x512xi32> to vector<256xi32>
    %squeeze3A = vector.shape_cast %broadcast_in_dim3A : vector<256x1xf32> to vector<256xf32>
    %broadcast_in_dim3A_7 = vector.shape_cast %reduce_min3A_6 : vector<256xi32> to vector<256x1xi32>
    %eq3A_8 = vector.broadcast %broadcast_in_dim3A_7 : vector<256x1xi32> to vector<256x512xi32>
    %eq3A_9 = arith.cmpi eq, %iota3A, %eq3A_8 : vector<256x512xi32>
    %jit3A_10 = arith.constant 0x7F800000 : f32
    %broadcast_in_dim3A_11 = vector.broadcast %jit3A_10 : f32 to vector<256x512xf32>
    %select_n3A_12 = arith.select %eq3A_9, %broadcast_in_dim3A_11, %get3A_1 : vector<256x512xi1>, vector<256x512xf32>
    %reduce_min3A_13 = arith.constant dense<0x7F800000> : vector<256xf32>
    %reduce_min3A_14 = vector.multi_reduction <minimumf>, %select_n3A_12, %reduce_min3A_13 [1] : vector<256x512xf32> to vector<256xf32>
    %broadcast_in_dim3A_15 = vector.shape_cast %reduce_min3A_14 : vector<256xf32> to vector<256x1xf32>
    %eq3A_16 = vector.broadcast %broadcast_in_dim3A_15 : vector<256x1xf32> to vector<256x512xf32>
    %eq3A_17 = arith.cmpf oeq, %select_n3A_12, %eq3A_16 : vector<256x512xf32>
    %jit3A_18 = arith.constant 512 : i32
    %broadcast_in_dim3A_19 = vector.broadcast %jit3A_18 : i32 to vector<256x512xi32>
    %select_n3A_20 = arith.select %eq3A_17, %iota3A, %broadcast_in_dim3A_19 : vector<256x512xi1>, vector<256x512xi32>
    %reduce_min3A_21 = arith.constant dense<2147483647> : vector<256xi32>
    %reduce_min3A_22 = vector.multi_reduction <minsi>, %select_n3A_20, %reduce_min3A_21 [1] : vector<256x512xi32> to vector<256xi32>
    %squeeze3A_23 = vector.shape_cast %broadcast_in_dim3A_15 : vector<256x1xf32> to vector<256xf32>
    %broadcast_in_dim3A_24 = vector.shape_cast %reduce_min3A_22 : vector<256xi32> to vector<256x1xi32>
    %eq3A_25 = vector.broadcast %broadcast_in_dim3A_24 : vector<256x1xi32> to vector<256x512xi32>
    %eq3A_26 = arith.cmpi eq, %iota3A, %eq3A_25 : vector<256x512xi32>
    %jit3A_27 = arith.constant 0x7F800000 : f32
    %broadcast_in_dim3A_28 = vector.broadcast %jit3A_27 : f32 to vector<256x512xf32>
    %select_n3A_29 = arith.select %eq3A_26, %broadcast_in_dim3A_28, %select_n3A_12 : vector<256x512xi1>, vector<256x512xf32>
    %reduce_min3A_30 = arith.constant dense<0x7F800000> : vector<256xf32>
    %reduce_min3A_31 = vector.multi_reduction <minimumf>, %select_n3A_29, %reduce_min3A_30 [1] : vector<256x512xf32> to vector<256xf32>
    %broadcast_in_dim3A_32 = vector.shape_cast %reduce_min3A_31 : vector<256xf32> to vector<256x1xf32>
    %eq3A_33 = vector.broadcast %broadcast_in_dim3A_32 : vector<256x1xf32> to vector<256x512xf32>
    %eq3A_34 = arith.cmpf oeq, %select_n3A_29, %eq3A_33 : vector<256x512xf32>
    %jit3A_35 = arith.constant 512 : i32
    %broadcast_in_dim3A_36 = vector.broadcast %jit3A_35 : i32 to vector<256x512xi32>
    %select_n3A_37 = arith.select %eq3A_34, %iota3A, %broadcast_in_dim3A_36 : vector<256x512xi1>, vector<256x512xi32>
    %reduce_min3A_38 = arith.constant dense<2147483647> : vector<256xi32>
    %reduce_min3A_39 = vector.multi_reduction <minsi>, %select_n3A_37, %reduce_min3A_38 [1] : vector<256x512xi32> to vector<256xi32>
    %squeeze3A_40 = vector.shape_cast %broadcast_in_dim3A_32 : vector<256x1xf32> to vector<256xf32>
    %stack3A = vector.shape_cast %reduce_min3A_6 : vector<256xi32> to vector<256x1xi32>
    %stack3A_41 = vector.shape_cast %reduce_min3A_22 : vector<256xi32> to vector<256x1xi32>
    %stack3A_42 = vector.shape_cast %reduce_min3A_39 : vector<256xi32> to vector<256x1xi32>
    %stack3A_43 = tpu.concatenate %stack3A, %stack3A_41, %stack3A_42 in 1 : vector<256x1xi32>, vector<256x1xi32>, vector<256x1xi32> -> vector<256x3xi32>
    %swap3A = arith.constant 0 : index
    %swap3A_44 = arith.constant 0 : index
    %swap3A_45 = vector.load %arg2[%swap3A, %swap3A_44] : memref<256x3xi32, #tpu.memory_space<vmem>>, vector<256x3xi32>
    tpu.vector_store %arg2[%swap3A, %swap3A_44], %stack3A_43 {strides = array<i32>} : memref<256x3xi32, #tpu.memory_space<vmem>>, vector<256x3xi32>,
    %stack3A_46 = vector.shape_cast %squeeze3A : vector<256xf32> to vector<256x1xf32>
    %stack3A_47 = vector.shape_cast %squeeze3A_23 : vector<256xf32> to vector<256x1xf32>
    %stack3A_48 = vector.shape_cast %squeeze3A_40 : vector<256xf32> to vector<256x1xf32>
    %stack3A_49 = tpu.concatenate %stack3A_46, %stack3A_47, %stack3A_48 in 1 : vector<256x1xf32>, vector<256x1xf32>, vector<256x1xf32> -> vector<256x3xf32>
    %swap3A_50 = arith.constant 0 : index
    %swap3A_51 = arith.constant 0 : index
    %swap3A_52 = vector.load %arg3[%swap3A_50, %swap3A_51] : memref<256x3xf32, #tpu.memory_space<vmem>>, vector<256x3xf32>
    tpu.vector_store %arg3[%swap3A_50, %swap3A_51], %stack3A_49 {strides = array<i32>} : memref<256x3xf32, #tpu.memory_space<vmem>>, vector<256x3xf32>,
    return
  }
  func.func @transform_0(%arg0: i32) -> (i32, i32) {
    %c0_i32 = arith.constant 0 : i32
    %c0_i32_0 = arith.constant 0 : i32
    return %arg0, %c0_i32 : i32, i32
  }
  func.func @transform_1(%arg0: i32) -> (i32, i32) {
    %c0_i32 = arith.constant 0 : i32
    %c0_i32_0 = arith.constant 0 : i32
    return %arg0, %c0_i32 : i32, i32
  }
  func.func @transform_2(%arg0: i32) -> (i32, i32) {
    %c0_i32 = arith.constant 0 : i32
    %c0_i32_0 = arith.constant 0 : i32
    return %arg0, %c0_i32 : i32, i32
  }
}

module attributes {stable_mosaic.version = 14 : i64} {
  func.func @_sel_topk3v_kernel(%arg0: i32, %arg1: memref<256x1024xf32, #tpu.memory_space<vmem>>, %arg2: memref<256x3xi32, #tpu.memory_space<vmem>>, %arg3: memref<256x3xf32, #tpu.memory_space<vmem>>) attributes {dimension_semantics = [#tpu.dimension_semantics<arbitrary>], iteration_bounds = array<i64: 8>, scalar_prefetch = 0 : i64, scratch_operands = 0 : i64, tpu.core_type = #tpu.core_type<tc>, window_params = [{transform_indices = @transform_0, window_bounds = array<i64: 256, 1024>}, {transform_indices = @transform_1, window_bounds = array<i64: 256, 3>}, {transform_indices = @transform_2, window_bounds = array<i64: 256, 3>}]} {
    %get3A = arith.constant 0 : index
    %get3A_0 = arith.constant 0 : index
    %get3A_1 = vector.load %arg1[%get3A, %get3A_0] : memref<256x1024xf32, #tpu.memory_space<vmem>>, vector<256x1024xf32>
    %iota3A = tpu.iota {dimensions = array<i32: 1>} : vector<256x1024xi32>
    %reduce_min3A = arith.constant dense<0x7F800000> : vector<256xf32>
    %reduce_min3A_2 = vector.multi_reduction <minimumf>, %get3A_1, %reduce_min3A [1] : vector<256x1024xf32> to vector<256xf32>
    %broadcast_in_dim3A = vector.shape_cast %reduce_min3A_2 : vector<256xf32> to vector<256x1xf32>
    %eq3A = vector.broadcast %broadcast_in_dim3A : vector<256x1xf32> to vector<256x1024xf32>
    %eq3A_3 = arith.cmpf oeq, %get3A_1, %eq3A : vector<256x1024xf32>
    %jit3A = arith.constant 1024 : i32
    %broadcast_in_dim3A_4 = vector.broadcast %jit3A : i32 to vector<256x1024xi32>
    %select_n3A = arith.select %eq3A_3, %iota3A, %broadcast_in_dim3A_4 : vector<256x1024xi1>, vector<256x1024xi32>
    %reduce_min3A_5 = arith.constant dense<2147483647> : vector<256xi32>
    %reduce_min3A_6 = vector.multi_reduction <minsi>, %select_n3A, %reduce_min3A_5 [1] : vector<256x1024xi32> to vector<256xi32>
    %squeeze3A = vector.shape_cast %broadcast_in_dim3A : vector<256x1xf32> to vector<256xf32>
    %broadcast_in_dim3A_7 = vector.shape_cast %reduce_min3A_6 : vector<256xi32> to vector<256x1xi32>
    %eq3A_8 = vector.broadcast %broadcast_in_dim3A_7 : vector<256x1xi32> to vector<256x1024xi32>
    %eq3A_9 = arith.cmpi eq, %iota3A, %eq3A_8 : vector<256x1024xi32>
    %jit3A_10 = arith.constant 0x7F800000 : f32
    %broadcast_in_dim3A_11 = vector.broadcast %jit3A_10 : f32 to vector<256x1024xf32>
    %select_n3A_12 = arith.select %eq3A_9, %broadcast_in_dim3A_11, %get3A_1 : vector<256x1024xi1>, vector<256x1024xf32>
    %reduce_min3A_13 = arith.constant dense<0x7F800000> : vector<256xf32>
    %reduce_min3A_14 = vector.multi_reduction <minimumf>, %select_n3A_12, %reduce_min3A_13 [1] : vector<256x1024xf32> to vector<256xf32>
    %broadcast_in_dim3A_15 = vector.shape_cast %reduce_min3A_14 : vector<256xf32> to vector<256x1xf32>
    %eq3A_16 = vector.broadcast %broadcast_in_dim3A_15 : vector<256x1xf32> to vector<256x1024xf32>
    %eq3A_17 = arith.cmpf oeq, %select_n3A_12, %eq3A_16 : vector<256x1024xf32>
    %jit3A_18 = arith.constant 1024 : i32
    %broadcast_in_dim3A_19 = vector.broadcast %jit3A_18 : i32 to vector<256x1024xi32>
    %select_n3A_20 = arith.select %eq3A_17, %iota3A, %broadcast_in_dim3A_19 : vector<256x1024xi1>, vector<256x1024xi32>
    %reduce_min3A_21 = arith.constant dense<2147483647> : vector<256xi32>
    %reduce_min3A_22 = vector.multi_reduction <minsi>, %select_n3A_20, %reduce_min3A_21 [1] : vector<256x1024xi32> to vector<256xi32>
    %squeeze3A_23 = vector.shape_cast %broadcast_in_dim3A_15 : vector<256x1xf32> to vector<256xf32>
    %broadcast_in_dim3A_24 = vector.shape_cast %reduce_min3A_22 : vector<256xi32> to vector<256x1xi32>
    %eq3A_25 = vector.broadcast %broadcast_in_dim3A_24 : vector<256x1xi32> to vector<256x1024xi32>
    %eq3A_26 = arith.cmpi eq, %iota3A, %eq3A_25 : vector<256x1024xi32>
    %jit3A_27 = arith.constant 0x7F800000 : f32
    %broadcast_in_dim3A_28 = vector.broadcast %jit3A_27 : f32 to vector<256x1024xf32>
    %select_n3A_29 = arith.select %eq3A_26, %broadcast_in_dim3A_28, %select_n3A_12 : vector<256x1024xi1>, vector<256x1024xf32>
    %reduce_min3A_30 = arith.constant dense<0x7F800000> : vector<256xf32>
    %reduce_min3A_31 = vector.multi_reduction <minimumf>, %select_n3A_29, %reduce_min3A_30 [1] : vector<256x1024xf32> to vector<256xf32>
    %broadcast_in_dim3A_32 = vector.shape_cast %reduce_min3A_31 : vector<256xf32> to vector<256x1xf32>
    %eq3A_33 = vector.broadcast %broadcast_in_dim3A_32 : vector<256x1xf32> to vector<256x1024xf32>
    %eq3A_34 = arith.cmpf oeq, %select_n3A_29, %eq3A_33 : vector<256x1024xf32>
    %jit3A_35 = arith.constant 1024 : i32
    %broadcast_in_dim3A_36 = vector.broadcast %jit3A_35 : i32 to vector<256x1024xi32>
    %select_n3A_37 = arith.select %eq3A_34, %iota3A, %broadcast_in_dim3A_36 : vector<256x1024xi1>, vector<256x1024xi32>
    %reduce_min3A_38 = arith.constant dense<2147483647> : vector<256xi32>
    %reduce_min3A_39 = vector.multi_reduction <minsi>, %select_n3A_37, %reduce_min3A_38 [1] : vector<256x1024xi32> to vector<256xi32>
    %squeeze3A_40 = vector.shape_cast %broadcast_in_dim3A_32 : vector<256x1xf32> to vector<256xf32>
    %stack3A = vector.shape_cast %reduce_min3A_6 : vector<256xi32> to vector<256x1xi32>
    %stack3A_41 = vector.shape_cast %reduce_min3A_22 : vector<256xi32> to vector<256x1xi32>
    %stack3A_42 = vector.shape_cast %reduce_min3A_39 : vector<256xi32> to vector<256x1xi32>
    %stack3A_43 = tpu.concatenate %stack3A, %stack3A_41, %stack3A_42 in 1 : vector<256x1xi32>, vector<256x1xi32>, vector<256x1xi32> -> vector<256x3xi32>
    %swap3A = arith.constant 0 : index
    %swap3A_44 = arith.constant 0 : index
    %swap3A_45 = vector.load %arg2[%swap3A, %swap3A_44] : memref<256x3xi32, #tpu.memory_space<vmem>>, vector<256x3xi32>
    tpu.vector_store %arg2[%swap3A, %swap3A_44], %stack3A_43 {strides = array<i32>} : memref<256x3xi32, #tpu.memory_space<vmem>>, vector<256x3xi32>,
    %stack3A_46 = vector.shape_cast %squeeze3A : vector<256xf32> to vector<256x1xf32>
    %stack3A_47 = vector.shape_cast %squeeze3A_23 : vector<256xf32> to vector<256x1xf32>
    %stack3A_48 = vector.shape_cast %squeeze3A_40 : vector<256xf32> to vector<256x1xf32>
    %stack3A_49 = tpu.concatenate %stack3A_46, %stack3A_47, %stack3A_48 in 1 : vector<256x1xf32>, vector<256x1xf32>, vector<256x1xf32> -> vector<256x3xf32>
    %swap3A_50 = arith.constant 0 : index
    %swap3A_51 = arith.constant 0 : index
    %swap3A_52 = vector.load %arg3[%swap3A_50, %swap3A_51] : memref<256x3xf32, #tpu.memory_space<vmem>>, vector<256x3xf32>
    tpu.vector_store %arg3[%swap3A_50, %swap3A_51], %stack3A_49 {strides = array<i32>} : memref<256x3xf32, #tpu.memory_space<vmem>>, vector<256x3xf32>,
    return
  }
  func.func @transform_0(%arg0: i32) -> (i32, i32) {
    %c0_i32 = arith.constant 0 : i32
    %c0_i32_0 = arith.constant 0 : i32
    return %arg0, %c0_i32 : i32, i32
  }
  func.func @transform_1(%arg0: i32) -> (i32, i32) {
    %c0_i32 = arith.constant 0 : i32
    %c0_i32_0 = arith.constant 0 : i32
    return %arg0, %c0_i32 : i32, i32
  }
  func.func @transform_2(%arg0: i32) -> (i32, i32) {
    %c0_i32 = arith.constant 0 : i32
    %c0_i32_0 = arith.constant 0 : i32
    return %arg0, %c0_i32 : i32, i32
  }
}

module attributes {stable_mosaic.version = 14 : i64} {
  func.func @_sel_topk3v_kernel(%arg0: i32, %arg1: memref<256x2048xf32, #tpu.memory_space<vmem>>, %arg2: memref<256x3xi32, #tpu.memory_space<vmem>>, %arg3: memref<256x3xf32, #tpu.memory_space<vmem>>) attributes {dimension_semantics = [#tpu.dimension_semantics<arbitrary>], iteration_bounds = array<i64: 16>, scalar_prefetch = 0 : i64, scratch_operands = 0 : i64, tpu.core_type = #tpu.core_type<tc>, window_params = [{transform_indices = @transform_0, window_bounds = array<i64: 256, 2048>}, {transform_indices = @transform_1, window_bounds = array<i64: 256, 3>}, {transform_indices = @transform_2, window_bounds = array<i64: 256, 3>}]} {
    %get3A = arith.constant 0 : index
    %get3A_0 = arith.constant 0 : index
    %get3A_1 = vector.load %arg1[%get3A, %get3A_0] : memref<256x2048xf32, #tpu.memory_space<vmem>>, vector<256x2048xf32>
    %iota3A = tpu.iota {dimensions = array<i32: 1>} : vector<256x2048xi32>
    %reduce_min3A = arith.constant dense<0x7F800000> : vector<256xf32>
    %reduce_min3A_2 = vector.multi_reduction <minimumf>, %get3A_1, %reduce_min3A [1] : vector<256x2048xf32> to vector<256xf32>
    %broadcast_in_dim3A = vector.shape_cast %reduce_min3A_2 : vector<256xf32> to vector<256x1xf32>
    %eq3A = vector.broadcast %broadcast_in_dim3A : vector<256x1xf32> to vector<256x2048xf32>
    %eq3A_3 = arith.cmpf oeq, %get3A_1, %eq3A : vector<256x2048xf32>
    %jit3A = arith.constant 2048 : i32
    %broadcast_in_dim3A_4 = vector.broadcast %jit3A : i32 to vector<256x2048xi32>
    %select_n3A = arith.select %eq3A_3, %iota3A, %broadcast_in_dim3A_4 : vector<256x2048xi1>, vector<256x2048xi32>
    %reduce_min3A_5 = arith.constant dense<2147483647> : vector<256xi32>
    %reduce_min3A_6 = vector.multi_reduction <minsi>, %select_n3A, %reduce_min3A_5 [1] : vector<256x2048xi32> to vector<256xi32>
    %squeeze3A = vector.shape_cast %broadcast_in_dim3A : vector<256x1xf32> to vector<256xf32>
    %broadcast_in_dim3A_7 = vector.shape_cast %reduce_min3A_6 : vector<256xi32> to vector<256x1xi32>
    %eq3A_8 = vector.broadcast %broadcast_in_dim3A_7 : vector<256x1xi32> to vector<256x2048xi32>
    %eq3A_9 = arith.cmpi eq, %iota3A, %eq3A_8 : vector<256x2048xi32>
    %jit3A_10 = arith.constant 0x7F800000 : f32
    %broadcast_in_dim3A_11 = vector.broadcast %jit3A_10 : f32 to vector<256x2048xf32>
    %select_n3A_12 = arith.select %eq3A_9, %broadcast_in_dim3A_11, %get3A_1 : vector<256x2048xi1>, vector<256x2048xf32>
    %reduce_min3A_13 = arith.constant dense<0x7F800000> : vector<256xf32>
    %reduce_min3A_14 = vector.multi_reduction <minimumf>, %select_n3A_12, %reduce_min3A_13 [1] : vector<256x2048xf32> to vector<256xf32>
    %broadcast_in_dim3A_15 = vector.shape_cast %reduce_min3A_14 : vector<256xf32> to vector<256x1xf32>
    %eq3A_16 = vector.broadcast %broadcast_in_dim3A_15 : vector<256x1xf32> to vector<256x2048xf32>
    %eq3A_17 = arith.cmpf oeq, %select_n3A_12, %eq3A_16 : vector<256x2048xf32>
    %jit3A_18 = arith.constant 2048 : i32
    %broadcast_in_dim3A_19 = vector.broadcast %jit3A_18 : i32 to vector<256x2048xi32>
    %select_n3A_20 = arith.select %eq3A_17, %iota3A, %broadcast_in_dim3A_19 : vector<256x2048xi1>, vector<256x2048xi32>
    %reduce_min3A_21 = arith.constant dense<2147483647> : vector<256xi32>
    %reduce_min3A_22 = vector.multi_reduction <minsi>, %select_n3A_20, %reduce_min3A_21 [1] : vector<256x2048xi32> to vector<256xi32>
    %squeeze3A_23 = vector.shape_cast %broadcast_in_dim3A_15 : vector<256x1xf32> to vector<256xf32>
    %broadcast_in_dim3A_24 = vector.shape_cast %reduce_min3A_22 : vector<256xi32> to vector<256x1xi32>
    %eq3A_25 = vector.broadcast %broadcast_in_dim3A_24 : vector<256x1xi32> to vector<256x2048xi32>
    %eq3A_26 = arith.cmpi eq, %iota3A, %eq3A_25 : vector<256x2048xi32>
    %jit3A_27 = arith.constant 0x7F800000 : f32
    %broadcast_in_dim3A_28 = vector.broadcast %jit3A_27 : f32 to vector<256x2048xf32>
    %select_n3A_29 = arith.select %eq3A_26, %broadcast_in_dim3A_28, %select_n3A_12 : vector<256x2048xi1>, vector<256x2048xf32>
    %reduce_min3A_30 = arith.constant dense<0x7F800000> : vector<256xf32>
    %reduce_min3A_31 = vector.multi_reduction <minimumf>, %select_n3A_29, %reduce_min3A_30 [1] : vector<256x2048xf32> to vector<256xf32>
    %broadcast_in_dim3A_32 = vector.shape_cast %reduce_min3A_31 : vector<256xf32> to vector<256x1xf32>
    %eq3A_33 = vector.broadcast %broadcast_in_dim3A_32 : vector<256x1xf32> to vector<256x2048xf32>
    %eq3A_34 = arith.cmpf oeq, %select_n3A_29, %eq3A_33 : vector<256x2048xf32>
    %jit3A_35 = arith.constant 2048 : i32
    %broadcast_in_dim3A_36 = vector.broadcast %jit3A_35 : i32 to vector<256x2048xi32>
    %select_n3A_37 = arith.select %eq3A_34, %iota3A, %broadcast_in_dim3A_36 : vector<256x2048xi1>, vector<256x2048xi32>
    %reduce_min3A_38 = arith.constant dense<2147483647> : vector<256xi32>
    %reduce_min3A_39 = vector.multi_reduction <minsi>, %select_n3A_37, %reduce_min3A_38 [1] : vector<256x2048xi32> to vector<256xi32>
    %squeeze3A_40 = vector.shape_cast %broadcast_in_dim3A_32 : vector<256x1xf32> to vector<256xf32>
    %stack3A = vector.shape_cast %reduce_min3A_6 : vector<256xi32> to vector<256x1xi32>
    %stack3A_41 = vector.shape_cast %reduce_min3A_22 : vector<256xi32> to vector<256x1xi32>
    %stack3A_42 = vector.shape_cast %reduce_min3A_39 : vector<256xi32> to vector<256x1xi32>
    %stack3A_43 = tpu.concatenate %stack3A, %stack3A_41, %stack3A_42 in 1 : vector<256x1xi32>, vector<256x1xi32>, vector<256x1xi32> -> vector<256x3xi32>
    %swap3A = arith.constant 0 : index
    %swap3A_44 = arith.constant 0 : index
    %swap3A_45 = vector.load %arg2[%swap3A, %swap3A_44] : memref<256x3xi32, #tpu.memory_space<vmem>>, vector<256x3xi32>
    tpu.vector_store %arg2[%swap3A, %swap3A_44], %stack3A_43 {strides = array<i32>} : memref<256x3xi32, #tpu.memory_space<vmem>>, vector<256x3xi32>,
    %stack3A_46 = vector.shape_cast %squeeze3A : vector<256xf32> to vector<256x1xf32>
    %stack3A_47 = vector.shape_cast %squeeze3A_23 : vector<256xf32> to vector<256x1xf32>
    %stack3A_48 = vector.shape_cast %squeeze3A_40 : vector<256xf32> to vector<256x1xf32>
    %stack3A_49 = tpu.concatenate %stack3A_46, %stack3A_47, %stack3A_48 in 1 : vector<256x1xf32>, vector<256x1xf32>, vector<256x1xf32> -> vector<256x3xf32>
    %swap3A_50 = arith.constant 0 : index
    %swap3A_51 = arith.constant 0 : index
    %swap3A_52 = vector.load %arg3[%swap3A_50, %swap3A_51] : memref<256x3xf32, #tpu.memory_space<vmem>>, vector<256x3xf32>
    tpu.vector_store %arg3[%swap3A_50, %swap3A_51], %stack3A_49 {strides = array<i32>} : memref<256x3xf32, #tpu.memory_space<vmem>>, vector<256x3xf32>,
    return
  }
  func.func @transform_0(%arg0: i32) -> (i32, i32) {
    %c0_i32 = arith.constant 0 : i32
    %c0_i32_0 = arith.constant 0 : i32
    return %arg0, %c0_i32 : i32, i32
  }
  func.func @transform_1(%arg0: i32) -> (i32, i32) {
    %c0_i32 = arith.constant 0 : i32
    %c0_i32_0 = arith.constant 0 : i32
    return %arg0, %c0_i32 : i32, i32
  }
  func.func @transform_2(%arg0: i32) -> (i32, i32) {
    %c0_i32 = arith.constant 0 : i32
    %c0_i32_0 = arith.constant 0 : i32
    return %arg0, %c0_i32 : i32, i32
  }
}

</mosaic_0001>

<sc_bundles>
// kernel: gather_offload_async_start
scs
__scs_entry_jumppad:
0x0: {  	(pc) =	sbr.rel $0x88, $3  }
0x1: {  	(tag) =	ssettag $0x0;
	lr =	simm.s32 $0x1  }
0x2: {  	[smem:$0x3F7C] =	sst lr;
	_ =	strace $0xD0000000  }
0x3: {  	_ = 	snop  }
0x4: {  	_ = 	snop  }
0x5: {  	_ = 	snop  }
0x6: {  	_ = 	snop  }
0x7: {  	_ = 	snop  }
__scs_overlays_trampoline_lowered:
0x8: {  	[smem:$0x3F8B] =	sst s0  }
0x9: {  	[smem:$0x3F8C] =	sst s1  }
0xa: {  	[smem:$0x3F8D] =	sst s2  }
0xb: {  	[smem:$0x3F8E] =	sst s3  }
0xc: {  	[smem:$0x3F8F] =	sst s4  }
0xd: {  	[smem:$0x3F90] =	sst s5  }
0xe: {  	[smem:$0x3F91] =	sst s6  }
0xf: {  	[smem:$0x3F92] =	sst s7  }
0x10: {  	[smem:$0x3F93] =	sst s8  }
0x11: {  	[smem:$0x3F94] =	sst s9;
	s0 =	simm.s32 @!p0 $0x0  }
0x12: {  	s1 =	sld [smem:$0x3F7A];
	s0 =	simm.s32 @p0 $0x1  }
0x13: {  	[smem:$0x3F95] =	sst s0;
	s0 =	simm.s32 @!p1 $0x0  }
0x14: {  	s2 =	sld [smem:$0x3F79];
	s0 =	simm.s32 @p1 $0x1  }
0x15: {  	[smem:$0x3F96] =	sst s0;
	s0 =	simm.s32 @!p2 $0x0  }
0x16: {  	s3 =	sld [smem:$0x3FDB];
	s0 =	simm.s32 @p2 $0x1  }
0x17: {  	s4 =	simm.s32 $0x1BF5;
	[smem:$0x3F98] =	sst s0  }
0x18: {  	s0 =	sld [smem:$0x3F7B];
	_ =	swait.ge [sflag:s4], $0x0  }
0x19: {  	s7 =	sld [smem:$0x3F7C]  }
0x1a: {  	s8 =	sadd.s32 $0xFFFFE003, lr  }
0x1b: {  	s9 =	sadd.s32 $0xFFFFFEF7, lr;
	s5 =	simm.s32 $0xFFFFFFFF;
	p2 =	slt.u32 s8, $0xFFFFF086  }
0x1c: {  	p1 =	slt.u32 s9, $0xF7A;
	s5 =	simm.s32 @!p2 $0x0  }
0x1d: {  	s5 =	simm.s32 @p1 $0x1;
	p0 =	seq.s32 s7, s2  }
0x1e: {  	s7 =	smul.u32 @!p0 $0xF7A, s2;
	p2 =	seq.s32 @!p0 s5, $0x0  }
0x1f: {  	s9 =	smul.u32 $0xF7A, s1;
	s8 =	simm.s32 @!p0 $0x1BF5;
	p2 =	por !p2, p0  }
0x20: {  	[sflag:s8] =	ssyncset.s32 @!p0 $0xFFFFF086;
	s6 =	sadd.s32 @!p0 s3, s7;
	s7 =	simm.s32 @!p0 $0x108  }
0x21: {  	s3 =	sadd.s32 s3, s9;
	s6 =	sadd.s32 @!p0 $0x88, s6;
	s7 =	simm.s32 @p2 $0x1082  }
0x22: {  	[simem:s7], [sflag:s8] =	dma.local @!p0 [hbm:s6], $0xF7A  }
0x23: {  	s9 =	sor.u32 $0xD0000000, s2;
	s6 =	simm.s32 $0x108;
	_ =	swait.ge @!p0 [sflag:s8], $0x0  }
0x24: {  	s3 =	sadd.s32 $0x88, s3;
	s6 =	simm.s32 @!p1 $0x1082;
	[sflag:s4] =	ssyncset.s32 $0xFFFFF086  }
0x25: {  	[simem:s6], [sflag:s4] =	dma.local [hbm:s3], $0xF7A  }
0x26: {  	[smem:$0x3F7C] =	sst s1;
	(tag) =	ssettag s2;
	_ =	strace s9  }
0x27: {  	s1 =	sld [smem:$0x3F8C]  }
0x28: {  	s2 =	sld [smem:$0x3F8D]  }
0x29: {  	s4 =	sld [smem:$0x3F8F]  }
0x2a: {  	p0 =	seq.s32 s5, $0x0;
	s5 =	sld [smem:$0x3F90]  }
0x2b: {  	s6 =	sld [smem:$0x3F91]  }
0x2c: {  	s7 =	sld [smem:$0x3F92]  }
0x2d: {  	s3 =	simm.s32 $0x108;
	s8 =	sld [smem:$0x3F93]  }
0x2e: {  	s3 =	simm.s32 @!p0 $0x1082;
	s9 =	sld [smem:$0x3F94]  }
0x2f: {  	lr =	sadd.s32 s0, s3;
	s0 =	sld [smem:$0x3F8B]  }
0x30: {  	s3 =	sld [smem:$0x3F8E]  }
0x31: {  	[smem:$0x3F97] =	sst s10  }
0x32: {  	s10 =	sld [smem:$0x3F95];
	_ =	sdelay $0x3  }
0x33: {  	p0 =	seq.s32 s10, $0x1;
	s10 =	sld [smem:$0x3F97];
	_ =	sdelay $0x3  }
0x34: {  	[smem:$0x3F97] =	sst s10  }
0x35: {  	s10 =	sld [smem:$0x3F96];
	_ =	sdelay $0x3  }
0x36: {  	p1 =	seq.s32 s10, $0x1;
	s10 =	sld [smem:$0x3F97];
	_ =	sdelay $0x3  }
0x37: {  	[smem:$0x3F97] =	sst s10  }
0x38: {  	s10 =	sld [smem:$0x3F98]  }
0x39: {  	_ = 	snop;
	(pc) =	sbr.ind lr, $3  }
0x3a: {  	_ = 	snop  }
0x3b: {  	_ = 	snop  }
0x3c: {  	p2 =	seq.s32 s10, $0x1;
	s10 =	sld [smem:$0x3F97]  }
0x3d: {  	_ =	shalt  }
0x3e: {  	_ =	shalt  }
0x3f: {  	_ =	shalt  }
0x40: {  	_ =	shalt  }
0x41: {  	_ =	shalt  }
0x42: {  	_ =	shalt  }
0x43: {  	_ =	shalt  }
0x44: {  	_ =	shalt  }
0x45: {  	_ =	shalt  }
0x46: {  	_ =	shalt  }
0x47: {  	_ =	shalt  }
0x48: {  	_ =	shalt  }
0x49: {  	_ =	shalt  }
0x4a: {  	_ =	shalt  }
0x4b: {  	_ =	shalt  }
0x4c: {  	_ =	shalt  }
0x4d: {  	_ =	shalt  }
0x4e: {  	_ =	shalt  }
0x4f: {  	_ =	shalt  }
0x50: {  	_ =	shalt  }
0x51: {  	_ =	shalt  }
0x52: {  	_ =	shalt  }
0x53: {  	_ =	shalt  }
0x54: {  	_ =	shalt  }
0x55: {  	_ =	shalt  }
0x56: {  	_ =	shalt  }
0x57: {  	_ =	shalt  }
0x58: {  	_ =	shalt  }
0x59: {  	_ =	shalt  }
0x5a: {  	_ =	shalt  }
0x5b: {  	_ =	shalt  }
0x5c: {  	_ =	shalt  }
0x5d: {  	_ =	shalt  }
0x5e: {  	_ =	shalt  }
0x5f: {  	_ =	shalt  }
0x60: {  	_ =	shalt  }
0x61: {  	_ =	shalt  }
0x62: {  	_ =	shalt  }
0x63: {  	_ =	shalt  }
0x64: {  	_ =	shalt  }
0x65: {  	_ =	shalt  }
0x66: {  	_ =	shalt  }
0x67: {  	_ =	shalt  }
0x68: {  	_ =	shalt  }
0x69: {  	_ =	shalt  }
0x6a: {  	_ =	shalt  }
0x6b: {  	_ =	shalt  }
0x6c: {  	_ =	shalt  }
0x6d: {  	_ =	shalt  }
0x6e: {  	_ =	shalt  }
0x6f: {  	_ =	shalt  }
0x70: {  	_ =	shalt  }
0x71: {  	_ =	shalt  }
0x72: {  	_ =	shalt  }
0x73: {  	_ =	shalt  }
0x74: {  	_ =	shalt  }
0x75: {  	_ =	shalt  }
0x76: {  	_ =	shalt  }
0x77: {  	_ =	shalt  }
0x78: {  	_ =	shalt  }
0x79: {  	_ =	shalt  }
0x7a: {  	_ =	shalt  }
0x7b: {  	_ =	shalt  }
0x7c: {  	_ =	shalt  }
0x7d: {  	_ =	shalt  }
0x7e: {  	_ =	shalt  }
0x7f: {  	_ =	shalt  }
0x80: {  	_ =	shalt  }
0x81: {  	_ =	shalt  }
0x82: {  	_ =	shalt  }
0x83: {  	_ =	shalt  }
0x84: {  	_ =	shalt  }
0x85: {  	_ =	shalt  }
0x86: {  	_ =	shalt  }
0x87: {  	_ =	shalt  }
.Lfunc_end0:
.L_simem_size_0:
called_computation_lowered:
.L_overlay_start_0:
0x88: {  	s2 =	sld [smem:$0x3FD9]  }
0x89: {  	s3 =	sld [smem:$0x3FFE];
	_ =	sdelay $0x1  }
0x8a: {  	s1 =	srdreg.scid  }
0x8b: {  	s0 =	sand.u32 $0x1, s1  }
0x8c: {  	s17 =	sshll.u32 s0, $0xA;
	s2 =	sadd.s32 s3, s2  }
0x8d: {  	s2 =	sadd.s32 s2, s17  }
0x8e: {  	[smem:$0x3FA3] =	sst s2  }
0x8f: {  	_ = 	snop  }
0x90: {  	s2 =	sld [smem:$0x3FD0];
	(tm) =	ssettm $0x1  }
0x91: {  	s18 =	sld [smem:$0x3FFB];
	_ =	sdelay $0x3  }
0x92: {  	_ =	strace s18  }
0x93: {  	s3 =	sld [smem:$0x3FFC];
	_ =	sdelay $0x3  }
0x94: {  	_ =	strace s3  }
0x95: {  	s3 =	sld [smem:$0x3FFD];
	_ =	sdelay $0x3  }
0x96: {  	_ =	strace s3  }
0x97: {  	_ =	strace $0x8FFFFFFF  }
0x98: {  	s19 =	sld [smem:$0x3FDB];
	_ =	sdelay $0x1  }
0x99: {  	s4 =	simm.s32 $_scs_section_size  }
0x9a: {  	s5 =	simm.s32 $_size__tile_overlayer_lowered;
	s6 =	simm.s32 $_tile_overlayer_lowered  }
0x9b: {  	s22 =	simm.s32 $0x1BFF;
	s21 =	sshll.u32 s6, $0x1;
	s3 =	sadd.s32 s4, s19  }
0x9c: {  	s7 =	simm.s32 $0x0;
	s20 =	sshll.u32 s5, $0x1;
	s5 =	sadd.s32 s21, s3  }
0x9d: {  	[timem:s7], [sflag:s22] =	dma.local [hbm:s5], s20  }
0x9e: {  	_ =	swait.ge [sflag:s22], s20  }
0x9f: {  	s4 =	ssub.s32 $0x0, s20;
	[sflag:s22] =	ssyncset.done $0x0  }
0xa0: {  	[sflag:s22] =	ssyncadd.s32 s4;
	_ =	sdelay $0x1  }
0xa1: {  	s23 =	simm.s32 $0x1B8B  }
0xa2: {  	_ =	swait.ge [sflag:s23], $0x1  }
0xa3: {  	[sflag:s23] =	ssyncset.done $0x0  }
0xa4: {  	s25 =	simm.s32 $0x1B8E;
	s24 =	sld [smem:$0x3FFE];
	[sflag:s23] =	ssyncadd.s32 $0xFFFFFFFF  }
0xa5: {  	s26 =	simm.s32 $execute0_lowered;
	[smem:$0x3FD2] =	sst s25  }
0xa6: {  	s5 =	sshll.u32 s26, $0x1;
	_ =	strace $0x80000046;
	[dreg:$0x1] =	wrdreg $0xFFFFFFFF  }
0xa7: {  	s28 =	simm.s32 $_size_execute0_lowered;
	s3 =	sadd.s32 s3, s5;
	[dreg:$0x0] =	wrdreg $0x0  }
0xa8: {  	s5 =	sshll.u32 s28, $0x1;
	[dreg:$0x2] =	wrdreg s3  }
0xa9: {  	[dreg:$0x3] =	wrdreg s5  }
0xaa: {  	[dreg:$0x4] =	wrdreg $0xC0  }
0xab: {  	_ =	task [dreg:s7], $0x5FFFF  }
0xac: {  	[dreg:$0x1] =	wrdreg $0xFFFFFFFF  }
0xad: {  	[dreg:$0x0] =	wrdreg $0x60  }
0xae: {  	[dreg:$0x2] =	wrdreg s24  }
0xaf: {  	[dreg:$0x3] =	wrdreg s2  }
0xb0: {  	[dreg:$0x4] =	wrdreg $0x9  }
0xb1: {  	_ =	task.clear_ibuf [dreg:s7], $0x5FFFF;
	_ =	strace $0x90000046  }
0xb2: {  	s29 =	simm.s32 $0x9;
	_ =	strace $0x80000048  }
0xb3: {  	_ =	swait.ge [sflag:s29], $0x1  }
0xb4: {  	[sflag:s29] =	ssyncadd.s32 $0xFFFFFFFF  }
0xb5: {  	_ =	strace $0x90000048  }
0xb6: {  	_ =	sfence  }
0xb7: {  	s30 =	sld [smem:$0x0];
	_ =	sdelay $0x2  }
0xb8: {  	s31 =	sshll.u32 s1, $0xD;
	s1 =	sshrl.u32 s1, $0x2  }
0xb9: {  	s3 =	sand.u32 $0x4000, s31;
	s1 =	sadd.s32 s1, s30  }
0xba: {  	s0 =	sor.u32 s3, s0;
	s1 =	sshll.u32 s1, $0x11  }
0xbb: {  	s0 =	sor.u32 s1, s0  }
0xbc: {  	s0 =	sadd.s32 $0x8F2B, s0  }
0xbd: {  	[sflag:s0] =	ssyncadd.remote.s32 $0x1  }
0xbe: {  	_ =	sfence.sel $0xFFFF  }
0xbf: {  	[dreg:$0x0] =	wrdreg $0xFFFFFFFF;
	(pc) =	sbr.abs _section_cstart, $3  }
0xc0: {  	[dreg:$0x1] =	wrdreg $0xFFFFFFFF  }
0xc1: {  	_ =	task.clear_ibuf [dreg:s7], $0x2FFFF;
	_ =	strace $0x9FFFFFFF  }
0xc2: {  	(tm) =	ssettm $0x7FFFFFFF  }
0xc3: {  	_ =	shalt  }
tec
execute0_lowered:
.L_overlay_start_1:
0x0: {  	(tag) =	ssettag $0x1  }
0x1: {  	s7 =	rddreg [dreg:$0x0]  }
0x2: {  	s2 =	rddreg [dreg:$0x1]  }
0x3: {  	s0 =	rddreg [dreg:$0x2]  }
0x4: {  	s1 =	srdreg.scid;
	_ =	strace $0x80000047;
	s4 =	simm.s32 $0x1  }
0x5: {  	s9 =	simm.s32 $0x3;
	s12 =	simm.s32 $0x0;
	s5 =	sshll.u32 s1, $0x4  }
.Ltmp0:
0x6: {  	s1 =	stileid.u32;
	s5 =	sand.u32 $0x10, s5;
	(pc) =	sbr.rel .LBB2_1-.Ltmp0, $4  }
0x7: {  	s10 =	simm.s32 $0x0;
	s3 =	sadd.s32 $0x9800, s7;
	s6 =	sor.u32 s1, s5  }
0x8: {  	[sflag:s4] =	ssyncpa.u1 $0x0;
	s5 =	simm.s32 $0x2;
	s6 =	sshll.u32 s6, $0x6  }
0x9: {  	s7 =	sadd.s32 $0x2E800, s7;
	[sflag:s5] =	ssyncpa.u1 $0x0;
	s8 =	sadd.s32 $0x40, s6  }
0xa: {  	vm0 =	vmmov $0xff;
	vm1 =	vcmask $0x3F20;
	[sflag:s9] =	ssyncpa.u1 $0x0;
	s9 =	simm.s32 $0x40;
	s11 =	smov.u32 s6  }
.LBB2_9:
0xb: {  	p0 =	seq.s32 s10, $0x2  }
.Ltmp1:
0xc: {  	_ = 	snop;
	(pc) =	sbr.rel @p0 .LBB2_11-.Ltmp1, $1  }
0xd: {  	_ =	sdelay $0x3  }
.LBB2_10:
0xe: {  	s12 =	sadd.s32 $0x40, s11  }
0xf: {  	s13 =	smov.u32 s6;
	p0 =	slt.s32 s12, s8  }
0x10: {  	s13 =	smov.u32 @p0 s12  }
0x11: {  	s10 =	sadd.s32 $0x1, s10;
	s12 =	smov.u32 s11;
	s11 =	smov.u32 s13  }
.LBB2_1:
0x12: {  	p0 =	sne.s32 s10, $0x0  }
.Ltmp2:
0x13: {  	_ = 	snop;
	(pc) =	sbr.rel @!p0 .LBB2_2-.Ltmp2, $1  }
0x14: {  	_ =	sdelay $0x3  }
0x15: {  	s13 =	sand.u32 $0x1, s10  }
0x16: {  	p0 =	seq.s32 s13, $0x0  }
.Ltmp3:
0x17: {  	_ = 	snop;
	(pc) =	sbr.rel @p0 .LBB2_9-.Ltmp3, $1  }
0x18: {  	_ =	sdelay $0x3  }
0x19: {  	_ =	swait.ge [sflag:s5], $0x40  }
0x1a: {  	[sflag:s5] =	ssyncset.done $0x0  }
0x1b: {  	s13 =	simm.s32 $0x0;
	[sflag:s5] =	ssyncadd.s32 $0xFFFFFFC0  }
0x1c: {  	v0 =	vld.msk [tilespmem:s13+$0x40 ss:$0x1], $0xffff;
	_ =	sdelay $0x4  }
0x1d: {  	vm2 =	vgt.s32 v0, $0x0  }
0x1e: {  	v0 =	vnsel vm2, $0x0, v0  }
0x1f: {  	v0 =	vmin.u32 v0, $0xFFF  }
0x20: {  	v0 =	vshll.u32 v0, $0x4;
	_ =	sdelay $0x3  }
0x21: {  	s13 =	simm.s32 $0x2080  }
0x22: {  	[tilespmem:s13], [sflag:$0x1] =	stream.indirect_vreg.gather [hbm:s3], $0x80, v0, vm0, $0x38;
	[tilespmem:$0x4080] =	vst v63  }
0x23: {  	s14 =	simm.s32 $0x2480;
	s31 =	simm.s32 $0x10  }
0x24: {  	[tilespmem:s14], [sflag:$0x1] =	stream.indirect_vreg.gather [hbm:s3], $0x80, v0, vm1, $0x38;
	[tilespmem:$0x4080] =	vst v63  }
0x25: {  	s14 =	simm.s32 $0x80;
	v0 =	vld.msk [tilespmem:s31+$0x40 ss:$0x1], $0xffff  }
.LBB2_5:
0x26: {  	p0 =	sne.s32 s14, $0xC0;
	_ =	sdelay $0x4  }
0x27: {  	vm2 =	vgt.s32 v0, $0x0  }
0x28: {  	v0 =	vnsel vm2, $0x0, v0  }
0x29: {  	v0 =	vmin.u32 v0, $0xFFF  }
0x2a: {  	v0 =	vshll.u32 v0, $0x4;
	_ =	sdelay $0x3  }
.Ltmp4:
0x2b: {  	s13 =	sadd.s32 $0x800, s13;
	(pc) =	sbr.rel @p0 .LBB2_5-.Ltmp4, $4  }
0x2c: {  	[tilespmem:s13], [sflag:$0x1] =	stream.indirect_vreg.gather [hbm:s3], $0x80, v0, vm0, $0x38;
	[tilespmem:$0x4080] =	vst v63  }
0x2d: {  	s15 =	sshra.s32 s14, $0x2;
	s16 =	sadd.s32 $0x400, s13  }
0x2e: {  	[tilespmem:s16], [sflag:$0x1] =	stream.indirect_vreg.gather [hbm:s3], $0x80, v0, vm1, $0x38;
	[tilespmem:$0x4080] =	vst v63  }
0x2f: {  	s14 =	sadd.s32 $0x40, s14;
	v0 =	vld.msk [tilespmem:s15+$0x40 ss:$0x1], $0xffff  }
0x30: {  	_ =	sdelay $0x3  }
0x31: {  	vm2 =	vgt.s32 v0, $0x0  }
0x32: {  	v0 =	vnsel vm2, $0x0, v0  }
0x33: {  	v0 =	vmin.u32 v0, $0xFFF  }
0x34: {  	v0 =	vshll.u32 v0, $0x4;
	_ =	sdelay $0x3  }
0x35: {  	s13 =	sadd.s32 $0x800, s13  }
0x36: {  	[tilespmem:s13], [sflag:$0x1] =	stream.indirect_vreg.gather [hbm:s3], $0x80, v0, vm0, $0x38;
	[tilespmem:$0x4080] =	vst v63  }
0x37: {  	s13 =	sadd.s32 $0x400, s13  }
0x38: {  	[tilespmem:s13], [sflag:$0x1] =	stream.indirect_vreg.gather [hbm:s3], $0x80, v0, vm1, $0x38;
	[tilespmem:$0x4080] =	vst v63  }
0x39: {  	s12 =	sshll.u32 s12, $0x4;
	s14 =	simm.s32 $0x80;
	_ =	swait.ge [sflag:s4], $0x2000  }
0x3a: {  	s15 =	simm.s32 $0x2480;
	s12 =	sadd.s32 s12, s7;
	[sflag:s4] =	ssyncset.done $0x0  }
0x3b: {  	s16 =	sadd.s32 $0x0, s12;
	s13 =	simm.s32 $0x2080;
	[sflag:s4] =	ssyncadd.s32 $0xFFFFE000  }
.LBB2_7:
0x3c: {  	[hbm:s16] =	stream.linear.scatter [tilespmem:s13], [sflag:$0x3], $0x400, $0x38;
	[tilespmem:$0x4080] =	vst v63  }
0x3d: {  	s16 =	smov.u32 s14;
	s13 =	smov.u32 s15;
	p0 =	sne.s32 s14, $0x380  }
.Ltmp5:
0x3e: {  	s14 =	sadd.s32 $0x80, s14;
	(pc) =	sbr.rel @p0 .LBB2_7-.Ltmp5, $2  }
0x3f: {  	_ =	sdelay $0x2  }
0x40: {  	s15 =	sadd.s32 $0x400, s15;
	s16 =	sadd.s32 s16, s12  }
.Ltmp6:
0x41: {  	(pc) =	sbr.rel .LBB2_9-.Ltmp6, $2  }
0x42: {  	_ =	sdelay $0x2  }
0x43: {  	[hbm:s16] =	stream.linear.scatter [tilespmem:s13], [sflag:$0x3], $0x400, $0x38;
	[tilespmem:$0x4080] =	vst v63  }
.LBB2_2:
.Ltmp7:
0x44: {  	(pc) =	sbr.rel .LBB2_10-.Ltmp7, $4  }
0x45: {  	_ = 	snop  }
0x46: {  	s12 =	sshrl.u32 s11, $0x3  }
0x47: {  	s13 =	sand.u32 $0x7, s11;
	s12 =	sadd.s32 s2, s12  }
0x48: {  	[tilespmem:s9], [sflag:$0x2] =	stream.linear.gather [hbm4b:s12+s13], $0x40, $0x38;
	[tilespmem:$0x4080] =	vst v63  }
.LBB2_11:
0x49: {  	s2 =	simm.s32 $0x3  }
0x4a: {  	_ =	swait.ge [sflag:s2], $0x2000  }
0x4b: {  	[sflag:s2] =	ssyncset.done $0x0  }
0x4c: {  	[sflag:s2] =	ssyncadd.s32 $0xFFFFE000  }
0x4d: {  	_ =	sfence.sel $0x180000  }
0x4e: {  	s3 =	simm.s32 $0x2;
	[bflag:$0x0] =	sbarrier.arrive $0xFFFF  }
0x4f: {  	[sflag:s3] =	ssyncpa.u1 $0x1  }
0x50: {  	s31 =	simm.s32 $0x1;
	[sflag:s2] =	ssyncpa.u1 $0x1  }
0x51: {  	[sflag:s31] =	ssyncpa.u1 $0x1  }
0x52: {  	p0 =	sne.s32 s1, $0x0;
	_ =	strace $0x90000047  }
0x53: {  	s0 =	sadd.s32 @!p0 $0x100000, s0;
	[bflag:$0x2] =	sbarrier.arrive $0xFFFF  }
0x54: {  	[sflag:s0] =	ssyncadd.tile.s32 @!p0 $0x1;
	_ =	shalt  }
.Lfunc_end2:
_tile_overlayer_lowered:
.L_overlay_start_2:
0x55: {  	(tag) =	ssettag $0x2  }
0x56: {  	s0 =	rddreg [dreg:$0x0];
	s2 =	stileid.u32  }
0x57: {  	s1 =	rddreg [dreg:$0x1];
	p0 =	sne.s32 s2, $0x0  }
0x58: {  	s3 =	rddreg [dreg:$0x2];
	[bflag:$0x3] =	sbarrier.arrive $0xFFFF;
	s2 =	simm.s32 @!p0 $0x1C01  }
0x59: {  	[timem:s3], [sflag:s2] =	dma.local @!p0 [hbm:s0], s1  }
0x5a: {  	s0 =	simm.s32 @!p0 $0x1  }
0x5b: {  	_ =	swait.ge @!p0 [sflag:s0], s1  }
0x5c: {  	s1 =	ssub.s32 @!p0 $0x0, s1;
	[sflag:s0] =	ssyncset.done @!p0 $0x0  }
0x5d: {  	[sflag:s0] =	ssyncadd.s32 @!p0 s1  }
0x5e: {  	[bflag:$0x3] =	sbarrier.arrive $0xFFFF  }
0x5f: {  	_ =	shalt  }

</sc_bundles>
